<compile_context>
chip_gen: v7x
topology: tpu7x:2x2x1
jax: 0.10.2.dev20260603
libtpu: 0.0.44.dev20260713+nightly
codegen_flags: <defaults>
</compile_context>

<pallas_src>
import functools
import jax
import jax.numpy as jnp
from jax import lax
from jax.experimental import pallas as pl
from jax.experimental.pallas import tpu as pltpu
from jax.experimental.pallas import tpu_sc as plsc

VOCAB = 1000
VPAD = 1024
NBLK = VPAD // 128
NC, NS = 2, 16
NW = NC * NS
CHUNK = 32


def _body(n_chunks, idx_hbm, table_hbm, out_hbm,
          idx_v, ic0, ic1, buf0, buf1, gs0, gs1, ss0, ss1):
    wid = lax.axis_index("s") * NC + lax.axis_index("c")
    pltpu.sync_copy(idx_hbm.at[wid], idx_v)
    base = wid * (n_chunks * CHUNK)

    def compute_idx(c, ic):
        for k in range(CHUNK // 16):
            v = idx_v[pl.ds(c * CHUNK + 16 * k, 16)] * 8
            for C in range(NBLK):
                ic[pl.ds(C * CHUNK + 16 * k, 16)] = v + C

    def g_descs(ic, buf, sem):
        return [(table_hbm.at[ic.at[pl.ds(C * CHUNK, CHUNK)]],
                 buf.at[:, pl.ds(128 * C, 128)], sem)
                for C in range(NBLK)]

    def g_start(ic, buf, sem):
        for s, d, sm in g_descs(ic, buf, sem):
            pltpu.async_copy(s, d, sm)

    def g_wait(ic, buf, sem):
        for s, d, sm in g_descs(ic, buf, sem):
            pltpu.make_async_copy(s, d, sm).wait()

    def out_slice(c):
        return out_hbm.at[pl.ds(base + c * CHUNK, CHUNK)]

    def s_start(c, buf, sem):
        pltpu.async_copy(buf, out_slice(c), sem)

    def s_wait(c, buf, sem):
        pltpu.make_async_copy(buf, out_slice(c), sem).wait()

    compute_idx(0, ic0)
    g_start(ic0, buf0, gs0)
    compute_idx(1, ic1)
    g_start(ic1, buf1, gs1)

    def it(i, carry):
        c0 = 2 * i
        c1 = c0 + 1
        g_wait(ic0, buf0, gs0)
        s_start(c0, buf0, ss0)
        g_wait(ic1, buf1, gs1)
        s_start(c1, buf1, ss1)
        s_wait(c0, buf0, ss0)
        compute_idx(c0 + 2, ic0)
        g_start(ic0, buf0, gs0)
        s_wait(c1, buf1, ss1)
        compute_idx(c1 + 2, ic1)
        g_start(ic1, buf1, gs1)
        return carry

    lax.fori_loop(0, n_chunks // 2 - 1, it, 0)

    c0 = n_chunks - 2
    c1 = n_chunks - 1
    g_wait(ic0, buf0, gs0)
    s_start(c0, buf0, ss0)
    g_wait(ic1, buf1, gs1)
    s_start(c1, buf1, ss1)
    s_wait(c0, buf0, ss0)
    s_wait(c1, buf1, ss1)


def kernel(context, table):
    b, t = context.shape
    n = b * t
    assert n % (NW * CHUNK) == 0
    n_chunks = n // (NW * CHUNK)
    assert n_chunks % 2 == 0
    idx = context.reshape(NW, n_chunks * CHUNK).astype(jnp.int32)
    table_r = jnp.pad(table, ((0, 0), (0, VPAD - VOCAB))).reshape(VOCAB * NBLK, 128)

    mesh = plsc.VectorSubcoreMesh(core_axis_name="c", subcore_axis_name="s")
    run = pl.kernel(
        functools.partial(_body, n_chunks),
        out_type=jax.ShapeDtypeStruct((n, VPAD), jnp.float32),
        mesh=mesh,
        scratch_types=[
            pltpu.VMEM((n_chunks * CHUNK,), jnp.int32),
            pltpu.VMEM((NBLK * CHUNK,), jnp.int32),
            pltpu.VMEM((NBLK * CHUNK,), jnp.int32),
            pltpu.VMEM((CHUNK, VPAD), jnp.float32),
            pltpu.VMEM((CHUNK, VPAD), jnp.float32),
            pltpu.SemaphoreType.DMA,
            pltpu.SemaphoreType.DMA,
            pltpu.SemaphoreType.DMA,
            pltpu.SemaphoreType.DMA,
        ],
    )
    out = run(idx, table_r)
    return out[:, :VOCAB].reshape(b, t, VOCAB)

# --- scband reference (transcript-rebuilt; emitter-appended) ---
"""Pipeline reference for scband-bigram-model-18081812316921 (READ-ONLY COPY).

The authoritative reference and input builder live on the scoring server;
editing this copy changes nothing except your own understanding.
"""

import jax, jax.numpy as jnp
import numpy as np

VOCAB = 1000
B, T = 1024, 200

def setup_inputs(seed: int = 0) -> dict:
    key = jax.random.key(seed)
    k1, k2 = jax.random.split(key)
    context = jax.random.randint(k1, (B, T), 0, VOCAB, dtype=jnp.int64 if jax.config.jax_enable_x64 else jnp.int32)
    # learned parameter: token embedding table [vocab_size, vocab_size]
    table = jax.random.normal(k2, (VOCAB, VOCAB), dtype=jnp.float32)
    return {"context": context, "table": table}

def reference(context, table):
    # BigramModel.forward with target=None: logits = Embedding(context); loss = None
    logits = jnp.take(table, context, axis=0)  # [B, T, vocab]
    return logits

if __name__ == "__main__":
    import jax
    _d = setup_inputs()
    print(jax.jit(kernel)(*tuple(_d.values())))

</pallas_src>

<mosaic_0001>
#map = affine_map<(d0, d1) -> (0, 0)>
module attributes {stable_mosaic.version = 14 : i64} {
  func.func @_body(%arg0: i32, %arg1: i32, %arg2: memref<32x6400xi32, #tpu.memory_space<hbm>>, %arg3: memref<8000x128xf32, #tpu.memory_space<hbm>>, %arg4: memref<204800x1024xf32, #tpu.memory_space<hbm>>, %arg5: memref<6400xi32, #tpu.memory_space<vmem>>, %arg6: memref<256xi32, #tpu.memory_space<vmem>>, %arg7: memref<256xi32, #tpu.memory_space<vmem>>, %arg8: memref<32x1024xf32, #tpu.memory_space<vmem>>, %arg9: memref<32x1024xf32, #tpu.memory_space<vmem>>, %arg10: memref<!tpu.dma_semaphore, #tpu.memory_space<semaphore_mem>>, %arg11: memref<!tpu.dma_semaphore, #tpu.memory_space<semaphore_mem>>, %arg12: memref<!tpu.dma_semaphore, #tpu.memory_space<semaphore_mem>>, %arg13: memref<!tpu.dma_semaphore, #tpu.memory_space<semaphore_mem>>) attributes {dimension_semantics = [#tpu.dimension_semantics<core_parallel>, #tpu.dimension_semantics<subcore_parallel>], iteration_bounds = array<i64: 2, 16>, scalar_prefetch = 0 : i64, scratch_operands = 9 : i64, tpu.core_type = #tpu.core_type<sc_vector_subcore>, window_params = [{transform_indices = #map}, {transform_indices = #map}, {transform_indices = #map}]} {
    %mul3A = arith.constant 2 : i32
    %mul3A_0 = arith.muli %arg1, %mul3A : i32
    %add3A = arith.addi %mul3A_0, %arg0 : i32
    "tpu.region"() ({
      %run_scoped3A = tpu.sem_alloc : memref<!tpu.dma_semaphore, #tpu.memory_space<semaphore_mem>>
      %dma_start3A_532 = arith.constant 0 : i32
      %dma_start3A_533 = tpu.memref_slice %arg2[%add3A, %dma_start3A_532] : memref<32x6400xi32, #tpu.memory_space<hbm>> -> memref<1x6400xi32, #tpu.memory_space<hbm>>
      %dma_start3A_534 = tpu.memref_squeeze %dma_start3A_533 : memref<1x6400xi32, #tpu.memory_space<hbm>> -> memref<6400xi32, #tpu.memory_space<hbm>>
      %dma_start3A_535 = arith.constant 0 : i32
      %dma_start3A_536 = tpu.memref_slice %arg2[%add3A, %dma_start3A_535] : memref<32x6400xi32, #tpu.memory_space<hbm>> -> memref<1x6400xi32, #tpu.memory_space<hbm>>
      %dma_start3A_537 = tpu.memref_squeeze %dma_start3A_536 : memref<1x6400xi32, #tpu.memory_space<hbm>> -> memref<6400xi32, #tpu.memory_space<hbm>>
      tpu.enqueue_dma source(%dma_start3A_537 : memref<6400xi32, #tpu.memory_space<hbm>>) target(%arg5 : memref<6400xi32, #tpu.memory_space<vmem>>) target_semaphore(%run_scoped3A : memref<!tpu.dma_semaphore, #tpu.memory_space<semaphore_mem>>)
      %dma_wait3A_538 = arith.constant 0 : i32
      %dma_wait3A_539 = tpu.memref_slice %arg2[%add3A, %dma_wait3A_538] : memref<32x6400xi32, #tpu.memory_space<hbm>> -> memref<1x6400xi32, #tpu.memory_space<hbm>>
      %dma_wait3A_540 = tpu.memref_squeeze %dma_wait3A_539 : memref<1x6400xi32, #tpu.memory_space<hbm>> -> memref<6400xi32, #tpu.memory_space<hbm>>
      %dma_wait3A_541 = arith.constant 0 : i32
      %dma_wait3A_542 = tpu.memref_slice %arg2[%add3A, %dma_wait3A_541] : memref<32x6400xi32, #tpu.memory_space<hbm>> -> memref<1x6400xi32, #tpu.memory_space<hbm>>
      %dma_wait3A_543 = tpu.memref_squeeze %dma_wait3A_542 : memref<1x6400xi32, #tpu.memory_space<hbm>> -> memref<6400xi32, #tpu.memory_space<hbm>>
      tpu.wait_dma2 semaphore(%run_scoped3A : memref<!tpu.dma_semaphore, #tpu.memory_space<semaphore_mem>>) src(%dma_wait3A_543 : memref<6400xi32, #tpu.memory_space<hbm>>) dst(%arg5 : memref<6400xi32, #tpu.memory_space<vmem>>)
      tpu.yield
    }) : () -> ()
    %mul3A_1 = arith.constant 6400 : i32
    %mul3A_2 = arith.muli %add3A, %mul3A_1 : i32
    %get3A = arith.constant 0 : index
    %get3A_3 = tpu.vector_load %arg5[%get3A] {strides = array<i32>} : memref<6400xi32, #tpu.memory_space<vmem>>, vector<16xi32>,
    %get3A_4 = vector.shape_cast %get3A_3 : vector<16xi32> to vector<16xi32>
    %mul3A_5 = arith.constant 8 : i32
    %mul3A_6 = vector.broadcast %mul3A_5 : i32 to vector<16xi32>
    %mul3A_7 = arith.muli %get3A_4, %mul3A_6 : vector<16xi32>
    %add3A_8 = arith.constant 0 : i32
    %add3A_9 = vector.broadcast %add3A_8 : i32 to vector<16xi32>
    %add3A_10 = arith.addi %mul3A_7, %add3A_9 : vector<16xi32>
    %swap3A = arith.constant 0 : index
    %swap3A_11 = tpu.vector_load %arg6[%swap3A] {strides = array<i32>} : memref<256xi32, #tpu.memory_space<vmem>>, vector<16xi32>,
    %swap3A_12 = vector.shape_cast %swap3A_11 : vector<16xi32> to vector<16xi32>
    %swap3A_13 = vector.shape_cast %add3A_10 : vector<16xi32> to vector<16xi32>
    tpu.vector_store %arg6[%swap3A], %swap3A_13 {strides = array<i32>} : memref<256xi32, #tpu.memory_space<vmem>>, vector<16xi32>,
    %add3A_14 = arith.constant 1 : i32
    %add3A_15 = vector.broadcast %add3A_14 : i32 to vector<16xi32>
    %add3A_16 = arith.addi %mul3A_7, %add3A_15 : vector<16xi32>
    %swap3A_17 = arith.constant 32 : index
    %swap3A_18 = tpu.vector_load %arg6[%swap3A_17] {strides = array<i32>} : memref<256xi32, #tpu.memory_space<vmem>>, vector<16xi32>,
    %swap3A_19 = vector.shape_cast %swap3A_18 : vector<16xi32> to vector<16xi32>
    %swap3A_20 = vector.shape_cast %add3A_16 : vector<16xi32> to vector<16xi32>
    tpu.vector_store %arg6[%swap3A_17], %swap3A_20 {strides = array<i32>} : memref<256xi32, #tpu.memory_space<vmem>>, vector<16xi32>,
    %add3A_21 = arith.constant 2 : i32
    %add3A_22 = vector.broadcast %add3A_21 : i32 to vector<16xi32>
    %add3A_23 = arith.addi %mul3A_7, %add3A_22 : vector<16xi32>
    %swap3A_24 = arith.constant 64 : index
    %swap3A_25 = tpu.vector_load %arg6[%swap3A_24] {strides = array<i32>} : memref<256xi32, #tpu.memory_space<vmem>>, vector<16xi32>,
    %swap3A_26 = vector.shape_cast %swap3A_25 : vector<16xi32> to vector<16xi32>
    %swap3A_27 = vector.shape_cast %add3A_23 : vector<16xi32> to vector<16xi32>
    tpu.vector_store %arg6[%swap3A_24], %swap3A_27 {strides = array<i32>} : memref<256xi32, #tpu.memory_space<vmem>>, vector<16xi32>,
    %add3A_28 = arith.constant 3 : i32
    %add3A_29 = vector.broadcast %add3A_28 : i32 to vector<16xi32>
    %add3A_30 = arith.addi %mul3A_7, %add3A_29 : vector<16xi32>
    %swap3A_31 = arith.constant 96 : index
    %swap3A_32 = tpu.vector_load %arg6[%swap3A_31] {strides = array<i32>} : memref<256xi32, #tpu.memory_space<vmem>>, vector<16xi32>,
    %swap3A_33 = vector.shape_cast %swap3A_32 : vector<16xi32> to vector<16xi32>
    %swap3A_34 = vector.shape_cast %add3A_30 : vector<16xi32> to vector<16xi32>
    tpu.vector_store %arg6[%swap3A_31], %swap3A_34 {strides = array<i32>} : memref<256xi32, #tpu.memory_space<vmem>>, vector<16xi32>,
    %add3A_35 = arith.constant 4 : i32
    %add3A_36 = vector.broadcast %add3A_35 : i32 to vector<16xi32>
    %add3A_37 = arith.addi %mul3A_7, %add3A_36 : vector<16xi32>
    %swap3A_38 = arith.constant 128 : index
    %swap3A_39 = tpu.vector_load %arg6[%swap3A_38] {strides = array<i32>} : memref<256xi32, #tpu.memory_space<vmem>>, vector<16xi32>,
    %swap3A_40 = vector.shape_cast %swap3A_39 : vector<16xi32> to vector<16xi32>
    %swap3A_41 = vector.shape_cast %add3A_37 : vector<16xi32> to vector<16xi32>
    tpu.vector_store %arg6[%swap3A_38], %swap3A_41 {strides = array<i32>} : memref<256xi32, #tpu.memory_space<vmem>>, vector<16xi32>,
    %add3A_42 = arith.constant 5 : i32
    %add3A_43 = vector.broadcast %add3A_42 : i32 to vector<16xi32>
    %add3A_44 = arith.addi %mul3A_7, %add3A_43 : vector<16xi32>
    %swap3A_45 = arith.constant 160 : index
    %swap3A_46 = tpu.vector_load %arg6[%swap3A_45] {strides = array<i32>} : memref<256xi32, #tpu.memory_space<vmem>>, vector<16xi32>,
    %swap3A_47 = vector.shape_cast %swap3A_46 : vector<16xi32> to vector<16xi32>
    %swap3A_48 = vector.shape_cast %add3A_44 : vector<16xi32> to vector<16xi32>
    tpu.vector_store %arg6[%swap3A_45], %swap3A_48 {strides = array<i32>} : memref<256xi32, #tpu.memory_space<vmem>>, vector<16xi32>,
    %add3A_49 = arith.constant 6 : i32
    %add3A_50 = vector.broadcast %add3A_49 : i32 to vector<16xi32>
    %add3A_51 = arith.addi %mul3A_7, %add3A_50 : vector<16xi32>
    %swap3A_52 = arith.constant 192 : index
    %swap3A_53 = tpu.vector_load %arg6[%swap3A_52] {strides = array<i32>} : memref<256xi32, #tpu.memory_space<vmem>>, vector<16xi32>,
    %swap3A_54 = vector.shape_cast %swap3A_53 : vector<16xi32> to vector<16xi32>
    %swap3A_55 = vector.shape_cast %add3A_51 : vector<16xi32> to vector<16xi32>
    tpu.vector_store %arg6[%swap3A_52], %swap3A_55 {strides = array<i32>} : memref<256xi32, #tpu.memory_space<vmem>>, vector<16xi32>,
    %add3A_56 = arith.constant 7 : i32
    %add3A_57 = vector.broadcast %add3A_56 : i32 to vector<16xi32>
    %add3A_58 = arith.addi %mul3A_7, %add3A_57 : vector<16xi32>
    %swap3A_59 = arith.constant 224 : index
    %swap3A_60 = tpu.vector_load %arg6[%swap3A_59] {strides = array<i32>} : memref<256xi32, #tpu.memory_space<vmem>>, vector<16xi32>,
    %swap3A_61 = vector.shape_cast %swap3A_60 : vector<16xi32> to vector<16xi32>
    %swap3A_62 = vector.shape_cast %add3A_58 : vector<16xi32> to vector<16xi32>
    tpu.vector_store %arg6[%swap3A_59], %swap3A_62 {strides = array<i32>} : memref<256xi32, #tpu.memory_space<vmem>>, vector<16xi32>,
    %get3A_63 = arith.constant 16 : index
    %get3A_64 = tpu.vector_load %arg5[%get3A_63] {strides = array<i32>} : memref<6400xi32, #tpu.memory_space<vmem>>, vector<16xi32>,
    %get3A_65 = vector.shape_cast %get3A_64 : vector<16xi32> to vector<16xi32>
    %mul3A_66 = arith.constant 8 : i32
    %mul3A_67 = vector.broadcast %mul3A_66 : i32 to vector<16xi32>
    %mul3A_68 = arith.muli %get3A_65, %mul3A_67 : vector<16xi32>
    %add3A_69 = arith.constant 0 : i32
    %add3A_70 = vector.broadcast %add3A_69 : i32 to vector<16xi32>
    %add3A_71 = arith.addi %mul3A_68, %add3A_70 : vector<16xi32>
    %swap3A_72 = arith.constant 16 : index
    %swap3A_73 = tpu.vector_load %arg6[%swap3A_72] {strides = array<i32>} : memref<256xi32, #tpu.memory_space<vmem>>, vector<16xi32>,
    %swap3A_74 = vector.shape_cast %swap3A_73 : vector<16xi32> to vector<16xi32>
    %swap3A_75 = vector.shape_cast %add3A_71 : vector<16xi32> to vector<16xi32>
    tpu.vector_store %arg6[%swap3A_72], %swap3A_75 {strides = array<i32>} : memref<256xi32, #tpu.memory_space<vmem>>, vector<16xi32>,
    %add3A_76 = arith.constant 1 : i32
    %add3A_77 = vector.broadcast %add3A_76 : i32 to vector<16xi32>
    %add3A_78 = arith.addi %mul3A_68, %add3A_77 : vector<16xi32>
    %swap3A_79 = arith.constant 48 : index
    %swap3A_80 = tpu.vector_load %arg6[%swap3A_79] {strides = array<i32>} : memref<256xi32, #tpu.memory_space<vmem>>, vector<16xi32>,
    %swap3A_81 = vector.shape_cast %swap3A_80 : vector<16xi32> to vector<16xi32>
    %swap3A_82 = vector.shape_cast %add3A_78 : vector<16xi32> to vector<16xi32>
    tpu.vector_store %arg6[%swap3A_79], %swap3A_82 {strides = array<i32>} : memref<256xi32, #tpu.memory_space<vmem>>, vector<16xi32>,
    %add3A_83 = arith.constant 2 : i32
    %add3A_84 = vector.broadcast %add3A_83 : i32 to vector<16xi32>
    %add3A_85 = arith.addi %mul3A_68, %add3A_84 : vector<16xi32>
    %swap3A_86 = arith.constant 80 : index
    %swap3A_87 = tpu.vector_load %arg6[%swap3A_86] {strides = array<i32>} : memref<256xi32, #tpu.memory_space<vmem>>, vector<16xi32>,
    %swap3A_88 = vector.shape_cast %swap3A_87 : vector<16xi32> to vector<16xi32>
    %swap3A_89 = vector.shape_cast %add3A_85 : vector<16xi32> to vector<16xi32>
    tpu.vector_store %arg6[%swap3A_86], %swap3A_89 {strides = array<i32>} : memref<256xi32, #tpu.memory_space<vmem>>, vector<16xi32>,
    %add3A_90 = arith.constant 3 : i32
    %add3A_91 = vector.broadcast %add3A_90 : i32 to vector<16xi32>
    %add3A_92 = arith.addi %mul3A_68, %add3A_91 : vector<16xi32>
    %swap3A_93 = arith.constant 112 : index
    %swap3A_94 = tpu.vector_load %arg6[%swap3A_93] {strides = array<i32>} : memref<256xi32, #tpu.memory_space<vmem>>, vector<16xi32>,
    %swap3A_95 = vector.shape_cast %swap3A_94 : vector<16xi32> to vector<16xi32>
    %swap3A_96 = vector.shape_cast %add3A_92 : vector<16xi32> to vector<16xi32>
    tpu.vector_store %arg6[%swap3A_93], %swap3A_96 {strides = array<i32>} : memref<256xi32, #tpu.memory_space<vmem>>, vector<16xi32>,
    %add3A_97 = arith.constant 4 : i32
    %add3A_98 = vector.broadcast %add3A_97 : i32 to vector<16xi32>
    %add3A_99 = arith.addi %mul3A_68, %add3A_98 : vector<16xi32>
    %swap3A_100 = arith.constant 144 : index
    %swap3A_101 = tpu.vector_load %arg6[%swap3A_100] {strides = array<i32>} : memref<256xi32, #tpu.memory_space<vmem>>, vector<16xi32>,
    %swap3A_102 = vector.shape_cast %swap3A_101 : vector<16xi32> to vector<16xi32>
    %swap3A_103 = vector.shape_cast %add3A_99 : vector<16xi32> to vector<16xi32>
    tpu.vector_store %arg6[%swap3A_100], %swap3A_103 {strides = array<i32>} : memref<256xi32, #tpu.memory_space<vmem>>, vector<16xi32>,
    %add3A_104 = arith.constant 5 : i32
    %add3A_105 = vector.broadcast %add3A_104 : i32 to vector<16xi32>
    %add3A_106 = arith.addi %mul3A_68, %add3A_105 : vector<16xi32>
    %swap3A_107 = arith.constant 176 : index
    %swap3A_108 = tpu.vector_load %arg6[%swap3A_107] {strides = array<i32>} : memref<256xi32, #tpu.memory_space<vmem>>, vector<16xi32>,
    %swap3A_109 = vector.shape_cast %swap3A_108 : vector<16xi32> to vector<16xi32>
    %swap3A_110 = vector.shape_cast %add3A_106 : vector<16xi32> to vector<16xi32>
    tpu.vector_store %arg6[%swap3A_107], %swap3A_110 {strides = array<i32>} : memref<256xi32, #tpu.memory_space<vmem>>, vector<16xi32>,
    %add3A_111 = arith.constant 6 : i32
    %add3A_112 = vector.broadcast %add3A_111 : i32 to vector<16xi32>
    %add3A_113 = arith.addi %mul3A_68, %add3A_112 : vector<16xi32>
    %swap3A_114 = arith.constant 208 : index
    %swap3A_115 = tpu.vector_load %arg6[%swap3A_114] {strides = array<i32>} : memref<256xi32, #tpu.memory_space<vmem>>, vector<16xi32>,
    %swap3A_116 = vector.shape_cast %swap3A_115 : vector<16xi32> to vector<16xi32>
    %swap3A_117 = vector.shape_cast %add3A_113 : vector<16xi32> to vector<16xi32>
    tpu.vector_store %arg6[%swap3A_114], %swap3A_117 {strides = array<i32>} : memref<256xi32, #tpu.memory_space<vmem>>, vector<16xi32>,
    %add3A_118 = arith.constant 7 : i32
    %add3A_119 = vector.broadcast %add3A_118 : i32 to vector<16xi32>
    %add3A_120 = arith.addi %mul3A_68, %add3A_119 : vector<16xi32>
    %swap3A_121 = arith.constant 240 : index
    %swap3A_122 = tpu.vector_load %arg6[%swap3A_121] {strides = array<i32>} : memref<256xi32, #tpu.memory_space<vmem>>, vector<16xi32>,
    %swap3A_123 = vector.shape_cast %swap3A_122 : vector<16xi32> to vector<16xi32>
    %swap3A_124 = vector.shape_cast %add3A_120 : vector<16xi32> to vector<16xi32>
    tpu.vector_store %arg6[%swap3A_121], %swap3A_124 {strides = array<i32>} : memref<256xi32, #tpu.memory_space<vmem>>, vector<16xi32>,
    %dma_start3A = arith.constant 0 : i32
    %dma_start3A_125 = arith.constant 0 : i32
    %dma_start3A_126 = tpu.memref_slice %arg8[%dma_start3A, %dma_start3A_125] : memref<32x1024xf32, #tpu.memory_space<vmem>> -> memref<32x128xf32, #tpu.memory_space<vmem>>
    %dma_start3A_127 = arith.constant 0 : i32
    %dma_start3A_128 = tpu.memref_slice %arg6[%dma_start3A_127] : memref<256xi32, #tpu.memory_space<vmem>> -> memref<32xi32, #tpu.memory_space<vmem>>
    %dma_start3A_129 = arith.constant 0 : i32
    %dma_start3A_130 = arith.constant 0 : i32
    %dma_start3A_131 = tpu.memref_slice %arg3[%dma_start3A_129, %dma_start3A_130] : memref<8000x128xf32, #tpu.memory_space<hbm>> -> memref<8000x128xf32, #tpu.memory_space<hbm>>
    tpu.enqueue_indirect_dma source(%dma_start3A_131 : memref<8000x128xf32, #tpu.memory_space<hbm>>) target(%dma_start3A_126 : memref<32x128xf32, #tpu.memory_space<vmem>>) offsets(%dma_start3A_128 : memref<32xi32, #tpu.memory_space<vmem>>) semaphore(%arg10 : memref<!tpu.dma_semaphore, #tpu.memory_space<semaphore_mem>>)
    %dma_start3A_132 = arith.constant 0 : i32
    %dma_start3A_133 = arith.constant 128 : i32
    %dma_start3A_134 = tpu.memref_slice %arg8[%dma_start3A_132, %dma_start3A_133] : memref<32x1024xf32, #tpu.memory_space<vmem>> -> memref<32x128xf32, #tpu.memory_space<vmem>>
    %dma_start3A_135 = arith.constant 32 : i32
    %dma_start3A_136 = tpu.memref_slice %arg6[%dma_start3A_135] : memref<256xi32, #tpu.memory_space<vmem>> -> memref<32xi32, #tpu.memory_space<vmem>>
    %dma_start3A_137 = arith.constant 0 : i32
    %dma_start3A_138 = arith.constant 0 : i32
    %dma_start3A_139 = tpu.memref_slice %arg3[%dma_start3A_137, %dma_start3A_138] : memref<8000x128xf32, #tpu.memory_space<hbm>> -> memref<8000x128xf32, #tpu.memory_space<hbm>>
    tpu.enqueue_indirect_dma source(%dma_start3A_139 : memref<8000x128xf32, #tpu.memory_space<hbm>>) target(%dma_start3A_134 : memref<32x128xf32, #tpu.memory_space<vmem>>) offsets(%dma_start3A_136 : memref<32xi32, #tpu.memory_space<vmem>>) semaphore(%arg10 : memref<!tpu.dma_semaphore, #tpu.memory_space<semaphore_mem>>)
    %dma_start3A_140 = arith.constant 0 : i32
    %dma_start3A_141 = arith.constant 256 : i32
    %dma_start3A_142 = tpu.memref_slice %arg8[%dma_start3A_140, %dma_start3A_141] : memref<32x1024xf32, #tpu.memory_space<vmem>> -> memref<32x128xf32, #tpu.memory_space<vmem>>
    %dma_start3A_143 = arith.constant 64 : i32
    %dma_start3A_144 = tpu.memref_slice %arg6[%dma_start3A_143] : memref<256xi32, #tpu.memory_space<vmem>> -> memref<32xi32, #tpu.memory_space<vmem>>
    %dma_start3A_145 = arith.constant 0 : i32
    %dma_start3A_146 = arith.constant 0 : i32
    %dma_start3A_147 = tpu.memref_slice %arg3[%dma_start3A_145, %dma_start3A_146] : memref<8000x128xf32, #tpu.memory_space<hbm>> -> memref<8000x128xf32, #tpu.memory_space<hbm>>
    tpu.enqueue_indirect_dma source(%dma_start3A_147 : memref<8000x128xf32, #tpu.memory_space<hbm>>) target(%dma_start3A_142 : memref<32x128xf32, #tpu.memory_space<vmem>>) offsets(%dma_start3A_144 : memref<32xi32, #tpu.memory_space<vmem>>) semaphore(%arg10 : memref<!tpu.dma_semaphore, #tpu.memory_space<semaphore_mem>>)
    %dma_start3A_148 = arith.constant 0 : i32
    %dma_start3A_149 = arith.constant 384 : i32
    %dma_start3A_150 = tpu.memref_slice %arg8[%dma_start3A_148, %dma_start3A_149] : memref<32x1024xf32, #tpu.memory_space<vmem>> -> memref<32x128xf32, #tpu.memory_space<vmem>>
    %dma_start3A_151 = arith.constant 96 : i32
    %dma_start3A_152 = tpu.memref_slice %arg6[%dma_start3A_151] : memref<256xi32, #tpu.memory_space<vmem>> -> memref<32xi32, #tpu.memory_space<vmem>>
    %dma_start3A_153 = arith.constant 0 : i32
    %dma_start3A_154 = arith.constant 0 : i32
    %dma_start3A_155 = tpu.memref_slice %arg3[%dma_start3A_153, %dma_start3A_154] : memref<8000x128xf32, #tpu.memory_space<hbm>> -> memref<8000x128xf32, #tpu.memory_space<hbm>>
    tpu.enqueue_indirect_dma source(%dma_start3A_155 : memref<8000x128xf32, #tpu.memory_space<hbm>>) target(%dma_start3A_150 : memref<32x128xf32, #tpu.memory_space<vmem>>) offsets(%dma_start3A_152 : memref<32xi32, #tpu.memory_space<vmem>>) semaphore(%arg10 : memref<!tpu.dma_semaphore, #tpu.memory_space<semaphore_mem>>)
    %dma_start3A_156 = arith.constant 0 : i32
    %dma_start3A_157 = arith.constant 512 : i32
    %dma_start3A_158 = tpu.memref_slice %arg8[%dma_start3A_156, %dma_start3A_157] : memref<32x1024xf32, #tpu.memory_space<vmem>> -> memref<32x128xf32, #tpu.memory_space<vmem>>
    %dma_start3A_159 = arith.constant 128 : i32
    %dma_start3A_160 = tpu.memref_slice %arg6[%dma_start3A_159] : memref<256xi32, #tpu.memory_space<vmem>> -> memref<32xi32, #tpu.memory_space<vmem>>
    %dma_start3A_161 = arith.constant 0 : i32
    %dma_start3A_162 = arith.constant 0 : i32
    %dma_start3A_163 = tpu.memref_slice %arg3[%dma_start3A_161, %dma_start3A_162] : memref<8000x128xf32, #tpu.memory_space<hbm>> -> memref<8000x128xf32, #tpu.memory_space<hbm>>
    tpu.enqueue_indirect_dma source(%dma_start3A_163 : memref<8000x128xf32, #tpu.memory_space<hbm>>) target(%dma_start3A_158 : memref<32x128xf32, #tpu.memory_space<vmem>>) offsets(%dma_start3A_160 : memref<32xi32, #tpu.memory_space<vmem>>) semaphore(%arg10 : memref<!tpu.dma_semaphore, #tpu.memory_space<semaphore_mem>>)
    %dma_start3A_164 = arith.constant 0 : i32
    %dma_start3A_165 = arith.constant 640 : i32
    %dma_start3A_166 = tpu.memref_slice %arg8[%dma_start3A_164, %dma_start3A_165] : memref<32x1024xf32, #tpu.memory_space<vmem>> -> memref<32x128xf32, #tpu.memory_space<vmem>>
    %dma_start3A_167 = arith.constant 160 : i32
    %dma_start3A_168 = tpu.memref_slice %arg6[%dma_start3A_167] : memref<256xi32, #tpu.memory_space<vmem>> -> memref<32xi32, #tpu.memory_space<vmem>>
    %dma_start3A_169 = arith.constant 0 : i32
    %dma_start3A_170 = arith.constant 0 : i32
    %dma_start3A_171 = tpu.memref_slice %arg3[%dma_start3A_169, %dma_start3A_170] : memref<8000x128xf32, #tpu.memory_space<hbm>> -> memref<8000x128xf32, #tpu.memory_space<hbm>>
    tpu.enqueue_indirect_dma source(%dma_start3A_171 : memref<8000x128xf32, #tpu.memory_space<hbm>>) target(%dma_start3A_166 : memref<32x128xf32, #tpu.memory_space<vmem>>) offsets(%dma_start3A_168 : memref<32xi32, #tpu.memory_space<vmem>>) semaphore(%arg10 : memref<!tpu.dma_semaphore, #tpu.memory_space<semaphore_mem>>)
    %dma_start3A_172 = arith.constant 0 : i32
    %dma_start3A_173 = arith.constant 768 : i32
    %dma_start3A_174 = tpu.memref_slice %arg8[%dma_start3A_172, %dma_start3A_173] : memref<32x1024xf32, #tpu.memory_space<vmem>> -> memref<32x128xf32, #tpu.memory_space<vmem>>
    %dma_start3A_175 = arith.constant 192 : i32
    %dma_start3A_176 = tpu.memref_slice %arg6[%dma_start3A_175] : memref<256xi32, #tpu.memory_space<vmem>> -> memref<32xi32, #tpu.memory_space<vmem>>
    %dma_start3A_177 = arith.constant 0 : i32
    %dma_start3A_178 = arith.constant 0 : i32
    %dma_start3A_179 = tpu.memref_slice %arg3[%dma_start3A_177, %dma_start3A_178] : memref<8000x128xf32, #tpu.memory_space<hbm>> -> memref<8000x128xf32, #tpu.memory_space<hbm>>
    tpu.enqueue_indirect_dma source(%dma_start3A_179 : memref<8000x128xf32, #tpu.memory_space<hbm>>) target(%dma_start3A_174 : memref<32x128xf32, #tpu.memory_space<vmem>>) offsets(%dma_start3A_176 : memref<32xi32, #tpu.memory_space<vmem>>) semaphore(%arg10 : memref<!tpu.dma_semaphore, #tpu.memory_space<semaphore_mem>>)
    %dma_start3A_180 = arith.constant 0 : i32
    %dma_start3A_181 = arith.constant 896 : i32
    %dma_start3A_182 = tpu.memref_slice %arg8[%dma_start3A_180, %dma_start3A_181] : memref<32x1024xf32, #tpu.memory_space<vmem>> -> memref<32x128xf32, #tpu.memory_space<vmem>>
    %dma_start3A_183 = arith.constant 224 : i32
    %dma_start3A_184 = tpu.memref_slice %arg6[%dma_start3A_183] : memref<256xi32, #tpu.memory_space<vmem>> -> memref<32xi32, #tpu.memory_space<vmem>>
    %dma_start3A_185 = arith.constant 0 : i32
    %dma_start3A_186 = arith.constant 0 : i32
    %dma_start3A_187 = tpu.memref_slice %arg3[%dma_start3A_185, %dma_start3A_186] : memref<8000x128xf32, #tpu.memory_space<hbm>> -> memref<8000x128xf32, #tpu.memory_space<hbm>>
    tpu.enqueue_indirect_dma source(%dma_start3A_187 : memref<8000x128xf32, #tpu.memory_space<hbm>>) target(%dma_start3A_182 : memref<32x128xf32, #tpu.memory_space<vmem>>) offsets(%dma_start3A_184 : memref<32xi32, #tpu.memory_space<vmem>>) semaphore(%arg10 : memref<!tpu.dma_semaphore, #tpu.memory_space<semaphore_mem>>)
    %get3A_188 = arith.constant 32 : index
    %get3A_189 = tpu.vector_load %arg5[%get3A_188] {strides = array<i32>} : memref<6400xi32, #tpu.memory_space<vmem>>, vector<16xi32>,
    %get3A_190 = vector.shape_cast %get3A_189 : vector<16xi32> to vector<16xi32>
    %mul3A_191 = arith.constant 8 : i32
    %mul3A_192 = vector.broadcast %mul3A_191 : i32 to vector<16xi32>
    %mul3A_193 = arith.muli %get3A_190, %mul3A_192 : vector<16xi32>
    %add3A_194 = arith.constant 0 : i32
    %add3A_195 = vector.broadcast %add3A_194 : i32 to vector<16xi32>
    %add3A_196 = arith.addi %mul3A_193, %add3A_195 : vector<16xi32>
    %swap3A_197 = arith.constant 0 : index
    %swap3A_198 = tpu.vector_load %arg7[%swap3A_197] {strides = array<i32>} : memref<256xi32, #tpu.memory_space<vmem>>, vector<16xi32>,
    %swap3A_199 = vector.shape_cast %swap3A_198 : vector<16xi32> to vector<16xi32>
    %swap3A_200 = vector.shape_cast %add3A_196 : vector<16xi32> to vector<16xi32>
    tpu.vector_store %arg7[%swap3A_197], %swap3A_200 {strides = array<i32>} : memref<256xi32, #tpu.memory_space<vmem>>, vector<16xi32>,
    %add3A_201 = arith.constant 1 : i32
    %add3A_202 = vector.broadcast %add3A_201 : i32 to vector<16xi32>
    %add3A_203 = arith.addi %mul3A_193, %add3A_202 : vector<16xi32>
    %swap3A_204 = arith.constant 32 : index
    %swap3A_205 = tpu.vector_load %arg7[%swap3A_204] {strides = array<i32>} : memref<256xi32, #tpu.memory_space<vmem>>, vector<16xi32>,
    %swap3A_206 = vector.shape_cast %swap3A_205 : vector<16xi32> to vector<16xi32>
    %swap3A_207 = vector.shape_cast %add3A_203 : vector<16xi32> to vector<16xi32>
    tpu.vector_store %arg7[%swap3A_204], %swap3A_207 {strides = array<i32>} : memref<256xi32, #tpu.memory_space<vmem>>, vector<16xi32>,
    %add3A_208 = arith.constant 2 : i32
    %add3A_209 = vector.broadcast %add3A_208 : i32 to vector<16xi32>
    %add3A_210 = arith.addi %mul3A_193, %add3A_209 : vector<16xi32>
    %swap3A_211 = arith.constant 64 : index
    %swap3A_212 = tpu.vector_load %arg7[%swap3A_211] {strides = array<i32>} : memref<256xi32, #tpu.memory_space<vmem>>, vector<16xi32>,
    %swap3A_213 = vector.shape_cast %swap3A_212 : vector<16xi32> to vector<16xi32>
    %swap3A_214 = vector.shape_cast %add3A_210 : vector<16xi32> to vector<16xi32>
    tpu.vector_store %arg7[%swap3A_211], %swap3A_214 {strides = array<i32>} : memref<256xi32, #tpu.memory_space<vmem>>, vector<16xi32>,
    %add3A_215 = arith.constant 3 : i32
    %add3A_216 = vector.broadcast %add3A_215 : i32 to vector<16xi32>
    %add3A_217 = arith.addi %mul3A_193, %add3A_216 : vector<16xi32>
    %swap3A_218 = arith.constant 96 : index
    %swap3A_219 = tpu.vector_load %arg7[%swap3A_218] {strides = array<i32>} : memref<256xi32, #tpu.memory_space<vmem>>, vector<16xi32>,
    %swap3A_220 = vector.shape_cast %swap3A_219 : vector<16xi32> to vector<16xi32>
    %swap3A_221 = vector.shape_cast %add3A_217 : vector<16xi32> to vector<16xi32>
    tpu.vector_store %arg7[%swap3A_218], %swap3A_221 {strides = array<i32>} : memref<256xi32, #tpu.memory_space<vmem>>, vector<16xi32>,
    %add3A_222 = arith.constant 4 : i32
    %add3A_223 = vector.broadcast %add3A_222 : i32 to vector<16xi32>
    %add3A_224 = arith.addi %mul3A_193, %add3A_223 : vector<16xi32>
    %swap3A_225 = arith.constant 128 : index
    %swap3A_226 = tpu.vector_load %arg7[%swap3A_225] {strides = array<i32>} : memref<256xi32, #tpu.memory_space<vmem>>, vector<16xi32>,
    %swap3A_227 = vector.shape_cast %swap3A_226 : vector<16xi32> to vector<16xi32>
    %swap3A_228 = vector.shape_cast %add3A_224 : vector<16xi32> to vector<16xi32>
    tpu.vector_store %arg7[%swap3A_225], %swap3A_228 {strides = array<i32>} : memref<256xi32, #tpu.memory_space<vmem>>, vector<16xi32>,
    %add3A_229 = arith.constant 5 : i32
    %add3A_230 = vector.broadcast %add3A_229 : i32 to vector<16xi32>
    %add3A_231 = arith.addi %mul3A_193, %add3A_230 : vector<16xi32>
    %swap3A_232 = arith.constant 160 : index
    %swap3A_233 = tpu.vector_load %arg7[%swap3A_232] {strides = array<i32>} : memref<256xi32, #tpu.memory_space<vmem>>, vector<16xi32>,
    %swap3A_234 = vector.shape_cast %swap3A_233 : vector<16xi32> to vector<16xi32>
    %swap3A_235 = vector.shape_cast %add3A_231 : vector<16xi32> to vector<16xi32>
    tpu.vector_store %arg7[%swap3A_232], %swap3A_235 {strides = array<i32>} : memref<256xi32, #tpu.memory_space<vmem>>, vector<16xi32>,
    %add3A_236 = arith.constant 6 : i32
    %add3A_237 = vector.broadcast %add3A_236 : i32 to vector<16xi32>
    %add3A_238 = arith.addi %mul3A_193, %add3A_237 : vector<16xi32>
    %swap3A_239 = arith.constant 192 : index
    %swap3A_240 = tpu.vector_load %arg7[%swap3A_239] {strides = array<i32>} : memref<256xi32, #tpu.memory_space<vmem>>, vector<16xi32>,
    %swap3A_241 = vector.shape_cast %swap3A_240 : vector<16xi32> to vector<16xi32>
    %swap3A_242 = vector.shape_cast %add3A_238 : vector<16xi32> to vector<16xi32>
    tpu.vector_store %arg7[%swap3A_239], %swap3A_242 {strides = array<i32>} : memref<256xi32, #tpu.memory_space<vmem>>, vector<16xi32>,
    %add3A_243 = arith.constant 7 : i32
    %add3A_244 = vector.broadcast %add3A_243 : i32 to vector<16xi32>
    %add3A_245 = arith.addi %mul3A_193, %add3A_244 : vector<16xi32>
    %swap3A_246 = arith.constant 224 : index
    %swap3A_247 = tpu.vector_load %arg7[%swap3A_246] {strides = array<i32>} : memref<256xi32, #tpu.memory_space<vmem>>, vector<16xi32>,
    %swap3A_248 = vector.shape_cast %swap3A_247 : vector<16xi32> to vector<16xi32>
    %swap3A_249 = vector.shape_cast %add3A_245 : vector<16xi32> to vector<16xi32>
    tpu.vector_store %arg7[%swap3A_246], %swap3A_249 {strides = array<i32>} : memref<256xi32, #tpu.memory_space<vmem>>, vector<16xi32>,
    %get3A_250 = arith.constant 48 : index
    %get3A_251 = tpu.vector_load %arg5[%get3A_250] {strides = array<i32>} : memref<6400xi32, #tpu.memory_space<vmem>>, vector<16xi32>,
    %get3A_252 = vector.shape_cast %get3A_251 : vector<16xi32> to vector<16xi32>
    %mul3A_253 = arith.constant 8 : i32
    %mul3A_254 = vector.broadcast %mul3A_253 : i32 to vector<16xi32>
    %mul3A_255 = arith.muli %get3A_252, %mul3A_254 : vector<16xi32>
    %add3A_256 = arith.constant 0 : i32
    %add3A_257 = vector.broadcast %add3A_256 : i32 to vector<16xi32>
    %add3A_258 = arith.addi %mul3A_255, %add3A_257 : vector<16xi32>
    %swap3A_259 = arith.constant 16 : index
    %swap3A_260 = tpu.vector_load %arg7[%swap3A_259] {strides = array<i32>} : memref<256xi32, #tpu.memory_space<vmem>>, vector<16xi32>,
    %swap3A_261 = vector.shape_cast %swap3A_260 : vector<16xi32> to vector<16xi32>
    %swap3A_262 = vector.shape_cast %add3A_258 : vector<16xi32> to vector<16xi32>
    tpu.vector_store %arg7[%swap3A_259], %swap3A_262 {strides = array<i32>} : memref<256xi32, #tpu.memory_space<vmem>>, vector<16xi32>,
    %add3A_263 = arith.constant 1 : i32
    %add3A_264 = vector.broadcast %add3A_263 : i32 to vector<16xi32>
    %add3A_265 = arith.addi %mul3A_255, %add3A_264 : vector<16xi32>
    %swap3A_266 = arith.constant 48 : index
    %swap3A_267 = tpu.vector_load %arg7[%swap3A_266] {strides = array<i32>} : memref<256xi32, #tpu.memory_space<vmem>>, vector<16xi32>,
    %swap3A_268 = vector.shape_cast %swap3A_267 : vector<16xi32> to vector<16xi32>
    %swap3A_269 = vector.shape_cast %add3A_265 : vector<16xi32> to vector<16xi32>
    tpu.vector_store %arg7[%swap3A_266], %swap3A_269 {strides = array<i32>} : memref<256xi32, #tpu.memory_space<vmem>>, vector<16xi32>,
    %add3A_270 = arith.constant 2 : i32
    %add3A_271 = vector.broadcast %add3A_270 : i32 to vector<16xi32>
    %add3A_272 = arith.addi %mul3A_255, %add3A_271 : vector<16xi32>
    %swap3A_273 = arith.constant 80 : index
    %swap3A_274 = tpu.vector_load %arg7[%swap3A_273] {strides = array<i32>} : memref<256xi32, #tpu.memory_space<vmem>>, vector<16xi32>,
    %swap3A_275 = vector.shape_cast %swap3A_274 : vector<16xi32> to vector<16xi32>
    %swap3A_276 = vector.shape_cast %add3A_272 : vector<16xi32> to vector<16xi32>
    tpu.vector_store %arg7[%swap3A_273], %swap3A_276 {strides = array<i32>} : memref<256xi32, #tpu.memory_space<vmem>>, vector<16xi32>,
    %add3A_277 = arith.constant 3 : i32
    %add3A_278 = vector.broadcast %add3A_277 : i32 to vector<16xi32>
    %add3A_279 = arith.addi %mul3A_255, %add3A_278 : vector<16xi32>
    %swap3A_280 = arith.constant 112 : index
    %swap3A_281 = tpu.vector_load %arg7[%swap3A_280] {strides = array<i32>} : memref<256xi32, #tpu.memory_space<vmem>>, vector<16xi32>,
    %swap3A_282 = vector.shape_cast %swap3A_281 : vector<16xi32> to vector<16xi32>
    %swap3A_283 = vector.shape_cast %add3A_279 : vector<16xi32> to vector<16xi32>
    tpu.vector_store %arg7[%swap3A_280], %swap3A_283 {strides = array<i32>} : memref<256xi32, #tpu.memory_space<vmem>>, vector<16xi32>,
    %add3A_284 = arith.constant 4 : i32
    %add3A_285 = vector.broadcast %add3A_284 : i32 to vector<16xi32>
    %add3A_286 = arith.addi %mul3A_255, %add3A_285 : vector<16xi32>
    %swap3A_287 = arith.constant 144 : index
    %swap3A_288 = tpu.vector_load %arg7[%swap3A_287] {strides = array<i32>} : memref<256xi32, #tpu.memory_space<vmem>>, vector<16xi32>,
    %swap3A_289 = vector.shape_cast %swap3A_288 : vector<16xi32> to vector<16xi32>
    %swap3A_290 = vector.shape_cast %add3A_286 : vector<16xi32> to vector<16xi32>
    tpu.vector_store %arg7[%swap3A_287], %swap3A_290 {strides = array<i32>} : memref<256xi32, #tpu.memory_space<vmem>>, vector<16xi32>,
    %add3A_291 = arith.constant 5 : i32
    %add3A_292 = vector.broadcast %add3A_291 : i32 to vector<16xi32>
    %add3A_293 = arith.addi %mul3A_255, %add3A_292 : vector<16xi32>
    %swap3A_294 = arith.constant 176 : index
    %swap3A_295 = tpu.vector_load %arg7[%swap3A_294] {strides = array<i32>} : memref<256xi32, #tpu.memory_space<vmem>>, vector<16xi32>,
    %swap3A_296 = vector.shape_cast %swap3A_295 : vector<16xi32> to vector<16xi32>
    %swap3A_297 = vector.shape_cast %add3A_293 : vector<16xi32> to vector<16xi32>
    tpu.vector_store %arg7[%swap3A_294], %swap3A_297 {strides = array<i32>} : memref<256xi32, #tpu.memory_space<vmem>>, vector<16xi32>,
    %add3A_298 = arith.constant 6 : i32
    %add3A_299 = vector.broadcast %add3A_298 : i32 to vector<16xi32>
    %add3A_300 = arith.addi %mul3A_255, %add3A_299 : vector<16xi32>
    %swap3A_301 = arith.constant 208 : index
    %swap3A_302 = tpu.vector_load %arg7[%swap3A_301] {strides = array<i32>} : memref<256xi32, #tpu.memory_space<vmem>>, vector<16xi32>,
    %swap3A_303 = vector.shape_cast %swap3A_302 : vector<16xi32> to vector<16xi32>
    %swap3A_304 = vector.shape_cast %add3A_300 : vector<16xi32> to vector<16xi32>
    tpu.vector_store %arg7[%swap3A_301], %swap3A_304 {strides = array<i32>} : memref<256xi32, #tpu.memory_space<vmem>>, vector<16xi32>,
    %add3A_305 = arith.constant 7 : i32
    %add3A_306 = vector.broadcast %add3A_305 : i32 to vector<16xi32>
    %add3A_307 = arith.addi %mul3A_255, %add3A_306 : vector<16xi32>
    %swap3A_308 = arith.constant 240 : index
    %swap3A_309 = tpu.vector_load %arg7[%swap3A_308] {strides = array<i32>} : memref<256xi32, #tpu.memory_space<vmem>>, vector<16xi32>,
    %swap3A_310 = vector.shape_cast %swap3A_309 : vector<16xi32> to vector<16xi32>
    %swap3A_311 = vector.shape_cast %add3A_307 : vector<16xi32> to vector<16xi32>
    tpu.vector_store %arg7[%swap3A_308], %swap3A_311 {strides = array<i32>} : memref<256xi32, #tpu.memory_space<vmem>>, vector<16xi32>,
    %dma_start3A_312 = arith.constant 0 : i32
    %dma_start3A_313 = arith.constant 0 : i32
    %dma_start3A_314 = tpu.memref_slice %arg9[%dma_start3A_312, %dma_start3A_313] : memref<32x1024xf32, #tpu.memory_space<vmem>> -> memref<32x128xf32, #tpu.memory_space<vmem>>
    %dma_start3A_315 = arith.constant 0 : i32
    %dma_start3A_316 = tpu.memref_slice %arg7[%dma_start3A_315] : memref<256xi32, #tpu.memory_space<vmem>> -> memref<32xi32, #tpu.memory_space<vmem>>
    %dma_start3A_317 = arith.constant 0 : i32
    %dma_start3A_318 = arith.constant 0 : i32
    %dma_start3A_319 = tpu.memref_slice %arg3[%dma_start3A_317, %dma_start3A_318] : memref<8000x128xf32, #tpu.memory_space<hbm>> -> memref<8000x128xf32, #tpu.memory_space<hbm>>
    tpu.enqueue_indirect_dma source(%dma_start3A_319 : memref<8000x128xf32, #tpu.memory_space<hbm>>) target(%dma_start3A_314 : memref<32x128xf32, #tpu.memory_space<vmem>>) offsets(%dma_start3A_316 : memref<32xi32, #tpu.memory_space<vmem>>) semaphore(%arg11 : memref<!tpu.dma_semaphore, #tpu.memory_space<semaphore_mem>>)
    %dma_start3A_320 = arith.constant 0 : i32
    %dma_start3A_321 = arith.constant 128 : i32
    %dma_start3A_322 = tpu.memref_slice %arg9[%dma_start3A_320, %dma_start3A_321] : memref<32x1024xf32, #tpu.memory_space<vmem>> -> memref<32x128xf32, #tpu.memory_space<vmem>>
    %dma_start3A_323 = arith.constant 32 : i32
    %dma_start3A_324 = tpu.memref_slice %arg7[%dma_start3A_323] : memref<256xi32, #tpu.memory_space<vmem>> -> memref<32xi32, #tpu.memory_space<vmem>>
    %dma_start3A_325 = arith.constant 0 : i32
    %dma_start3A_326 = arith.constant 0 : i32
    %dma_start3A_327 = tpu.memref_slice %arg3[%dma_start3A_325, %dma_start3A_326] : memref<8000x128xf32, #tpu.memory_space<hbm>> -> memref<8000x128xf32, #tpu.memory_space<hbm>>
    tpu.enqueue_indirect_dma source(%dma_start3A_327 : memref<8000x128xf32, #tpu.memory_space<hbm>>) target(%dma_start3A_322 : memref<32x128xf32, #tpu.memory_space<vmem>>) offsets(%dma_start3A_324 : memref<32xi32, #tpu.memory_space<vmem>>) semaphore(%arg11 : memref<!tpu.dma_semaphore, #tpu.memory_space<semaphore_mem>>)
    %dma_start3A_328 = arith.constant 0 : i32
    %dma_start3A_329 = arith.constant 256 : i32
    %dma_start3A_330 = tpu.memref_slice %arg9[%dma_start3A_328, %dma_start3A_329] : memref<32x1024xf32, #tpu.memory_space<vmem>> -> memref<32x128xf32, #tpu.memory_space<vmem>>
    %dma_start3A_331 = arith.constant 64 : i32
    %dma_start3A_332 = tpu.memref_slice %arg7[%dma_start3A_331] : memref<256xi32, #tpu.memory_space<vmem>> -> memref<32xi32, #tpu.memory_space<vmem>>
    %dma_start3A_333 = arith.constant 0 : i32
    %dma_start3A_334 = arith.constant 0 : i32
    %dma_start3A_335 = tpu.memref_slice %arg3[%dma_start3A_333, %dma_start3A_334] : memref<8000x128xf32, #tpu.memory_space<hbm>> -> memref<8000x128xf32, #tpu.memory_space<hbm>>
    tpu.enqueue_indirect_dma source(%dma_start3A_335 : memref<8000x128xf32, #tpu.memory_space<hbm>>) target(%dma_start3A_330 : memref<32x128xf32, #tpu.memory_space<vmem>>) offsets(%dma_start3A_332 : memref<32xi32, #tpu.memory_space<vmem>>) semaphore(%arg11 : memref<!tpu.dma_semaphore, #tpu.memory_space<semaphore_mem>>)
    %dma_start3A_336 = arith.constant 0 : i32
    %dma_start3A_337 = arith.constant 384 : i32
    %dma_start3A_338 = tpu.memref_slice %arg9[%dma_start3A_336, %dma_start3A_337] : memref<32x1024xf32, #tpu.memory_space<vmem>> -> memref<32x128xf32, #tpu.memory_space<vmem>>
    %dma_start3A_339 = arith.constant 96 : i32
    %dma_start3A_340 = tpu.memref_slice %arg7[%dma_start3A_339] : memref<256xi32, #tpu.memory_space<vmem>> -> memref<32xi32, #tpu.memory_space<vmem>>
    %dma_start3A_341 = arith.constant 0 : i32
    %dma_start3A_342 = arith.constant 0 : i32
    %dma_start3A_343 = tpu.memref_slice %arg3[%dma_start3A_341, %dma_start3A_342] : memref<8000x128xf32, #tpu.memory_space<hbm>> -> memref<8000x128xf32, #tpu.memory_space<hbm>>
    tpu.enqueue_indirect_dma source(%dma_start3A_343 : memref<8000x128xf32, #tpu.memory_space<hbm>>) target(%dma_start3A_338 : memref<32x128xf32, #tpu.memory_space<vmem>>) offsets(%dma_start3A_340 : memref<32xi32, #tpu.memory_space<vmem>>) semaphore(%arg11 : memref<!tpu.dma_semaphore, #tpu.memory_space<semaphore_mem>>)
    %dma_start3A_344 = arith.constant 0 : i32
    %dma_start3A_345 = arith.constant 512 : i32
    %dma_start3A_346 = tpu.memref_slice %arg9[%dma_start3A_344, %dma_start3A_345] : memref<32x1024xf32, #tpu.memory_space<vmem>> -> memref<32x128xf32, #tpu.memory_space<vmem>>
    %dma_start3A_347 = arith.constant 128 : i32
    %dma_start3A_348 = tpu.memref_slice %arg7[%dma_start3A_347] : memref<256xi32, #tpu.memory_space<vmem>> -> memref<32xi32, #tpu.memory_space<vmem>>
    %dma_start3A_349 = arith.constant 0 : i32
    %dma_start3A_350 = arith.constant 0 : i32
    %dma_start3A_351 = tpu.memref_slice %arg3[%dma_start3A_349, %dma_start3A_350] : memref<8000x128xf32, #tpu.memory_space<hbm>> -> memref<8000x128xf32, #tpu.memory_space<hbm>>
    tpu.enqueue_indirect_dma source(%dma_start3A_351 : memref<8000x128xf32, #tpu.memory_space<hbm>>) target(%dma_start3A_346 : memref<32x128xf32, #tpu.memory_space<vmem>>) offsets(%dma_start3A_348 : memref<32xi32, #tpu.memory_space<vmem>>) semaphore(%arg11 : memref<!tpu.dma_semaphore, #tpu.memory_space<semaphore_mem>>)
    %dma_start3A_352 = arith.constant 0 : i32
    %dma_start3A_353 = arith.constant 640 : i32
    %dma_start3A_354 = tpu.memref_slice %arg9[%dma_start3A_352, %dma_start3A_353] : memref<32x1024xf32, #tpu.memory_space<vmem>> -> memref<32x128xf32, #tpu.memory_space<vmem>>
    %dma_start3A_355 = arith.constant 160 : i32
    %dma_start3A_356 = tpu.memref_slice %arg7[%dma_start3A_355] : memref<256xi32, #tpu.memory_space<vmem>> -> memref<32xi32, #tpu.memory_space<vmem>>
    %dma_start3A_357 = arith.constant 0 : i32
    %dma_start3A_358 = arith.constant 0 : i32
    %dma_start3A_359 = tpu.memref_slice %arg3[%dma_start3A_357, %dma_start3A_358] : memref<8000x128xf32, #tpu.memory_space<hbm>> -> memref<8000x128xf32, #tpu.memory_space<hbm>>
    tpu.enqueue_indirect_dma source(%dma_start3A_359 : memref<8000x128xf32, #tpu.memory_space<hbm>>) target(%dma_start3A_354 : memref<32x128xf32, #tpu.memory_space<vmem>>) offsets(%dma_start3A_356 : memref<32xi32, #tpu.memory_space<vmem>>) semaphore(%arg11 : memref<!tpu.dma_semaphore, #tpu.memory_space<semaphore_mem>>)
    %dma_start3A_360 = arith.constant 0 : i32
    %dma_start3A_361 = arith.constant 768 : i32
    %dma_start3A_362 = tpu.memref_slice %arg9[%dma_start3A_360, %dma_start3A_361] : memref<32x1024xf32, #tpu.memory_space<vmem>> -> memref<32x128xf32, #tpu.memory_space<vmem>>
    %dma_start3A_363 = arith.constant 192 : i32
    %dma_start3A_364 = tpu.memref_slice %arg7[%dma_start3A_363] : memref<256xi32, #tpu.memory_space<vmem>> -> memref<32xi32, #tpu.memory_space<vmem>>
    %dma_start3A_365 = arith.constant 0 : i32
    %dma_start3A_366 = arith.constant 0 : i32
    %dma_start3A_367 = tpu.memref_slice %arg3[%dma_start3A_365, %dma_start3A_366] : memref<8000x128xf32, #tpu.memory_space<hbm>> -> memref<8000x128xf32, #tpu.memory_space<hbm>>
    tpu.enqueue_indirect_dma source(%dma_start3A_367 : memref<8000x128xf32, #tpu.memory_space<hbm>>) target(%dma_start3A_362 : memref<32x128xf32, #tpu.memory_space<vmem>>) offsets(%dma_start3A_364 : memref<32xi32, #tpu.memory_space<vmem>>) semaphore(%arg11 : memref<!tpu.dma_semaphore, #tpu.memory_space<semaphore_mem>>)
    %dma_start3A_368 = arith.constant 0 : i32
    %dma_start3A_369 = arith.constant 896 : i32
    %dma_start3A_370 = tpu.memref_slice %arg9[%dma_start3A_368, %dma_start3A_369] : memref<32x1024xf32, #tpu.memory_space<vmem>> -> memref<32x128xf32, #tpu.memory_space<vmem>>
    %dma_start3A_371 = arith.constant 224 : i32
    %dma_start3A_372 = tpu.memref_slice %arg7[%dma_start3A_371] : memref<256xi32, #tpu.memory_space<vmem>> -> memref<32xi32, #tpu.memory_space<vmem>>
    %dma_start3A_373 = arith.constant 0 : i32
    %dma_start3A_374 = arith.constant 0 : i32
    %dma_start3A_375 = tpu.memref_slice %arg3[%dma_start3A_373, %dma_start3A_374] : memref<8000x128xf32, #tpu.memory_space<hbm>> -> memref<8000x128xf32, #tpu.memory_space<hbm>>
    tpu.enqueue_indirect_dma source(%dma_start3A_375 : memref<8000x128xf32, #tpu.memory_space<hbm>>) target(%dma_start3A_370 : memref<32x128xf32, #tpu.memory_space<vmem>>) offsets(%dma_start3A_372 : memref<32xi32, #tpu.memory_space<vmem>>) semaphore(%arg11 : memref<!tpu.dma_semaphore, #tpu.memory_space<semaphore_mem>>)
    %scan3A = arith.constant 0 : i32
    %scan3A_376 = arith.constant 0 : i32
    %scan3A_377 = arith.constant 99 : i32
    %scan3A_378 = arith.addi %scan3A_376, %scan3A_377 : i32
    %scan3A_379 = arith.constant 1 : i32
    scf.for %scan3A_532 = %scan3A_376 to %scan3A_378 step %scan3A_379  : i32 {
      %mul3A_533 = arith.constant 2 : i32
      %mul3A_534 = arith.muli %mul3A_533, %scan3A_532 : i32
      %add3A_535 = arith.constant 1 : i32
      %add3A_536 = arith.addi %mul3A_534, %add3A_535 : i32
      %dma_wait3A_537 = arith.constant 0 : i32
      %dma_wait3A_538 = arith.constant 0 : i32
      %dma_wait3A_539 = tpu.memref_slice %arg8[%dma_wait3A_537, %dma_wait3A_538] : memref<32x1024xf32, #tpu.memory_space<vmem>> -> memref<32x128xf32, #tpu.memory_space<vmem>>
      %dma_wait3A_540 = arith.constant 0 : i32
      %dma_wait3A_541 = tpu.memref_slice %arg6[%dma_wait3A_540] : memref<256xi32, #tpu.memory_space<vmem>> -> memref<32xi32, #tpu.memory_space<vmem>>
      %dma_wait3A_542 = arith.constant 0 : i32
      %dma_wait3A_543 = arith.constant 0 : i32
      %dma_wait3A_544 = tpu.memref_slice %arg3[%dma_wait3A_542, %dma_wait3A_543] : memref<8000x128xf32, #tpu.memory_space<hbm>> -> memref<8000x128xf32, #tpu.memory_space<hbm>>
      tpu.wait_indirect_dma semaphore(%arg10 : memref<!tpu.dma_semaphore, #tpu.memory_space<semaphore_mem>>) src(%dma_wait3A_544 : memref<8000x128xf32, #tpu.memory_space<hbm>>) dst(%dma_wait3A_539 : memref<32x128xf32, #tpu.memory_space<vmem>>)
      %dma_wait3A_545 = arith.constant 0 : i32
      %dma_wait3A_546 = arith.constant 128 : i32
      %dma_wait3A_547 = tpu.memref_slice %arg8[%dma_wait3A_545, %dma_wait3A_546] : memref<32x1024xf32, #tpu.memory_space<vmem>> -> memref<32x128xf32, #tpu.memory_space<vmem>>
      %dma_wait3A_548 = arith.constant 32 : i32
      %dma_wait3A_549 = tpu.memref_slice %arg6[%dma_wait3A_548] : memref<256xi32, #tpu.memory_space<vmem>> -> memref<32xi32, #tpu.memory_space<vmem>>
      %dma_wait3A_550 = arith.constant 0 : i32
      %dma_wait3A_551 = arith.constant 0 : i32
      %dma_wait3A_552 = tpu.memref_slice %arg3[%dma_wait3A_550, %dma_wait3A_551] : memref<8000x128xf32, #tpu.memory_space<hbm>> -> memref<8000x128xf32, #tpu.memory_space<hbm>>
      tpu.wait_indirect_dma semaphore(%arg10 : memref<!tpu.dma_semaphore, #tpu.memory_space<semaphore_mem>>) src(%dma_wait3A_552 : memref<8000x128xf32, #tpu.memory_space<hbm>>) dst(%dma_wait3A_547 : memref<32x128xf32, #tpu.memory_space<vmem>>)
      %dma_wait3A_553 = arith.constant 0 : i32
      %dma_wait3A_554 = arith.constant 256 : i32
      %dma_wait3A_555 = tpu.memref_slice %arg8[%dma_wait3A_553, %dma_wait3A_554] : memref<32x1024xf32, #tpu.memory_space<vmem>> -> memref<32x128xf32, #tpu.memory_space<vmem>>
      %dma_wait3A_556 = arith.constant 64 : i32
      %dma_wait3A_557 = tpu.memref_slice %arg6[%dma_wait3A_556] : memref<256xi32, #tpu.memory_space<vmem>> -> memref<32xi32, #tpu.memory_space<vmem>>
      %dma_wait3A_558 = arith.constant 0 : i32
      %dma_wait3A_559 = arith.constant 0 : i32
      %dma_wait3A_560 = tpu.memref_slice %arg3[%dma_wait3A_558, %dma_wait3A_559] : memref<8000x128xf32, #tpu.memory_space<hbm>> -> memref<8000x128xf32, #tpu.memory_space<hbm>>
      tpu.wait_indirect_dma semaphore(%arg10 : memref<!tpu.dma_semaphore, #tpu.memory_space<semaphore_mem>>) src(%dma_wait3A_560 : memref<8000x128xf32, #tpu.memory_space<hbm>>) dst(%dma_wait3A_555 : memref<32x128xf32, #tpu.memory_space<vmem>>)
      %dma_wait3A_561 = arith.constant 0 : i32
      %dma_wait3A_562 = arith.constant 384 : i32
      %dma_wait3A_563 = tpu.memref_slice %arg8[%dma_wait3A_561, %dma_wait3A_562] : memref<32x1024xf32, #tpu.memory_space<vmem>> -> memref<32x128xf32, #tpu.memory_space<vmem>>
      %dma_wait3A_564 = arith.constant 96 : i32
      %dma_wait3A_565 = tpu.memref_slice %arg6[%dma_wait3A_564] : memref<256xi32, #tpu.memory_space<vmem>> -> memref<32xi32, #tpu.memory_space<vmem>>
      %dma_wait3A_566 = arith.constant 0 : i32
      %dma_wait3A_567 = arith.constant 0 : i32
      %dma_wait3A_568 = tpu.memref_slice %arg3[%dma_wait3A_566, %dma_wait3A_567] : memref<8000x128xf32, #tpu.memory_space<hbm>> -> memref<8000x128xf32, #tpu.memory_space<hbm>>
      tpu.wait_indirect_dma semaphore(%arg10 : memref<!tpu.dma_semaphore, #tpu.memory_space<semaphore_mem>>) src(%dma_wait3A_568 : memref<8000x128xf32, #tpu.memory_space<hbm>>) dst(%dma_wait3A_563 : memref<32x128xf32, #tpu.memory_space<vmem>>)
      %dma_wait3A_569 = arith.constant 0 : i32
      %dma_wait3A_570 = arith.constant 512 : i32
      %dma_wait3A_571 = tpu.memref_slice %arg8[%dma_wait3A_569, %dma_wait3A_570] : memref<32x1024xf32, #tpu.memory_space<vmem>> -> memref<32x128xf32, #tpu.memory_space<vmem>>
      %dma_wait3A_572 = arith.constant 128 : i32
      %dma_wait3A_573 = tpu.memref_slice %arg6[%dma_wait3A_572] : memref<256xi32, #tpu.memory_space<vmem>> -> memref<32xi32, #tpu.memory_space<vmem>>
      %dma_wait3A_574 = arith.constant 0 : i32
      %dma_wait3A_575 = arith.constant 0 : i32
      %dma_wait3A_576 = tpu.memref_slice %arg3[%dma_wait3A_574, %dma_wait3A_575] : memref<8000x128xf32, #tpu.memory_space<hbm>> -> memref<8000x128xf32, #tpu.memory_space<hbm>>
      tpu.wait_indirect_dma semaphore(%arg10 : memref<!tpu.dma_semaphore, #tpu.memory_space<semaphore_mem>>) src(%dma_wait3A_576 : memref<8000x128xf32, #tpu.memory_space<hbm>>) dst(%dma_wait3A_571 : memref<32x128xf32, #tpu.memory_space<vmem>>)
      %dma_wait3A_577 = arith.constant 0 : i32
      %dma_wait3A_578 = arith.constant 640 : i32
      %dma_wait3A_579 = tpu.memref_slice %arg8[%dma_wait3A_577, %dma_wait3A_578] : memref<32x1024xf32, #tpu.memory_space<vmem>> -> memref<32x128xf32, #tpu.memory_space<vmem>>
      %dma_wait3A_580 = arith.constant 160 : i32
      %dma_wait3A_581 = tpu.memref_slice %arg6[%dma_wait3A_580] : memref<256xi32, #tpu.memory_space<vmem>> -> memref<32xi32, #tpu.memory_space<vmem>>
      %dma_wait3A_582 = arith.constant 0 : i32
      %dma_wait3A_583 = arith.constant 0 : i32
      %dma_wait3A_584 = tpu.memref_slice %arg3[%dma_wait3A_582, %dma_wait3A_583] : memref<8000x128xf32, #tpu.memory_space<hbm>> -> memref<8000x128xf32, #tpu.memory_space<hbm>>
      tpu.wait_indirect_dma semaphore(%arg10 : memref<!tpu.dma_semaphore, #tpu.memory_space<semaphore_mem>>) src(%dma_wait3A_584 : memref<8000x128xf32, #tpu.memory_space<hbm>>) dst(%dma_wait3A_579 : memref<32x128xf32, #tpu.memory_space<vmem>>)
      %dma_wait3A_585 = arith.constant 0 : i32
      %dma_wait3A_586 = arith.constant 768 : i32
      %dma_wait3A_587 = tpu.memref_slice %arg8[%dma_wait3A_585, %dma_wait3A_586] : memref<32x1024xf32, #tpu.memory_space<vmem>> -> memref<32x128xf32, #tpu.memory_space<vmem>>
      %dma_wait3A_588 = arith.constant 192 : i32
      %dma_wait3A_589 = tpu.memref_slice %arg6[%dma_wait3A_588] : memref<256xi32, #tpu.memory_space<vmem>> -> memref<32xi32, #tpu.memory_space<vmem>>
      %dma_wait3A_590 = arith.constant 0 : i32
      %dma_wait3A_591 = arith.constant 0 : i32
      %dma_wait3A_592 = tpu.memref_slice %arg3[%dma_wait3A_590, %dma_wait3A_591] : memref<8000x128xf32, #tpu.memory_space<hbm>> -> memref<8000x128xf32, #tpu.memory_space<hbm>>
      tpu.wait_indirect_dma semaphore(%arg10 : memref<!tpu.dma_semaphore, #tpu.memory_space<semaphore_mem>>) src(%dma_wait3A_592 : memref<8000x128xf32, #tpu.memory_space<hbm>>) dst(%dma_wait3A_587 : memref<32x128xf32, #tpu.memory_space<vmem>>)
      %dma_wait3A_593 = arith.constant 0 : i32
      %dma_wait3A_594 = arith.constant 896 : i32
      %dma_wait3A_595 = tpu.memref_slice %arg8[%dma_wait3A_593, %dma_wait3A_594] : memref<32x1024xf32, #tpu.memory_space<vmem>> -> memref<32x128xf32, #tpu.memory_space<vmem>>
      %dma_wait3A_596 = arith.constant 224 : i32
      %dma_wait3A_597 = tpu.memref_slice %arg6[%dma_wait3A_596] : memref<256xi32, #tpu.memory_space<vmem>> -> memref<32xi32, #tpu.memory_space<vmem>>
      %dma_wait3A_598 = arith.constant 0 : i32
      %dma_wait3A_599 = arith.constant 0 : i32
      %dma_wait3A_600 = tpu.memref_slice %arg3[%dma_wait3A_598, %dma_wait3A_599] : memref<8000x128xf32, #tpu.memory_space<hbm>> -> memref<8000x128xf32, #tpu.memory_space<hbm>>
      tpu.wait_indirect_dma semaphore(%arg10 : memref<!tpu.dma_semaphore, #tpu.memory_space<semaphore_mem>>) src(%dma_wait3A_600 : memref<8000x128xf32, #tpu.memory_space<hbm>>) dst(%dma_wait3A_595 : memref<32x128xf32, #tpu.memory_space<vmem>>)
      %mul3A_601 = arith.constant 32 : i32
      %mul3A_602 = arith.muli %mul3A_534, %mul3A_601 : i32
      %add3A_603 = arith.addi %mul3A_2, %mul3A_602 : i32
      %dma_start3A_604 = arith.constant 0 : i32
      %dma_start3A_605 = tpu.memref_slice %arg4[%add3A_603, %dma_start3A_604] : memref<204800x1024xf32, #tpu.memory_space<hbm>> -> memref<32x1024xf32, #tpu.memory_space<hbm>>
      %dma_start3A_606 = arith.constant 0 : i32
      %dma_start3A_607 = tpu.memref_slice %arg4[%add3A_603, %dma_start3A_606] : memref<204800x1024xf32, #tpu.memory_space<hbm>> -> memref<32x1024xf32, #tpu.memory_space<hbm>>
      tpu.enqueue_dma source(%arg8 : memref<32x1024xf32, #tpu.memory_space<vmem>>) target(%dma_start3A_607 : memref<32x1024xf32, #tpu.memory_space<hbm>>) target_semaphore(%arg12 : memref<!tpu.dma_semaphore, #tpu.memory_space<semaphore_mem>>)
      %dma_wait3A_608 = arith.constant 0 : i32
      %dma_wait3A_609 = arith.constant 0 : i32
      %dma_wait3A_610 = tpu.memref_slice %arg9[%dma_wait3A_608, %dma_wait3A_609] : memref<32x1024xf32, #tpu.memory_space<vmem>> -> memref<32x128xf32, #tpu.memory_space<vmem>>
      %dma_wait3A_611 = arith.constant 0 : i32
      %dma_wait3A_612 = tpu.memref_slice %arg7[%dma_wait3A_611] : memref<256xi32, #tpu.memory_space<vmem>> -> memref<32xi32, #tpu.memory_space<vmem>>
      %dma_wait3A_613 = arith.constant 0 : i32
      %dma_wait3A_614 = arith.constant 0 : i32
      %dma_wait3A_615 = tpu.memref_slice %arg3[%dma_wait3A_613, %dma_wait3A_614] : memref<8000x128xf32, #tpu.memory_space<hbm>> -> memref<8000x128xf32, #tpu.memory_space<hbm>>
      tpu.wait_indirect_dma semaphore(%arg11 : memref<!tpu.dma_semaphore, #tpu.memory_space<semaphore_mem>>) src(%dma_wait3A_615 : memref<8000x128xf32, #tpu.memory_space<hbm>>) dst(%dma_wait3A_610 : memref<32x128xf32, #tpu.memory_space<vmem>>)
      %dma_wait3A_616 = arith.constant 0 : i32
      %dma_wait3A_617 = arith.constant 128 : i32
      %dma_wait3A_618 = tpu.memref_slice %arg9[%dma_wait3A_616, %dma_wait3A_617] : memref<32x1024xf32, #tpu.memory_space<vmem>> -> memref<32x128xf32, #tpu.memory_space<vmem>>
      %dma_wait3A_619 = arith.constant 32 : i32
      %dma_wait3A_620 = tpu.memref_slice %arg7[%dma_wait3A_619] : memref<256xi32, #tpu.memory_space<vmem>> -> memref<32xi32, #tpu.memory_space<vmem>>
      %dma_wait3A_621 = arith.constant 0 : i32
      %dma_wait3A_622 = arith.constant 0 : i32
      %dma_wait3A_623 = tpu.memref_slice %arg3[%dma_wait3A_621, %dma_wait3A_622] : memref<8000x128xf32, #tpu.memory_space<hbm>> -> memref<8000x128xf32, #tpu.memory_space<hbm>>
      tpu.wait_indirect_dma semaphore(%arg11 : memref<!tpu.dma_semaphore, #tpu.memory_space<semaphore_mem>>) src(%dma_wait3A_623 : memref<8000x128xf32, #tpu.memory_space<hbm>>) dst(%dma_wait3A_618 : memref<32x128xf32, #tpu.memory_space<vmem>>)
      %dma_wait3A_624 = arith.constant 0 : i32
      %dma_wait3A_625 = arith.constant 256 : i32
      %dma_wait3A_626 = tpu.memref_slice %arg9[%dma_wait3A_624, %dma_wait3A_625] : memref<32x1024xf32, #tpu.memory_space<vmem>> -> memref<32x128xf32, #tpu.memory_space<vmem>>
      %dma_wait3A_627 = arith.constant 64 : i32
      %dma_wait3A_628 = tpu.memref_slice %arg7[%dma_wait3A_627] : memref<256xi32, #tpu.memory_space<vmem>> -> memref<32xi32, #tpu.memory_space<vmem>>
      %dma_wait3A_629 = arith.constant 0 : i32
      %dma_wait3A_630 = arith.constant 0 : i32
      %dma_wait3A_631 = tpu.memref_slice %arg3[%dma_wait3A_629, %dma_wait3A_630] : memref<8000x128xf32, #tpu.memory_space<hbm>> -> memref<8000x128xf32, #tpu.memory_space<hbm>>
      tpu.wait_indirect_dma semaphore(%arg11 : memref<!tpu.dma_semaphore, #tpu.memory_space<semaphore_mem>>) src(%dma_wait3A_631 : memref<8000x128xf32, #tpu.memory_space<hbm>>) dst(%dma_wait3A_626 : memref<32x128xf32, #tpu.memory_space<vmem>>)
      %dma_wait3A_632 = arith.constant 0 : i32
      %dma_wait3A_633 = arith.constant 384 : i32
      %dma_wait3A_634 = tpu.memref_slice %arg9[%dma_wait3A_632, %dma_wait3A_633] : memref<32x1024xf32, #tpu.memory_space<vmem>> -> memref<32x128xf32, #tpu.memory_space<vmem>>
      %dma_wait3A_635 = arith.constant 96 : i32
      %dma_wait3A_636 = tpu.memref_slice %arg7[%dma_wait3A_635] : memref<256xi32, #tpu.memory_space<vmem>> -> memref<32xi32, #tpu.memory_space<vmem>>
      %dma_wait3A_637 = arith.constant 0 : i32
      %dma_wait3A_638 = arith.constant 0 : i32
      %dma_wait3A_639 = tpu.memref_slice %arg3[%dma_wait3A_637, %dma_wait3A_638] : memref<8000x128xf32, #tpu.memory_space<hbm>> -> memref<8000x128xf32, #tpu.memory_space<hbm>>
      tpu.wait_indirect_dma semaphore(%arg11 : memref<!tpu.dma_semaphore, #tpu.memory_space<semaphore_mem>>) src(%dma_wait3A_639 : memref<8000x128xf32, #tpu.memory_space<hbm>>) dst(%dma_wait3A_634 : memref<32x128xf32, #tpu.memory_space<vmem>>)
      %dma_wait3A_640 = arith.constant 0 : i32
      %dma_wait3A_641 = arith.constant 512 : i32
      %dma_wait3A_642 = tpu.memref_slice %arg9[%dma_wait3A_640, %dma_wait3A_641] : memref<32x1024xf32, #tpu.memory_space<vmem>> -> memref<32x128xf32, #tpu.memory_space<vmem>>
      %dma_wait3A_643 = arith.constant 128 : i32
      %dma_wait3A_644 = tpu.memref_slice %arg7[%dma_wait3A_643] : memref<256xi32, #tpu.memory_space<vmem>> -> memref<32xi32, #tpu.memory_space<vmem>>
      %dma_wait3A_645 = arith.constant 0 : i32
      %dma_wait3A_646 = arith.constant 0 : i32
      %dma_wait3A_647 = tpu.memref_slice %arg3[%dma_wait3A_645, %dma_wait3A_646] : memref<8000x128xf32, #tpu.memory_space<hbm>> -> memref<8000x128xf32, #tpu.memory_space<hbm>>
      tpu.wait_indirect_dma semaphore(%arg11 : memref<!tpu.dma_semaphore, #tpu.memory_space<semaphore_mem>>) src(%dma_wait3A_647 : memref<8000x128xf32, #tpu.memory_space<hbm>>) dst(%dma_wait3A_642 : memref<32x128xf32, #tpu.memory_space<vmem>>)
      %dma_wait3A_648 = arith.constant 0 : i32
      %dma_wait3A_649 = arith.constant 640 : i32
      %dma_wait3A_650 = tpu.memref_slice %arg9[%dma_wait3A_648, %dma_wait3A_649] : memref<32x1024xf32, #tpu.memory_space<vmem>> -> memref<32x128xf32, #tpu.memory_space<vmem>>
      %dma_wait3A_651 = arith.constant 160 : i32
      %dma_wait3A_652 = tpu.memref_slice %arg7[%dma_wait3A_651] : memref<256xi32, #tpu.memory_space<vmem>> -> memref<32xi32, #tpu.memory_space<vmem>>
      %dma_wait3A_653 = arith.constant 0 : i32
      %dma_wait3A_654 = arith.constant 0 : i32
      %dma_wait3A_655 = tpu.memref_slice %arg3[%dma_wait3A_653, %dma_wait3A_654] : memref<8000x128xf32, #tpu.memory_space<hbm>> -> memref<8000x128xf32, #tpu.memory_space<hbm>>
      tpu.wait_indirect_dma semaphore(%arg11 : memref<!tpu.dma_semaphore, #tpu.memory_space<semaphore_mem>>) src(%dma_wait3A_655 : memref<8000x128xf32, #tpu.memory_space<hbm>>) dst(%dma_wait3A_650 : memref<32x128xf32, #tpu.memory_space<vmem>>)
      %dma_wait3A_656 = arith.constant 0 : i32
      %dma_wait3A_657 = arith.constant 768 : i32
      %dma_wait3A_658 = tpu.memref_slice %arg9[%dma_wait3A_656, %dma_wait3A_657] : memref<32x1024xf32, #tpu.memory_space<vmem>> -> memref<32x128xf32, #tpu.memory_space<vmem>>
      %dma_wait3A_659 = arith.constant 192 : i32
      %dma_wait3A_660 = tpu.memref_slice %arg7[%dma_wait3A_659] : memref<256xi32, #tpu.memory_space<vmem>> -> memref<32xi32, #tpu.memory_space<vmem>>
      %dma_wait3A_661 = arith.constant 0 : i32
      %dma_wait3A_662 = arith.constant 0 : i32
      %dma_wait3A_663 = tpu.memref_slice %arg3[%dma_wait3A_661, %dma_wait3A_662] : memref<8000x128xf32, #tpu.memory_space<hbm>> -> memref<8000x128xf32, #tpu.memory_space<hbm>>
      tpu.wait_indirect_dma semaphore(%arg11 : memref<!tpu.dma_semaphore, #tpu.memory_space<semaphore_mem>>) src(%dma_wait3A_663 : memref<8000x128xf32, #tpu.memory_space<hbm>>) dst(%dma_wait3A_658 : memref<32x128xf32, #tpu.memory_space<vmem>>)
      %dma_wait3A_664 = arith.constant 0 : i32
      %dma_wait3A_665 = arith.constant 896 : i32
      %dma_wait3A_666 = tpu.memref_slice %arg9[%dma_wait3A_664, %dma_wait3A_665] : memref<32x1024xf32, #tpu.memory_space<vmem>> -> memref<32x128xf32, #tpu.memory_space<vmem>>
      %dma_wait3A_667 = arith.constant 224 : i32
      %dma_wait3A_668 = tpu.memref_slice %arg7[%dma_wait3A_667] : memref<256xi32, #tpu.memory_space<vmem>> -> memref<32xi32, #tpu.memory_space<vmem>>
      %dma_wait3A_669 = arith.constant 0 : i32
      %dma_wait3A_670 = arith.constant 0 : i32
      %dma_wait3A_671 = tpu.memref_slice %arg3[%dma_wait3A_669, %dma_wait3A_670] : memref<8000x128xf32, #tpu.memory_space<hbm>> -> memref<8000x128xf32, #tpu.memory_space<hbm>>
      tpu.wait_indirect_dma semaphore(%arg11 : memref<!tpu.dma_semaphore, #tpu.memory_space<semaphore_mem>>) src(%dma_wait3A_671 : memref<8000x128xf32, #tpu.memory_space<hbm>>) dst(%dma_wait3A_666 : memref<32x128xf32, #tpu.memory_space<vmem>>)
      %mul3A_672 = arith.constant 32 : i32
      %mul3A_673 = arith.muli %add3A_536, %mul3A_672 : i32
      %add3A_674 = arith.addi %mul3A_2, %mul3A_673 : i32
      %dma_start3A_675 = arith.constant 0 : i32
      %dma_start3A_676 = tpu.memref_slice %arg4[%add3A_674, %dma_start3A_675] : memref<204800x1024xf32, #tpu.memory_space<hbm>> -> memref<32x1024xf32, #tpu.memory_space<hbm>>
      %dma_start3A_677 = arith.constant 0 : i32
      %dma_start3A_678 = tpu.memref_slice %arg4[%add3A_674, %dma_start3A_677] : memref<204800x1024xf32, #tpu.memory_space<hbm>> -> memref<32x1024xf32, #tpu.memory_space<hbm>>
      tpu.enqueue_dma source(%arg9 : memref<32x1024xf32, #tpu.memory_space<vmem>>) target(%dma_start3A_678 : memref<32x1024xf32, #tpu.memory_space<hbm>>) target_semaphore(%arg13 : memref<!tpu.dma_semaphore, #tpu.memory_space<semaphore_mem>>)
      %mul3A_679 = arith.constant 32 : i32
      %mul3A_680 = arith.muli %mul3A_534, %mul3A_679 : i32
      %add3A_681 = arith.addi %mul3A_2, %mul3A_680 : i32
      %dma_wait3A_682 = arith.constant 0 : i32
      %dma_wait3A_683 = tpu.memref_slice %arg4[%add3A_681, %dma_wait3A_682] : memref<204800x1024xf32, #tpu.memory_space<hbm>> -> memref<32x1024xf32, #tpu.memory_space<hbm>>
      %dma_wait3A_684 = arith.constant 0 : i32
      %dma_wait3A_685 = tpu.memref_slice %arg4[%add3A_681, %dma_wait3A_684] : memref<204800x1024xf32, #tpu.memory_space<hbm>> -> memref<32x1024xf32, #tpu.memory_space<hbm>>
      tpu.wait_dma2 semaphore(%arg12 : memref<!tpu.dma_semaphore, #tpu.memory_space<semaphore_mem>>) src(%arg8 : memref<32x1024xf32, #tpu.memory_space<vmem>>) dst(%dma_wait3A_685 : memref<32x1024xf32, #tpu.memory_space<hbm>>)
      %add3A_686 = arith.constant 2 : i32
      %add3A_687 = arith.addi %mul3A_534, %add3A_686 : i32
      %mul3A_688 = arith.constant 32 : i32
      %mul3A_689 = arith.muli %add3A_687, %mul3A_688 : i32
      %add3A_690 = arith.constant 0 : i32
      %add3A_691 = arith.addi %mul3A_689, %add3A_690 : i32
      %get3A_692 = arith.index_cast %add3A_691 : i32 to index
      %get3A_693 = tpu.vector_load %arg5[%get3A_692] {strides = array<i32>} : memref<6400xi32, #tpu.memory_space<vmem>>, vector<16xi32>,
      %get3A_694 = vector.shape_cast %get3A_693 : vector<16xi32> to vector<16xi32>
      %mul3A_695 = arith.constant 8 : i32
      %mul3A_696 = vector.broadcast %mul3A_695 : i32 to vector<16xi32>
      %mul3A_697 = arith.muli %get3A_694, %mul3A_696 : vector<16xi32>
      %add3A_698 = arith.constant 0 : i32
      %add3A_699 = vector.broadcast %add3A_698 : i32 to vector<16xi32>
      %add3A_700 = arith.addi %mul3A_697, %add3A_699 : vector<16xi32>
      %swap3A_701 = arith.constant 0 : index
      %swap3A_702 = tpu.vector_load %arg6[%swap3A_701] {strides = array<i32>} : memref<256xi32, #tpu.memory_space<vmem>>, vector<16xi32>,
      %swap3A_703 = vector.shape_cast %swap3A_702 : vector<16xi32> to vector<16xi32>
      %swap3A_704 = vector.shape_cast %add3A_700 : vector<16xi32> to vector<16xi32>
      tpu.vector_store %arg6[%swap3A_701], %swap3A_704 {strides = array<i32>} : memref<256xi32, #tpu.memory_space<vmem>>, vector<16xi32>,
      %add3A_705 = arith.constant 1 : i32
      %add3A_706 = vector.broadcast %add3A_705 : i32 to vector<16xi32>
      %add3A_707 = arith.addi %mul3A_697, %add3A_706 : vector<16xi32>
      %swap3A_708 = arith.constant 32 : index
      %swap3A_709 = tpu.vector_load %arg6[%swap3A_708] {strides = array<i32>} : memref<256xi32, #tpu.memory_space<vmem>>, vector<16xi32>,
      %swap3A_710 = vector.shape_cast %swap3A_709 : vector<16xi32> to vector<16xi32>
      %swap3A_711 = vector.shape_cast %add3A_707 : vector<16xi32> to vector<16xi32>
      tpu.vector_store %arg6[%swap3A_708], %swap3A_711 {strides = array<i32>} : memref<256xi32, #tpu.memory_space<vmem>>, vector<16xi32>,
      %add3A_712 = arith.constant 2 : i32
      %add3A_713 = vector.broadcast %add3A_712 : i32 to vector<16xi32>
      %add3A_714 = arith.addi %mul3A_697, %add3A_713 : vector<16xi32>
      %swap3A_715 = arith.constant 64 : index
      %swap3A_716 = tpu.vector_load %arg6[%swap3A_715] {strides = array<i32>} : memref<256xi32, #tpu.memory_space<vmem>>, vector<16xi32>,
      %swap3A_717 = vector.shape_cast %swap3A_716 : vector<16xi32> to vector<16xi32>
      %swap3A_718 = vector.shape_cast %add3A_714 : vector<16xi32> to vector<16xi32>
      tpu.vector_store %arg6[%swap3A_715], %swap3A_718 {strides = array<i32>} : memref<256xi32, #tpu.memory_space<vmem>>, vector<16xi32>,
      %add3A_719 = arith.constant 3 : i32
      %add3A_720 = vector.broadcast %add3A_719 : i32 to vector<16xi32>
      %add3A_721 = arith.addi %mul3A_697, %add3A_720 : vector<16xi32>
      %swap3A_722 = arith.constant 96 : index
      %swap3A_723 = tpu.vector_load %arg6[%swap3A_722] {strides = array<i32>} : memref<256xi32, #tpu.memory_space<vmem>>, vector<16xi32>,
      %swap3A_724 = vector.shape_cast %swap3A_723 : vector<16xi32> to vector<16xi32>
      %swap3A_725 = vector.shape_cast %add3A_721 : vector<16xi32> to vector<16xi32>
      tpu.vector_store %arg6[%swap3A_722], %swap3A_725 {strides = array<i32>} : memref<256xi32, #tpu.memory_space<vmem>>, vector<16xi32>,
      %add3A_726 = arith.constant 4 : i32
      %add3A_727 = vector.broadcast %add3A_726 : i32 to vector<16xi32>
      %add3A_728 = arith.addi %mul3A_697, %add3A_727 : vector<16xi32>
      %swap3A_729 = arith.constant 128 : index
      %swap3A_730 = tpu.vector_load %arg6[%swap3A_729] {strides = array<i32>} : memref<256xi32, #tpu.memory_space<vmem>>, vector<16xi32>,
      %swap3A_731 = vector.shape_cast %swap3A_730 : vector<16xi32> to vector<16xi32>
      %swap3A_732 = vector.shape_cast %add3A_728 : vector<16xi32> to vector<16xi32>
      tpu.vector_store %arg6[%swap3A_729], %swap3A_732 {strides = array<i32>} : memref<256xi32, #tpu.memory_space<vmem>>, vector<16xi32>,
      %add3A_733 = arith.constant 5 : i32
      %add3A_734 = vector.broadcast %add3A_733 : i32 to vector<16xi32>
      %add3A_735 = arith.addi %mul3A_697, %add3A_734 : vector<16xi32>
      %swap3A_736 = arith.constant 160 : index
      %swap3A_737 = tpu.vector_load %arg6[%swap3A_736] {strides = array<i32>} : memref<256xi32, #tpu.memory_space<vmem>>, vector<16xi32>,
      %swap3A_738 = vector.shape_cast %swap3A_737 : vector<16xi32> to vector<16xi32>
      %swap3A_739 = vector.shape_cast %add3A_735 : vector<16xi32> to vector<16xi32>
      tpu.vector_store %arg6[%swap3A_736], %swap3A_739 {strides = array<i32>} : memref<256xi32, #tpu.memory_space<vmem>>, vector<16xi32>,
      %add3A_740 = arith.constant 6 : i32
      %add3A_741 = vector.broadcast %add3A_740 : i32 to vector<16xi32>
      %add3A_742 = arith.addi %mul3A_697, %add3A_741 : vector<16xi32>
      %swap3A_743 = arith.constant 192 : index
      %swap3A_744 = tpu.vector_load %arg6[%swap3A_743] {strides = array<i32>} : memref<256xi32, #tpu.memory_space<vmem>>, vector<16xi32>,
      %swap3A_745 = vector.shape_cast %swap3A_744 : vector<16xi32> to vector<16xi32>
      %swap3A_746 = vector.shape_cast %add3A_742 : vector<16xi32> to vector<16xi32>
      tpu.vector_store %arg6[%swap3A_743], %swap3A_746 {strides = array<i32>} : memref<256xi32, #tpu.memory_space<vmem>>, vector<16xi32>,
      %add3A_747 = arith.constant 7 : i32
      %add3A_748 = vector.broadcast %add3A_747 : i32 to vector<16xi32>
      %add3A_749 = arith.addi %mul3A_697, %add3A_748 : vector<16xi32>
      %swap3A_750 = arith.constant 224 : index
      %swap3A_751 = tpu.vector_load %arg6[%swap3A_750] {strides = array<i32>} : memref<256xi32, #tpu.memory_space<vmem>>, vector<16xi32>,
      %swap3A_752 = vector.shape_cast %swap3A_751 : vector<16xi32> to vector<16xi32>
      %swap3A_753 = vector.shape_cast %add3A_749 : vector<16xi32> to vector<16xi32>
      tpu.vector_store %arg6[%swap3A_750], %swap3A_753 {strides = array<i32>} : memref<256xi32, #tpu.memory_space<vmem>>, vector<16xi32>,
      %mul3A_754 = arith.constant 32 : i32
      %mul3A_755 = arith.muli %add3A_687, %mul3A_754 : i32
      %add3A_756 = arith.constant 16 : i32
      %add3A_757 = arith.addi %mul3A_755, %add3A_756 : i32
      %get3A_758 = arith.index_cast %add3A_757 : i32 to index
      %get3A_759 = tpu.vector_load %arg5[%get3A_758] {strides = array<i32>} : memref<6400xi32, #tpu.memory_space<vmem>>, vector<16xi32>,
      %get3A_760 = vector.shape_cast %get3A_759 : vector<16xi32> to vector<16xi32>
      %mul3A_761 = arith.constant 8 : i32
      %mul3A_762 = vector.broadcast %mul3A_761 : i32 to vector<16xi32>
      %mul3A_763 = arith.muli %get3A_760, %mul3A_762 : vector<16xi32>
      %add3A_764 = arith.constant 0 : i32
      %add3A_765 = vector.broadcast %add3A_764 : i32 to vector<16xi32>
      %add3A_766 = arith.addi %mul3A_763, %add3A_765 : vector<16xi32>
      %swap3A_767 = arith.constant 16 : index
      %swap3A_768 = tpu.vector_load %arg6[%swap3A_767] {strides = array<i32>} : memref<256xi32, #tpu.memory_space<vmem>>, vector<16xi32>,
      %swap3A_769 = vector.shape_cast %swap3A_768 : vector<16xi32> to vector<16xi32>
      %swap3A_770 = vector.shape_cast %add3A_766 : vector<16xi32> to vector<16xi32>
      tpu.vector_store %arg6[%swap3A_767], %swap3A_770 {strides = array<i32>} : memref<256xi32, #tpu.memory_space<vmem>>, vector<16xi32>,
      %add3A_771 = arith.constant 1 : i32
      %add3A_772 = vector.broadcast %add3A_771 : i32 to vector<16xi32>
      %add3A_773 = arith.addi %mul3A_763, %add3A_772 : vector<16xi32>
      %swap3A_774 = arith.constant 48 : index
      %swap3A_775 = tpu.vector_load %arg6[%swap3A_774] {strides = array<i32>} : memref<256xi32, #tpu.memory_space<vmem>>, vector<16xi32>,
      %swap3A_776 = vector.shape_cast %swap3A_775 : vector<16xi32> to vector<16xi32>
      %swap3A_777 = vector.shape_cast %add3A_773 : vector<16xi32> to vector<16xi32>
      tpu.vector_store %arg6[%swap3A_774], %swap3A_777 {strides = array<i32>} : memref<256xi32, #tpu.memory_space<vmem>>, vector<16xi32>,
      %add3A_778 = arith.constant 2 : i32
      %add3A_779 = vector.broadcast %add3A_778 : i32 to vector<16xi32>
      %add3A_780 = arith.addi %mul3A_763, %add3A_779 : vector<16xi32>
      %swap3A_781 = arith.constant 80 : index
      %swap3A_782 = tpu.vector_load %arg6[%swap3A_781] {strides = array<i32>} : memref<256xi32, #tpu.memory_space<vmem>>, vector<16xi32>,
      %swap3A_783 = vector.shape_cast %swap3A_782 : vector<16xi32> to vector<16xi32>
      %swap3A_784 = vector.shape_cast %add3A_780 : vector<16xi32> to vector<16xi32>
      tpu.vector_store %arg6[%swap3A_781], %swap3A_784 {strides = array<i32>} : memref<256xi32, #tpu.memory_space<vmem>>, vector<16xi32>,
      %add3A_785 = arith.constant 3 : i32
      %add3A_786 = vector.broadcast %add3A_785 : i32 to vector<16xi32>
      %add3A_787 = arith.addi %mul3A_763, %add3A_786 : vector<16xi32>
      %swap3A_788 = arith.constant 112 : index
      %swap3A_789 = tpu.vector_load %arg6[%swap3A_788] {strides = array<i32>} : memref<256xi32, #tpu.memory_space<vmem>>, vector<16xi32>,
      %swap3A_790 = vector.shape_cast %swap3A_789 : vector<16xi32> to vector<16xi32>
      %swap3A_791 = vector.shape_cast %add3A_787 : vector<16xi32> to vector<16xi32>
      tpu.vector_store %arg6[%swap3A_788], %swap3A_791 {strides = array<i32>} : memref<256xi32, #tpu.memory_space<vmem>>, vector<16xi32>,
      %add3A_792 = arith.constant 4 : i32
      %add3A_793 = vector.broadcast %add3A_792 : i32 to vector<16xi32>
      %add3A_794 = arith.addi %mul3A_763, %add3A_793 : vector<16xi32>
      %swap3A_795 = arith.constant 144 : index
      %swap3A_796 = tpu.vector_load %arg6[%swap3A_795] {strides = array<i32>} : memref<256xi32, #tpu.memory_space<vmem>>, vector<16xi32>,
      %swap3A_797 = vector.shape_cast %swap3A_796 : vector<16xi32> to vector<16xi32>
      %swap3A_798 = vector.shape_cast %add3A_794 : vector<16xi32> to vector<16xi32>
      tpu.vector_store %arg6[%swap3A_795], %swap3A_798 {strides = array<i32>} : memref<256xi32, #tpu.memory_space<vmem>>, vector<16xi32>,
      %add3A_799 = arith.constant 5 : i32
      %add3A_800 = vector.broadcast %add3A_799 : i32 to vector<16xi32>
      %add3A_801 = arith.addi %mul3A_763, %add3A_800 : vector<16xi32>
      %swap3A_802 = arith.constant 176 : index
      %swap3A_803 = tpu.vector_load %arg6[%swap3A_802] {strides = array<i32>} : memref<256xi32, #tpu.memory_space<vmem>>, vector<16xi32>,
      %swap3A_804 = vector.shape_cast %swap3A_803 : vector<16xi32> to vector<16xi32>
      %swap3A_805 = vector.shape_cast %add3A_801 : vector<16xi32> to vector<16xi32>
      tpu.vector_store %arg6[%swap3A_802], %swap3A_805 {strides = array<i32>} : memref<256xi32, #tpu.memory_space<vmem>>, vector<16xi32>,
      %add3A_806 = arith.constant 6 : i32
      %add3A_807 = vector.broadcast %add3A_806 : i32 to vector<16xi32>
      %add3A_808 = arith.addi %mul3A_763, %add3A_807 : vector<16xi32>
      %swap3A_809 = arith.constant 208 : index
      %swap3A_810 = tpu.vector_load %arg6[%swap3A_809] {strides = array<i32>} : memref<256xi32, #tpu.memory_space<vmem>>, vector<16xi32>,
      %swap3A_811 = vector.shape_cast %swap3A_810 : vector<16xi32> to vector<16xi32>
      %swap3A_812 = vector.shape_cast %add3A_808 : vector<16xi32> to vector<16xi32>
      tpu.vector_store %arg6[%swap3A_809], %swap3A_812 {strides = array<i32>} : memref<256xi32, #tpu.memory_space<vmem>>, vector<16xi32>,
      %add3A_813 = arith.constant 7 : i32
      %add3A_814 = vector.broadcast %add3A_813 : i32 to vector<16xi32>
      %add3A_815 = arith.addi %mul3A_763, %add3A_814 : vector<16xi32>
      %swap3A_816 = arith.constant 240 : index
      %swap3A_817 = tpu.vector_load %arg6[%swap3A_816] {strides = array<i32>} : memref<256xi32, #tpu.memory_space<vmem>>, vector<16xi32>,
      %swap3A_818 = vector.shape_cast %swap3A_817 : vector<16xi32> to vector<16xi32>
      %swap3A_819 = vector.shape_cast %add3A_815 : vector<16xi32> to vector<16xi32>
      tpu.vector_store %arg6[%swap3A_816], %swap3A_819 {strides = array<i32>} : memref<256xi32, #tpu.memory_space<vmem>>, vector<16xi32>,
      %dma_start3A_820 = arith.constant 0 : i32
      %dma_start3A_821 = arith.constant 0 : i32
      %dma_start3A_822 = tpu.memref_slice %arg8[%dma_start3A_820, %dma_start3A_821] : memref<32x1024xf32, #tpu.memory_space<vmem>> -> memref<32x128xf32, #tpu.memory_space<vmem>>
      %dma_start3A_823 = arith.constant 0 : i32
      %dma_start3A_824 = tpu.memref_slice %arg6[%dma_start3A_823] : memref<256xi32, #tpu.memory_space<vmem>> -> memref<32xi32, #tpu.memory_space<vmem>>
      %dma_start3A_825 = arith.constant 0 : i32
      %dma_start3A_826 = arith.constant 0 : i32
      %dma_start3A_827 = tpu.memref_slice %arg3[%dma_start3A_825, %dma_start3A_826] : memref<8000x128xf32, #tpu.memory_space<hbm>> -> memref<8000x128xf32, #tpu.memory_space<hbm>>
      tpu.enqueue_indirect_dma source(%dma_start3A_827 : memref<8000x128xf32, #tpu.memory_space<hbm>>) target(%dma_start3A_822 : memref<32x128xf32, #tpu.memory_space<vmem>>) offsets(%dma_start3A_824 : memref<32xi32, #tpu.memory_space<vmem>>) semaphore(%arg10 : memref<!tpu.dma_semaphore, #tpu.memory_space<semaphore_mem>>)
      %dma_start3A_828 = arith.constant 0 : i32
      %dma_start3A_829 = arith.constant 128 : i32
      %dma_start3A_830 = tpu.memref_slice %arg8[%dma_start3A_828, %dma_start3A_829] : memref<32x1024xf32, #tpu.memory_space<vmem>> -> memref<32x128xf32, #tpu.memory_space<vmem>>
      %dma_start3A_831 = arith.constant 32 : i32
      %dma_start3A_832 = tpu.memref_slice %arg6[%dma_start3A_831] : memref<256xi32, #tpu.memory_space<vmem>> -> memref<32xi32, #tpu.memory_space<vmem>>
      %dma_start3A_833 = arith.constant 0 : i32
      %dma_start3A_834 = arith.constant 0 : i32
      %dma_start3A_835 = tpu.memref_slice %arg3[%dma_start3A_833, %dma_start3A_834] : memref<8000x128xf32, #tpu.memory_space<hbm>> -> memref<8000x128xf32, #tpu.memory_space<hbm>>
      tpu.enqueue_indirect_dma source(%dma_start3A_835 : memref<8000x128xf32, #tpu.memory_space<hbm>>) target(%dma_start3A_830 : memref<32x128xf32, #tpu.memory_space<vmem>>) offsets(%dma_start3A_832 : memref<32xi32, #tpu.memory_space<vmem>>) semaphore(%arg10 : memref<!tpu.dma_semaphore, #tpu.memory_space<semaphore_mem>>)
      %dma_start3A_836 = arith.constant 0 : i32
      %dma_start3A_837 = arith.constant 256 : i32
      %dma_start3A_838 = tpu.memref_slice %arg8[%dma_start3A_836, %dma_start3A_837] : memref<32x1024xf32, #tpu.memory_space<vmem>> -> memref<32x128xf32, #tpu.memory_space<vmem>>
      %dma_start3A_839 = arith.constant 64 : i32
      %dma_start3A_840 = tpu.memref_slice %arg6[%dma_start3A_839] : memref<256xi32, #tpu.memory_space<vmem>> -> memref<32xi32, #tpu.memory_space<vmem>>
      %dma_start3A_841 = arith.constant 0 : i32
      %dma_start3A_842 = arith.constant 0 : i32
      %dma_start3A_843 = tpu.memref_slice %arg3[%dma_start3A_841, %dma_start3A_842] : memref<8000x128xf32, #tpu.memory_space<hbm>> -> memref<8000x128xf32, #tpu.memory_space<hbm>>
      tpu.enqueue_indirect_dma source(%dma_start3A_843 : memref<8000x128xf32, #tpu.memory_space<hbm>>) target(%dma_start3A_838 : memref<32x128xf32, #tpu.memory_space<vmem>>) offsets(%dma_start3A_840 : memref<32xi32, #tpu.memory_space<vmem>>) semaphore(%arg10 : memref<!tpu.dma_semaphore, #tpu.memory_space<semaphore_mem>>)
      %dma_start3A_844 = arith.constant 0 : i32
      %dma_start3A_845 = arith.constant 384 : i32
      %dma_start3A_846 = tpu.memref_slice %arg8[%dma_start3A_844, %dma_start3A_845] : memref<32x1024xf32, #tpu.memory_space<vmem>> -> memref<32x128xf32, #tpu.memory_space<vmem>>
      %dma_start3A_847 = arith.constant 96 : i32
      %dma_start3A_848 = tpu.memref_slice %arg6[%dma_start3A_847] : memref<256xi32, #tpu.memory_space<vmem>> -> memref<32xi32, #tpu.memory_space<vmem>>
      %dma_start3A_849 = arith.constant 0 : i32
      %dma_start3A_850 = arith.constant 0 : i32
      %dma_start3A_851 = tpu.memref_slice %arg3[%dma_start3A_849, %dma_start3A_850] : memref<8000x128xf32, #tpu.memory_space<hbm>> -> memref<8000x128xf32, #tpu.memory_space<hbm>>
      tpu.enqueue_indirect_dma source(%dma_start3A_851 : memref<8000x128xf32, #tpu.memory_space<hbm>>) target(%dma_start3A_846 : memref<32x128xf32, #tpu.memory_space<vmem>>) offsets(%dma_start3A_848 : memref<32xi32, #tpu.memory_space<vmem>>) semaphore(%arg10 : memref<!tpu.dma_semaphore, #tpu.memory_space<semaphore_mem>>)
      %dma_start3A_852 = arith.constant 0 : i32
      %dma_start3A_853 = arith.constant 512 : i32
      %dma_start3A_854 = tpu.memref_slice %arg8[%dma_start3A_852, %dma_start3A_853] : memref<32x1024xf32, #tpu.memory_space<vmem>> -> memref<32x128xf32, #tpu.memory_space<vmem>>
      %dma_start3A_855 = arith.constant 128 : i32
      %dma_start3A_856 = tpu.memref_slice %arg6[%dma_start3A_855] : memref<256xi32, #tpu.memory_space<vmem>> -> memref<32xi32, #tpu.memory_space<vmem>>
      %dma_start3A_857 = arith.constant 0 : i32
      %dma_start3A_858 = arith.constant 0 : i32
      %dma_start3A_859 = tpu.memref_slice %arg3[%dma_start3A_857, %dma_start3A_858] : memref<8000x128xf32, #tpu.memory_space<hbm>> -> memref<8000x128xf32, #tpu.memory_space<hbm>>
      tpu.enqueue_indirect_dma source(%dma_start3A_859 : memref<8000x128xf32, #tpu.memory_space<hbm>>) target(%dma_start3A_854 : memref<32x128xf32, #tpu.memory_space<vmem>>) offsets(%dma_start3A_856 : memref<32xi32, #tpu.memory_space<vmem>>) semaphore(%arg10 : memref<!tpu.dma_semaphore, #tpu.memory_space<semaphore_mem>>)
      %dma_start3A_860 = arith.constant 0 : i32
      %dma_start3A_861 = arith.constant 640 : i32
      %dma_start3A_862 = tpu.memref_slice %arg8[%dma_start3A_860, %dma_start3A_861] : memref<32x1024xf32, #tpu.memory_space<vmem>> -> memref<32x128xf32, #tpu.memory_space<vmem>>
      %dma_start3A_863 = arith.constant 160 : i32
      %dma_start3A_864 = tpu.memref_slice %arg6[%dma_start3A_863] : memref<256xi32, #tpu.memory_space<vmem>> -> memref<32xi32, #tpu.memory_space<vmem>>
      %dma_start3A_865 = arith.constant 0 : i32
      %dma_start3A_866 = arith.constant 0 : i32
      %dma_start3A_867 = tpu.memref_slice %arg3[%dma_start3A_865, %dma_start3A_866] : memref<8000x128xf32, #tpu.memory_space<hbm>> -> memref<8000x128xf32, #tpu.memory_space<hbm>>
      tpu.enqueue_indirect_dma source(%dma_start3A_867 : memref<8000x128xf32, #tpu.memory_space<hbm>>) target(%dma_start3A_862 : memref<32x128xf32, #tpu.memory_space<vmem>>) offsets(%dma_start3A_864 : memref<32xi32, #tpu.memory_space<vmem>>) semaphore(%arg10 : memref<!tpu.dma_semaphore, #tpu.memory_space<semaphore_mem>>)
      %dma_start3A_868 = arith.constant 0 : i32
      %dma_start3A_869 = arith.constant 768 : i32
      %dma_start3A_870 = tpu.memref_slice %arg8[%dma_start3A_868, %dma_start3A_869] : memref<32x1024xf32, #tpu.memory_space<vmem>> -> memref<32x128xf32, #tpu.memory_space<vmem>>
      %dma_start3A_871 = arith.constant 192 : i32
      %dma_start3A_872 = tpu.memref_slice %arg6[%dma_start3A_871] : memref<256xi32, #tpu.memory_space<vmem>> -> memref<32xi32, #tpu.memory_space<vmem>>
      %dma_start3A_873 = arith.constant 0 : i32
      %dma_start3A_874 = arith.constant 0 : i32
      %dma_start3A_875 = tpu.memref_slice %arg3[%dma_start3A_873, %dma_start3A_874] : memref<8000x128xf32, #tpu.memory_space<hbm>> -> memref<8000x128xf32, #tpu.memory_space<hbm>>
      tpu.enqueue_indirect_dma source(%dma_start3A_875 : memref<8000x128xf32, #tpu.memory_space<hbm>>) target(%dma_start3A_870 : memref<32x128xf32, #tpu.memory_space<vmem>>) offsets(%dma_start3A_872 : memref<32xi32, #tpu.memory_space<vmem>>) semaphore(%arg10 : memref<!tpu.dma_semaphore, #tpu.memory_space<semaphore_mem>>)
      %dma_start3A_876 = arith.constant 0 : i32
      %dma_start3A_877 = arith.constant 896 : i32
      %dma_start3A_878 = tpu.memref_slice %arg8[%dma_start3A_876, %dma_start3A_877] : memref<32x1024xf32, #tpu.memory_space<vmem>> -> memref<32x128xf32, #tpu.memory_space<vmem>>
      %dma_start3A_879 = arith.constant 224 : i32
      %dma_start3A_880 = tpu.memref_slice %arg6[%dma_start3A_879] : memref<256xi32, #tpu.memory_space<vmem>> -> memref<32xi32, #tpu.memory_space<vmem>>
      %dma_start3A_881 = arith.constant 0 : i32
      %dma_start3A_882 = arith.constant 0 : i32
      %dma_start3A_883 = tpu.memref_slice %arg3[%dma_start3A_881, %dma_start3A_882] : memref<8000x128xf32, #tpu.memory_space<hbm>> -> memref<8000x128xf32, #tpu.memory_space<hbm>>
      tpu.enqueue_indirect_dma source(%dma_start3A_883 : memref<8000x128xf32, #tpu.memory_space<hbm>>) target(%dma_start3A_878 : memref<32x128xf32, #tpu.memory_space<vmem>>) offsets(%dma_start3A_880 : memref<32xi32, #tpu.memory_space<vmem>>) semaphore(%arg10 : memref<!tpu.dma_semaphore, #tpu.memory_space<semaphore_mem>>)
      %mul3A_884 = arith.constant 32 : i32
      %mul3A_885 = arith.muli %add3A_536, %mul3A_884 : i32
      %add3A_886 = arith.addi %mul3A_2, %mul3A_885 : i32
      %dma_wait3A_887 = arith.constant 0 : i32
      %dma_wait3A_888 = tpu.memref_slice %arg4[%add3A_886, %dma_wait3A_887] : memref<204800x1024xf32, #tpu.memory_space<hbm>> -> memref<32x1024xf32, #tpu.memory_space<hbm>>
      %dma_wait3A_889 = arith.constant 0 : i32
      %dma_wait3A_890 = tpu.memref_slice %arg4[%add3A_886, %dma_wait3A_889] : memref<204800x1024xf32, #tpu.memory_space<hbm>> -> memref<32x1024xf32, #tpu.memory_space<hbm>>
      tpu.wait_dma2 semaphore(%arg13 : memref<!tpu.dma_semaphore, #tpu.memory_space<semaphore_mem>>) src(%arg9 : memref<32x1024xf32, #tpu.memory_space<vmem>>) dst(%dma_wait3A_890 : memref<32x1024xf32, #tpu.memory_space<hbm>>)
      %add3A_891 = arith.constant 2 : i32
      %add3A_892 = arith.addi %add3A_536, %add3A_891 : i32
      %mul3A_893 = arith.constant 32 : i32
      %mul3A_894 = arith.muli %add3A_892, %mul3A_893 : i32
      %add3A_895 = arith.constant 0 : i32
      %add3A_896 = arith.addi %mul3A_894, %add3A_895 : i32
      %get3A_897 = arith.index_cast %add3A_896 : i32 to index
      %get3A_898 = tpu.vector_load %arg5[%get3A_897] {strides = array<i32>} : memref<6400xi32, #tpu.memory_space<vmem>>, vector<16xi32>,
      %get3A_899 = vector.shape_cast %get3A_898 : vector<16xi32> to vector<16xi32>
      %mul3A_900 = arith.constant 8 : i32
      %mul3A_901 = vector.broadcast %mul3A_900 : i32 to vector<16xi32>
      %mul3A_902 = arith.muli %get3A_899, %mul3A_901 : vector<16xi32>
      %add3A_903 = arith.constant 0 : i32
      %add3A_904 = vector.broadcast %add3A_903 : i32 to vector<16xi32>
      %add3A_905 = arith.addi %mul3A_902, %add3A_904 : vector<16xi32>
      %swap3A_906 = arith.constant 0 : index
      %swap3A_907 = tpu.vector_load %arg7[%swap3A_906] {strides = array<i32>} : memref<256xi32, #tpu.memory_space<vmem>>, vector<16xi32>,
      %swap3A_908 = vector.shape_cast %swap3A_907 : vector<16xi32> to vector<16xi32>
      %swap3A_909 = vector.shape_cast %add3A_905 : vector<16xi32> to vector<16xi32>
      tpu.vector_store %arg7[%swap3A_906], %swap3A_909 {strides = array<i32>} : memref<256xi32, #tpu.memory_space<vmem>>, vector<16xi32>,
      %add3A_910 = arith.constant 1 : i32
      %add3A_911 = vector.broadcast %add3A_910 : i32 to vector<16xi32>
      %add3A_912 = arith.addi %mul3A_902, %add3A_911 : vector<16xi32>
      %swap3A_913 = arith.constant 32 : index
      %swap3A_914 = tpu.vector_load %arg7[%swap3A_913] {strides = array<i32>} : memref<256xi32, #tpu.memory_space<vmem>>, vector<16xi32>,
      %swap3A_915 = vector.shape_cast %swap3A_914 : vector<16xi32> to vector<16xi32>
      %swap3A_916 = vector.shape_cast %add3A_912 : vector<16xi32> to vector<16xi32>
      tpu.vector_store %arg7[%swap3A_913], %swap3A_916 {strides = array<i32>} : memref<256xi32, #tpu.memory_space<vmem>>, vector<16xi32>,
      %add3A_917 = arith.constant 2 : i32
      %add3A_918 = vector.broadcast %add3A_917 : i32 to vector<16xi32>
      %add3A_919 = arith.addi %mul3A_902, %add3A_918 : vector<16xi32>
      %swap3A_920 = arith.constant 64 : index
      %swap3A_921 = tpu.vector_load %arg7[%swap3A_920] {strides = array<i32>} : memref<256xi32, #tpu.memory_space<vmem>>, vector<16xi32>,
      %swap3A_922 = vector.shape_cast %swap3A_921 : vector<16xi32> to vector<16xi32>
      %swap3A_923 = vector.shape_cast %add3A_919 : vector<16xi32> to vector<16xi32>
      tpu.vector_store %arg7[%swap3A_920], %swap3A_923 {strides = array<i32>} : memref<256xi32, #tpu.memory_space<vmem>>, vector<16xi32>,
      %add3A_924 = arith.constant 3 : i32
      %add3A_925 = vector.broadcast %add3A_924 : i32 to vector<16xi32>
      %add3A_926 = arith.addi %mul3A_902, %add3A_925 : vector<16xi32>
      %swap3A_927 = arith.constant 96 : index
      %swap3A_928 = tpu.vector_load %arg7[%swap3A_927] {strides = array<i32>} : memref<256xi32, #tpu.memory_space<vmem>>, vector<16xi32>,
      %swap3A_929 = vector.shape_cast %swap3A_928 : vector<16xi32> to vector<16xi32>
      %swap3A_930 = vector.shape_cast %add3A_926 : vector<16xi32> to vector<16xi32>
      tpu.vector_store %arg7[%swap3A_927], %swap3A_930 {strides = array<i32>} : memref<256xi32, #tpu.memory_space<vmem>>, vector<16xi32>,
      %add3A_931 = arith.constant 4 : i32
      %add3A_932 = vector.broadcast %add3A_931 : i32 to vector<16xi32>
      %add3A_933 = arith.addi %mul3A_902, %add3A_932 : vector<16xi32>
      %swap3A_934 = arith.constant 128 : index
      %swap3A_935 = tpu.vector_load %arg7[%swap3A_934] {strides = array<i32>} : memref<256xi32, #tpu.memory_space<vmem>>, vector<16xi32>,
      %swap3A_936 = vector.shape_cast %swap3A_935 : vector<16xi32> to vector<16xi32>
      %swap3A_937 = vector.shape_cast %add3A_933 : vector<16xi32> to vector<16xi32>
      tpu.vector_store %arg7[%swap3A_934], %swap3A_937 {strides = array<i32>} : memref<256xi32, #tpu.memory_space<vmem>>, vector<16xi32>,
      %add3A_938 = arith.constant 5 : i32
      %add3A_939 = vector.broadcast %add3A_938 : i32 to vector<16xi32>
      %add3A_940 = arith.addi %mul3A_902, %add3A_939 : vector<16xi32>
      %swap3A_941 = arith.constant 160 : index
      %swap3A_942 = tpu.vector_load %arg7[%swap3A_941] {strides = array<i32>} : memref<256xi32, #tpu.memory_space<vmem>>, vector<16xi32>,
      %swap3A_943 = vector.shape_cast %swap3A_942 : vector<16xi32> to vector<16xi32>
      %swap3A_944 = vector.shape_cast %add3A_940 : vector<16xi32> to vector<16xi32>
      tpu.vector_store %arg7[%swap3A_941], %swap3A_944 {strides = array<i32>} : memref<256xi32, #tpu.memory_space<vmem>>, vector<16xi32>,
      %add3A_945 = arith.constant 6 : i32
      %add3A_946 = vector.broadcast %add3A_945 : i32 to vector<16xi32>
      %add3A_947 = arith.addi %mul3A_902, %add3A_946 : vector<16xi32>
      %swap3A_948 = arith.constant 192 : index
      %swap3A_949 = tpu.vector_load %arg7[%swap3A_948] {strides = array<i32>} : memref<256xi32, #tpu.memory_space<vmem>>, vector<16xi32>,
      %swap3A_950 = vector.shape_cast %swap3A_949 : vector<16xi32> to vector<16xi32>
      %swap3A_951 = vector.shape_cast %add3A_947 : vector<16xi32> to vector<16xi32>
      tpu.vector_store %arg7[%swap3A_948], %swap3A_951 {strides = array<i32>} : memref<256xi32, #tpu.memory_space<vmem>>, vector<16xi32>,
      %add3A_952 = arith.constant 7 : i32
      %add3A_953 = vector.broadcast %add3A_952 : i32 to vector<16xi32>
      %add3A_954 = arith.addi %mul3A_902, %add3A_953 : vector<16xi32>
      %swap3A_955 = arith.constant 224 : index
      %swap3A_956 = tpu.vector_load %arg7[%swap3A_955] {strides = array<i32>} : memref<256xi32, #tpu.memory_space<vmem>>, vector<16xi32>,
      %swap3A_957 = vector.shape_cast %swap3A_956 : vector<16xi32> to vector<16xi32>
      %swap3A_958 = vector.shape_cast %add3A_954 : vector<16xi32> to vector<16xi32>
      tpu.vector_store %arg7[%swap3A_955], %swap3A_958 {strides = array<i32>} : memref<256xi32, #tpu.memory_space<vmem>>, vector<16xi32>,
      %mul3A_959 = arith.constant 32 : i32
      %mul3A_960 = arith.muli %add3A_892, %mul3A_959 : i32
      %add3A_961 = arith.constant 16 : i32
      %add3A_962 = arith.addi %mul3A_960, %add3A_961 : i32
      %get3A_963 = arith.index_cast %add3A_962 : i32 to index
      %get3A_964 = tpu.vector_load %arg5[%get3A_963] {strides = array<i32>} : memref<6400xi32, #tpu.memory_space<vmem>>, vector<16xi32>,
      %get3A_965 = vector.shape_cast %get3A_964 : vector<16xi32> to vector<16xi32>
      %mul3A_966 = arith.constant 8 : i32
      %mul3A_967 = vector.broadcast %mul3A_966 : i32 to vector<16xi32>
      %mul3A_968 = arith.muli %get3A_965, %mul3A_967 : vector<16xi32>
      %add3A_969 = arith.constant 0 : i32
      %add3A_970 = vector.broadcast %add3A_969 : i32 to vector<16xi32>
      %add3A_971 = arith.addi %mul3A_968, %add3A_970 : vector<16xi32>
      %swap3A_972 = arith.constant 16 : index
      %swap3A_973 = tpu.vector_load %arg7[%swap3A_972] {strides = array<i32>} : memref<256xi32, #tpu.memory_space<vmem>>, vector<16xi32>,
      %swap3A_974 = vector.shape_cast %swap3A_973 : vector<16xi32> to vector<16xi32>
      %swap3A_975 = vector.shape_cast %add3A_971 : vector<16xi32> to vector<16xi32>
      tpu.vector_store %arg7[%swap3A_972], %swap3A_975 {strides = array<i32>} : memref<256xi32, #tpu.memory_space<vmem>>, vector<16xi32>,
      %add3A_976 = arith.constant 1 : i32
      %add3A_977 = vector.broadcast %add3A_976 : i32 to vector<16xi32>
      %add3A_978 = arith.addi %mul3A_968, %add3A_977 : vector<16xi32>
      %swap3A_979 = arith.constant 48 : index
      %swap3A_980 = tpu.vector_load %arg7[%swap3A_979] {strides = array<i32>} : memref<256xi32, #tpu.memory_space<vmem>>, vector<16xi32>,
      %swap3A_981 = vector.shape_cast %swap3A_980 : vector<16xi32> to vector<16xi32>
      %swap3A_982 = vector.shape_cast %add3A_978 : vector<16xi32> to vector<16xi32>
      tpu.vector_store %arg7[%swap3A_979], %swap3A_982 {strides = array<i32>} : memref<256xi32, #tpu.memory_space<vmem>>, vector<16xi32>,
      %add3A_983 = arith.constant 2 : i32
      %add3A_984 = vector.broadcast %add3A_983 : i32 to vector<16xi32>
      %add3A_985 = arith.addi %mul3A_968, %add3A_984 : vector<16xi32>
      %swap3A_986 = arith.constant 80 : index
      %swap3A_987 = tpu.vector_load %arg7[%swap3A_986] {strides = array<i32>} : memref<256xi32, #tpu.memory_space<vmem>>, vector<16xi32>,
      %swap3A_988 = vector.shape_cast %swap3A_987 : vector<16xi32> to vector<16xi32>
      %swap3A_989 = vector.shape_cast %add3A_985 : vector<16xi32> to vector<16xi32>
      tpu.vector_store %arg7[%swap3A_986], %swap3A_989 {strides = array<i32>} : memref<256xi32, #tpu.memory_space<vmem>>, vector<16xi32>,
      %add3A_990 = arith.constant 3 : i32
      %add3A_991 = vector.broadcast %add3A_990 : i32 to vector<16xi32>
      %add3A_992 = arith.addi %mul3A_968, %add3A_991 : vector<16xi32>
      %swap3A_993 = arith.constant 112 : index
      %swap3A_994 = tpu.vector_load %arg7[%swap3A_993] {strides = array<i32>} : memref<256xi32, #tpu.memory_space<vmem>>, vector<16xi32>,
      %swap3A_995 = vector.shape_cast %swap3A_994 : vector<16xi32> to vector<16xi32>
      %swap3A_996 = vector.shape_cast %add3A_992 : vector<16xi32> to vector<16xi32>
      tpu.vector_store %arg7[%swap3A_993], %swap3A_996 {strides = array<i32>} : memref<256xi32, #tpu.memory_space<vmem>>, vector<16xi32>,
      %add3A_997 = arith.constant 4 : i32
      %add3A_998 = vector.broadcast %add3A_997 : i32 to vector<16xi32>
      %add3A_999 = arith.addi %mul3A_968, %add3A_998 : vector<16xi32>
      %swap3A_1000 = arith.constant 144 : index
      %swap3A_1001 = tpu.vector_load %arg7[%swap3A_1000] {strides = array<i32>} : memref<256xi32, #tpu.memory_space<vmem>>, vector<16xi32>,
      %swap3A_1002 = vector.shape_cast %swap3A_1001 : vector<16xi32> to vector<16xi32>
      %swap3A_1003 = vector.shape_cast %add3A_999 : vector<16xi32> to vector<16xi32>
      tpu.vector_store %arg7[%swap3A_1000], %swap3A_1003 {strides = array<i32>} : memref<256xi32, #tpu.memory_space<vmem>>, vector<16xi32>,
      %add3A_1004 = arith.constant 5 : i32
      %add3A_1005 = vector.broadcast %add3A_1004 : i32 to vector<16xi32>
      %add3A_1006 = arith.addi %mul3A_968, %add3A_1005 : vector<16xi32>
      %swap3A_1007 = arith.constant 176 : index
      %swap3A_1008 = tpu.vector_load %arg7[%swap3A_1007] {strides = array<i32>} : memref<256xi32, #tpu.memory_space<vmem>>, vector<16xi32>,
      %swap3A_1009 = vector.shape_cast %swap3A_1008 : vector<16xi32> to vector<16xi32>
      %swap3A_1010 = vector.shape_cast %add3A_1006 : vector<16xi32> to vector<16xi32>
      tpu.vector_store %arg7[%swap3A_1007], %swap3A_1010 {strides = array<i32>} : memref<256xi32, #tpu.memory_space<vmem>>, vector<16xi32>,
      %add3A_1011 = arith.constant 6 : i32
      %add3A_1012 = vector.broadcast %add3A_1011 : i32 to vector<16xi32>
      %add3A_1013 = arith.addi %mul3A_968, %add3A_1012 : vector<16xi32>
      %swap3A_1014 = arith.constant 208 : index
      %swap3A_1015 = tpu.vector_load %arg7[%swap3A_1014] {strides = array<i32>} : memref<256xi32, #tpu.memory_space<vmem>>, vector<16xi32>,
      %swap3A_1016 = vector.shape_cast %swap3A_1015 : vector<16xi32> to vector<16xi32>
      %swap3A_1017 = vector.shape_cast %add3A_1013 : vector<16xi32> to vector<16xi32>
      tpu.vector_store %arg7[%swap3A_1014], %swap3A_1017 {strides = array<i32>} : memref<256xi32, #tpu.memory_space<vmem>>, vector<16xi32>,
      %add3A_1018 = arith.constant 7 : i32
      %add3A_1019 = vector.broadcast %add3A_1018 : i32 to vector<16xi32>
      %add3A_1020 = arith.addi %mul3A_968, %add3A_1019 : vector<16xi32>
      %swap3A_1021 = arith.constant 240 : index
      %swap3A_1022 = tpu.vector_load %arg7[%swap3A_1021] {strides = array<i32>} : memref<256xi32, #tpu.memory_space<vmem>>, vector<16xi32>,
      %swap3A_1023 = vector.shape_cast %swap3A_1022 : vector<16xi32> to vector<16xi32>
      %swap3A_1024 = vector.shape_cast %add3A_1020 : vector<16xi32> to vector<16xi32>
      tpu.vector_store %arg7[%swap3A_1021], %swap3A_1024 {strides = array<i32>} : memref<256xi32, #tpu.memory_space<vmem>>, vector<16xi32>,
      %dma_start3A_1025 = arith.constant 0 : i32
      %dma_start3A_1026 = arith.constant 0 : i32
      %dma_start3A_1027 = tpu.memref_slice %arg9[%dma_start3A_1025, %dma_start3A_1026] : memref<32x1024xf32, #tpu.memory_space<vmem>> -> memref<32x128xf32, #tpu.memory_space<vmem>>
      %dma_start3A_1028 = arith.constant 0 : i32
      %dma_start3A_1029 = tpu.memref_slice %arg7[%dma_start3A_1028] : memref<256xi32, #tpu.memory_space<vmem>> -> memref<32xi32, #tpu.memory_space<vmem>>
      %dma_start3A_1030 = arith.constant 0 : i32
      %dma_start3A_1031 = arith.constant 0 : i32
      %dma_start3A_1032 = tpu.memref_slice %arg3[%dma_start3A_1030, %dma_start3A_1031] : memref<8000x128xf32, #tpu.memory_space<hbm>> -> memref<8000x128xf32, #tpu.memory_space<hbm>>
      tpu.enqueue_indirect_dma source(%dma_start3A_1032 : memref<8000x128xf32, #tpu.memory_space<hbm>>) target(%dma_start3A_1027 : memref<32x128xf32, #tpu.memory_space<vmem>>) offsets(%dma_start3A_1029 : memref<32xi32, #tpu.memory_space<vmem>>) semaphore(%arg11 : memref<!tpu.dma_semaphore, #tpu.memory_space<semaphore_mem>>)
      %dma_start3A_1033 = arith.constant 0 : i32
      %dma_start3A_1034 = arith.constant 128 : i32
      %dma_start3A_1035 = tpu.memref_slice %arg9[%dma_start3A_1033, %dma_start3A_1034] : memref<32x1024xf32, #tpu.memory_space<vmem>> -> memref<32x128xf32, #tpu.memory_space<vmem>>
      %dma_start3A_1036 = arith.constant 32 : i32
      %dma_start3A_1037 = tpu.memref_slice %arg7[%dma_start3A_1036] : memref<256xi32, #tpu.memory_space<vmem>> -> memref<32xi32, #tpu.memory_space<vmem>>
      %dma_start3A_1038 = arith.constant 0 : i32
      %dma_start3A_1039 = arith.constant 0 : i32
      %dma_start3A_1040 = tpu.memref_slice %arg3[%dma_start3A_1038, %dma_start3A_1039] : memref<8000x128xf32, #tpu.memory_space<hbm>> -> memref<8000x128xf32, #tpu.memory_space<hbm>>
      tpu.enqueue_indirect_dma source(%dma_start3A_1040 : memref<8000x128xf32, #tpu.memory_space<hbm>>) target(%dma_start3A_1035 : memref<32x128xf32, #tpu.memory_space<vmem>>) offsets(%dma_start3A_1037 : memref<32xi32, #tpu.memory_space<vmem>>) semaphore(%arg11 : memref<!tpu.dma_semaphore, #tpu.memory_space<semaphore_mem>>)
      %dma_start3A_1041 = arith.constant 0 : i32
      %dma_start3A_1042 = arith.constant 256 : i32
      %dma_start3A_1043 = tpu.memref_slice %arg9[%dma_start3A_1041, %dma_start3A_1042] : memref<32x1024xf32, #tpu.memory_space<vmem>> -> memref<32x128xf32, #tpu.memory_space<vmem>>
      %dma_start3A_1044 = arith.constant 64 : i32
      %dma_start3A_1045 = tpu.memref_slice %arg7[%dma_start3A_1044] : memref<256xi32, #tpu.memory_space<vmem>> -> memref<32xi32, #tpu.memory_space<vmem>>
      %dma_start3A_1046 = arith.constant 0 : i32
      %dma_start3A_1047 = arith.constant 0 : i32
      %dma_start3A_1048 = tpu.memref_slice %arg3[%dma_start3A_1046, %dma_start3A_1047] : memref<8000x128xf32, #tpu.memory_space<hbm>> -> memref<8000x128xf32, #tpu.memory_space<hbm>>
      tpu.enqueue_indirect_dma source(%dma_start3A_1048 : memref<8000x128xf32, #tpu.memory_space<hbm>>) target(%dma_start3A_1043 : memref<32x128xf32, #tpu.memory_space<vmem>>) offsets(%dma_start3A_1045 : memref<32xi32, #tpu.memory_space<vmem>>) semaphore(%arg11 : memref<!tpu.dma_semaphore, #tpu.memory_space<semaphore_mem>>)
      %dma_start3A_1049 = arith.constant 0 : i32
      %dma_start3A_1050 = arith.constant 384 : i32
      %dma_start3A_1051 = tpu.memref_slice %arg9[%dma_start3A_1049, %dma_start3A_1050] : memref<32x1024xf32, #tpu.memory_space<vmem>> -> memref<32x128xf32, #tpu.memory_space<vmem>>
      %dma_start3A_1052 = arith.constant 96 : i32
      %dma_start3A_1053 = tpu.memref_slice %arg7[%dma_start3A_1052] : memref<256xi32, #tpu.memory_space<vmem>> -> memref<32xi32, #tpu.memory_space<vmem>>
      %dma_start3A_1054 = arith.constant 0 : i32
      %dma_start3A_1055 = arith.constant 0 : i32
      %dma_start3A_1056 = tpu.memref_slice %arg3[%dma_start3A_1054, %dma_start3A_1055] : memref<8000x128xf32, #tpu.memory_space<hbm>> -> memref<8000x128xf32, #tpu.memory_space<hbm>>
      tpu.enqueue_indirect_dma source(%dma_start3A_1056 : memref<8000x128xf32, #tpu.memory_space<hbm>>) target(%dma_start3A_1051 : memref<32x128xf32, #tpu.memory_space<vmem>>) offsets(%dma_start3A_1053 : memref<32xi32, #tpu.memory_space<vmem>>) semaphore(%arg11 : memref<!tpu.dma_semaphore, #tpu.memory_space<semaphore_mem>>)
      %dma_start3A_1057 = arith.constant 0 : i32
      %dma_start3A_1058 = arith.constant 512 : i32
      %dma_start3A_1059 = tpu.memref_slice %arg9[%dma_start3A_1057, %dma_start3A_1058] : memref<32x1024xf32, #tpu.memory_space<vmem>> -> memref<32x128xf32, #tpu.memory_space<vmem>>
      %dma_start3A_1060 = arith.constant 128 : i32
      %dma_start3A_1061 = tpu.memref_slice %arg7[%dma_start3A_1060] : memref<256xi32, #tpu.memory_space<vmem>> -> memref<32xi32, #tpu.memory_space<vmem>>
      %dma_start3A_1062 = arith.constant 0 : i32
      %dma_start3A_1063 = arith.constant 0 : i32
      %dma_start3A_1064 = tpu.memref_slice %arg3[%dma_start3A_1062, %dma_start3A_1063] : memref<8000x128xf32, #tpu.memory_space<hbm>> -> memref<8000x128xf32, #tpu.memory_space<hbm>>
      tpu.enqueue_indirect_dma source(%dma_start3A_1064 : memref<8000x128xf32, #tpu.memory_space<hbm>>) target(%dma_start3A_1059 : memref<32x128xf32, #tpu.memory_space<vmem>>) offsets(%dma_start3A_1061 : memref<32xi32, #tpu.memory_space<vmem>>) semaphore(%arg11 : memref<!tpu.dma_semaphore, #tpu.memory_space<semaphore_mem>>)
      %dma_start3A_1065 = arith.constant 0 : i32
      %dma_start3A_1066 = arith.constant 640 : i32
      %dma_start3A_1067 = tpu.memref_slice %arg9[%dma_start3A_1065, %dma_start3A_1066] : memref<32x1024xf32, #tpu.memory_space<vmem>> -> memref<32x128xf32, #tpu.memory_space<vmem>>
      %dma_start3A_1068 = arith.constant 160 : i32
      %dma_start3A_1069 = tpu.memref_slice %arg7[%dma_start3A_1068] : memref<256xi32, #tpu.memory_space<vmem>> -> memref<32xi32, #tpu.memory_space<vmem>>
      %dma_start3A_1070 = arith.constant 0 : i32
      %dma_start3A_1071 = arith.constant 0 : i32
      %dma_start3A_1072 = tpu.memref_slice %arg3[%dma_start3A_1070, %dma_start3A_1071] : memref<8000x128xf32, #tpu.memory_space<hbm>> -> memref<8000x128xf32, #tpu.memory_space<hbm>>
      tpu.enqueue_indirect_dma source(%dma_start3A_1072 : memref<8000x128xf32, #tpu.memory_space<hbm>>) target(%dma_start3A_1067 : memref<32x128xf32, #tpu.memory_space<vmem>>) offsets(%dma_start3A_1069 : memref<32xi32, #tpu.memory_space<vmem>>) semaphore(%arg11 : memref<!tpu.dma_semaphore, #tpu.memory_space<semaphore_mem>>)
      %dma_start3A_1073 = arith.constant 0 : i32
      %dma_start3A_1074 = arith.constant 768 : i32
      %dma_start3A_1075 = tpu.memref_slice %arg9[%dma_start3A_1073, %dma_start3A_1074] : memref<32x1024xf32, #tpu.memory_space<vmem>> -> memref<32x128xf32, #tpu.memory_space<vmem>>
      %dma_start3A_1076 = arith.constant 192 : i32
      %dma_start3A_1077 = tpu.memref_slice %arg7[%dma_start3A_1076] : memref<256xi32, #tpu.memory_space<vmem>> -> memref<32xi32, #tpu.memory_space<vmem>>
      %dma_start3A_1078 = arith.constant 0 : i32
      %dma_start3A_1079 = arith.constant 0 : i32
      %dma_start3A_1080 = tpu.memref_slice %arg3[%dma_start3A_1078, %dma_start3A_1079] : memref<8000x128xf32, #tpu.memory_space<hbm>> -> memref<8000x128xf32, #tpu.memory_space<hbm>>
      tpu.enqueue_indirect_dma source(%dma_start3A_1080 : memref<8000x128xf32, #tpu.memory_space<hbm>>) target(%dma_start3A_1075 : memref<32x128xf32, #tpu.memory_space<vmem>>) offsets(%dma_start3A_1077 : memref<32xi32, #tpu.memory_space<vmem>>) semaphore(%arg11 : memref<!tpu.dma_semaphore, #tpu.memory_space<semaphore_mem>>)
      %dma_start3A_1081 = arith.constant 0 : i32
      %dma_start3A_1082 = arith.constant 896 : i32
      %dma_start3A_1083 = tpu.memref_slice %arg9[%dma_start3A_1081, %dma_start3A_1082] : memref<32x1024xf32, #tpu.memory_space<vmem>> -> memref<32x128xf32, #tpu.memory_space<vmem>>
      %dma_start3A_1084 = arith.constant 224 : i32
      %dma_start3A_1085 = tpu.memref_slice %arg7[%dma_start3A_1084] : memref<256xi32, #tpu.memory_space<vmem>> -> memref<32xi32, #tpu.memory_space<vmem>>
      %dma_start3A_1086 = arith.constant 0 : i32
      %dma_start3A_1087 = arith.constant 0 : i32
      %dma_start3A_1088 = tpu.memref_slice %arg3[%dma_start3A_1086, %dma_start3A_1087] : memref<8000x128xf32, #tpu.memory_space<hbm>> -> memref<8000x128xf32, #tpu.memory_space<hbm>>
      tpu.enqueue_indirect_dma source(%dma_start3A_1088 : memref<8000x128xf32, #tpu.memory_space<hbm>>) target(%dma_start3A_1083 : memref<32x128xf32, #tpu.memory_space<vmem>>) offsets(%dma_start3A_1085 : memref<32xi32, #tpu.memory_space<vmem>>) semaphore(%arg11 : memref<!tpu.dma_semaphore, #tpu.memory_space<semaphore_mem>>)
    }
    %scan3A_380 = arith.constant 99 : i32
    %dma_wait3A = arith.constant 0 : i32
    %dma_wait3A_381 = arith.constant 0 : i32
    %dma_wait3A_382 = tpu.memref_slice %arg8[%dma_wait3A, %dma_wait3A_381] : memref<32x1024xf32, #tpu.memory_space<vmem>> -> memref<32x128xf32, #tpu.memory_space<vmem>>
    %dma_wait3A_383 = arith.constant 0 : i32
    %dma_wait3A_384 = tpu.memref_slice %arg6[%dma_wait3A_383] : memref<256xi32, #tpu.memory_space<vmem>> -> memref<32xi32, #tpu.memory_space<vmem>>
    %dma_wait3A_385 = arith.constant 0 : i32
    %dma_wait3A_386 = arith.constant 0 : i32
    %dma_wait3A_387 = tpu.memref_slice %arg3[%dma_wait3A_385, %dma_wait3A_386] : memref<8000x128xf32, #tpu.memory_space<hbm>> -> memref<8000x128xf32, #tpu.memory_space<hbm>>
    tpu.wait_indirect_dma semaphore(%arg10 : memref<!tpu.dma_semaphore, #tpu.memory_space<semaphore_mem>>) src(%dma_wait3A_387 : memref<8000x128xf32, #tpu.memory_space<hbm>>) dst(%dma_wait3A_382 : memref<32x128xf32, #tpu.memory_space<vmem>>)
    %dma_wait3A_388 = arith.constant 0 : i32
    %dma_wait3A_389 = arith.constant 128 : i32
    %dma_wait3A_390 = tpu.memref_slice %arg8[%dma_wait3A_388, %dma_wait3A_389] : memref<32x1024xf32, #tpu.memory_space<vmem>> -> memref<32x128xf32, #tpu.memory_space<vmem>>
    %dma_wait3A_391 = arith.constant 32 : i32
    %dma_wait3A_392 = tpu.memref_slice %arg6[%dma_wait3A_391] : memref<256xi32, #tpu.memory_space<vmem>> -> memref<32xi32, #tpu.memory_space<vmem>>
    %dma_wait3A_393 = arith.constant 0 : i32
    %dma_wait3A_394 = arith.constant 0 : i32
    %dma_wait3A_395 = tpu.memref_slice %arg3[%dma_wait3A_393, %dma_wait3A_394] : memref<8000x128xf32, #tpu.memory_space<hbm>> -> memref<8000x128xf32, #tpu.memory_space<hbm>>
    tpu.wait_indirect_dma semaphore(%arg10 : memref<!tpu.dma_semaphore, #tpu.memory_space<semaphore_mem>>) src(%dma_wait3A_395 : memref<8000x128xf32, #tpu.memory_space<hbm>>) dst(%dma_wait3A_390 : memref<32x128xf32, #tpu.memory_space<vmem>>)
    %dma_wait3A_396 = arith.constant 0 : i32
    %dma_wait3A_397 = arith.constant 256 : i32
    %dma_wait3A_398 = tpu.memref_slice %arg8[%dma_wait3A_396, %dma_wait3A_397] : memref<32x1024xf32, #tpu.memory_space<vmem>> -> memref<32x128xf32, #tpu.memory_space<vmem>>
    %dma_wait3A_399 = arith.constant 64 : i32
    %dma_wait3A_400 = tpu.memref_slice %arg6[%dma_wait3A_399] : memref<256xi32, #tpu.memory_space<vmem>> -> memref<32xi32, #tpu.memory_space<vmem>>
    %dma_wait3A_401 = arith.constant 0 : i32
    %dma_wait3A_402 = arith.constant 0 : i32
    %dma_wait3A_403 = tpu.memref_slice %arg3[%dma_wait3A_401, %dma_wait3A_402] : memref<8000x128xf32, #tpu.memory_space<hbm>> -> memref<8000x128xf32, #tpu.memory_space<hbm>>
    tpu.wait_indirect_dma semaphore(%arg10 : memref<!tpu.dma_semaphore, #tpu.memory_space<semaphore_mem>>) src(%dma_wait3A_403 : memref<8000x128xf32, #tpu.memory_space<hbm>>) dst(%dma_wait3A_398 : memref<32x128xf32, #tpu.memory_space<vmem>>)
    %dma_wait3A_404 = arith.constant 0 : i32
    %dma_wait3A_405 = arith.constant 384 : i32
    %dma_wait3A_406 = tpu.memref_slice %arg8[%dma_wait3A_404, %dma_wait3A_405] : memref<32x1024xf32, #tpu.memory_space<vmem>> -> memref<32x128xf32, #tpu.memory_space<vmem>>
    %dma_wait3A_407 = arith.constant 96 : i32
    %dma_wait3A_408 = tpu.memref_slice %arg6[%dma_wait3A_407] : memref<256xi32, #tpu.memory_space<vmem>> -> memref<32xi32, #tpu.memory_space<vmem>>
    %dma_wait3A_409 = arith.constant 0 : i32
    %dma_wait3A_410 = arith.constant 0 : i32
    %dma_wait3A_411 = tpu.memref_slice %arg3[%dma_wait3A_409, %dma_wait3A_410] : memref<8000x128xf32, #tpu.memory_space<hbm>> -> memref<8000x128xf32, #tpu.memory_space<hbm>>
    tpu.wait_indirect_dma semaphore(%arg10 : memref<!tpu.dma_semaphore, #tpu.memory_space<semaphore_mem>>) src(%dma_wait3A_411 : memref<8000x128xf32, #tpu.memory_space<hbm>>) dst(%dma_wait3A_406 : memref<32x128xf32, #tpu.memory_space<vmem>>)
    %dma_wait3A_412 = arith.constant 0 : i32
    %dma_wait3A_413 = arith.constant 512 : i32
    %dma_wait3A_414 = tpu.memref_slice %arg8[%dma_wait3A_412, %dma_wait3A_413] : memref<32x1024xf32, #tpu.memory_space<vmem>> -> memref<32x128xf32, #tpu.memory_space<vmem>>
    %dma_wait3A_415 = arith.constant 128 : i32
    %dma_wait3A_416 = tpu.memref_slice %arg6[%dma_wait3A_415] : memref<256xi32, #tpu.memory_space<vmem>> -> memref<32xi32, #tpu.memory_space<vmem>>
    %dma_wait3A_417 = arith.constant 0 : i32
    %dma_wait3A_418 = arith.constant 0 : i32
    %dma_wait3A_419 = tpu.memref_slice %arg3[%dma_wait3A_417, %dma_wait3A_418] : memref<8000x128xf32, #tpu.memory_space<hbm>> -> memref<8000x128xf32, #tpu.memory_space<hbm>>
    tpu.wait_indirect_dma semaphore(%arg10 : memref<!tpu.dma_semaphore, #tpu.memory_space<semaphore_mem>>) src(%dma_wait3A_419 : memref<8000x128xf32, #tpu.memory_space<hbm>>) dst(%dma_wait3A_414 : memref<32x128xf32, #tpu.memory_space<vmem>>)
    %dma_wait3A_420 = arith.constant 0 : i32
    %dma_wait3A_421 = arith.constant 640 : i32
    %dma_wait3A_422 = tpu.memref_slice %arg8[%dma_wait3A_420, %dma_wait3A_421] : memref<32x1024xf32, #tpu.memory_space<vmem>> -> memref<32x128xf32, #tpu.memory_space<vmem>>
    %dma_wait3A_423 = arith.constant 160 : i32
    %dma_wait3A_424 = tpu.memref_slice %arg6[%dma_wait3A_423] : memref<256xi32, #tpu.memory_space<vmem>> -> memref<32xi32, #tpu.memory_space<vmem>>
    %dma_wait3A_425 = arith.constant 0 : i32
    %dma_wait3A_426 = arith.constant 0 : i32
    %dma_wait3A_427 = tpu.memref_slice %arg3[%dma_wait3A_425, %dma_wait3A_426] : memref<8000x128xf32, #tpu.memory_space<hbm>> -> memref<8000x128xf32, #tpu.memory_space<hbm>>
    tpu.wait_indirect_dma semaphore(%arg10 : memref<!tpu.dma_semaphore, #tpu.memory_space<semaphore_mem>>) src(%dma_wait3A_427 : memref<8000x128xf32, #tpu.memory_space<hbm>>) dst(%dma_wait3A_422 : memref<32x128xf32, #tpu.memory_space<vmem>>)
    %dma_wait3A_428 = arith.constant 0 : i32
    %dma_wait3A_429 = arith.constant 768 : i32
    %dma_wait3A_430 = tpu.memref_slice %arg8[%dma_wait3A_428, %dma_wait3A_429] : memref<32x1024xf32, #tpu.memory_space<vmem>> -> memref<32x128xf32, #tpu.memory_space<vmem>>
    %dma_wait3A_431 = arith.constant 192 : i32
    %dma_wait3A_432 = tpu.memref_slice %arg6[%dma_wait3A_431] : memref<256xi32, #tpu.memory_space<vmem>> -> memref<32xi32, #tpu.memory_space<vmem>>
    %dma_wait3A_433 = arith.constant 0 : i32
    %dma_wait3A_434 = arith.constant 0 : i32
    %dma_wait3A_435 = tpu.memref_slice %arg3[%dma_wait3A_433, %dma_wait3A_434] : memref<8000x128xf32, #tpu.memory_space<hbm>> -> memref<8000x128xf32, #tpu.memory_space<hbm>>
    tpu.wait_indirect_dma semaphore(%arg10 : memref<!tpu.dma_semaphore, #tpu.memory_space<semaphore_mem>>) src(%dma_wait3A_435 : memref<8000x128xf32, #tpu.memory_space<hbm>>) dst(%dma_wait3A_430 : memref<32x128xf32, #tpu.memory_space<vmem>>)
    %dma_wait3A_436 = arith.constant 0 : i32
    %dma_wait3A_437 = arith.constant 896 : i32
    %dma_wait3A_438 = tpu.memref_slice %arg8[%dma_wait3A_436, %dma_wait3A_437] : memref<32x1024xf32, #tpu.memory_space<vmem>> -> memref<32x128xf32, #tpu.memory_space<vmem>>
    %dma_wait3A_439 = arith.constant 224 : i32
    %dma_wait3A_440 = tpu.memref_slice %arg6[%dma_wait3A_439] : memref<256xi32, #tpu.memory_space<vmem>> -> memref<32xi32, #tpu.memory_space<vmem>>
    %dma_wait3A_441 = arith.constant 0 : i32
    %dma_wait3A_442 = arith.constant 0 : i32
    %dma_wait3A_443 = tpu.memref_slice %arg3[%dma_wait3A_441, %dma_wait3A_442] : memref<8000x128xf32, #tpu.memory_space<hbm>> -> memref<8000x128xf32, #tpu.memory_space<hbm>>
    tpu.wait_indirect_dma semaphore(%arg10 : memref<!tpu.dma_semaphore, #tpu.memory_space<semaphore_mem>>) src(%dma_wait3A_443 : memref<8000x128xf32, #tpu.memory_space<hbm>>) dst(%dma_wait3A_438 : memref<32x128xf32, #tpu.memory_space<vmem>>)
    %add3A_444 = arith.constant 6336 : i32
    %add3A_445 = arith.addi %mul3A_2, %add3A_444 : i32
    %dma_start3A_446 = arith.constant 0 : i32
    %dma_start3A_447 = tpu.memref_slice %arg4[%add3A_445, %dma_start3A_446] : memref<204800x1024xf32, #tpu.memory_space<hbm>> -> memref<32x1024xf32, #tpu.memory_space<hbm>>
    %dma_start3A_448 = arith.constant 0 : i32
    %dma_start3A_449 = tpu.memref_slice %arg4[%add3A_445, %dma_start3A_448] : memref<204800x1024xf32, #tpu.memory_space<hbm>> -> memref<32x1024xf32, #tpu.memory_space<hbm>>
    tpu.enqueue_dma source(%arg8 : memref<32x1024xf32, #tpu.memory_space<vmem>>) target(%dma_start3A_449 : memref<32x1024xf32, #tpu.memory_space<hbm>>) target_semaphore(%arg12 : memref<!tpu.dma_semaphore, #tpu.memory_space<semaphore_mem>>)
    %dma_wait3A_450 = arith.constant 0 : i32
    %dma_wait3A_451 = arith.constant 0 : i32
    %dma_wait3A_452 = tpu.memref_slice %arg9[%dma_wait3A_450, %dma_wait3A_451] : memref<32x1024xf32, #tpu.memory_space<vmem>> -> memref<32x128xf32, #tpu.memory_space<vmem>>
    %dma_wait3A_453 = arith.constant 0 : i32
    %dma_wait3A_454 = tpu.memref_slice %arg7[%dma_wait3A_453] : memref<256xi32, #tpu.memory_space<vmem>> -> memref<32xi32, #tpu.memory_space<vmem>>
    %dma_wait3A_455 = arith.constant 0 : i32
    %dma_wait3A_456 = arith.constant 0 : i32
    %dma_wait3A_457 = tpu.memref_slice %arg3[%dma_wait3A_455, %dma_wait3A_456] : memref<8000x128xf32, #tpu.memory_space<hbm>> -> memref<8000x128xf32, #tpu.memory_space<hbm>>
    tpu.wait_indirect_dma semaphore(%arg11 : memref<!tpu.dma_semaphore, #tpu.memory_space<semaphore_mem>>) src(%dma_wait3A_457 : memref<8000x128xf32, #tpu.memory_space<hbm>>) dst(%dma_wait3A_452 : memref<32x128xf32, #tpu.memory_space<vmem>>)
    %dma_wait3A_458 = arith.constant 0 : i32
    %dma_wait3A_459 = arith.constant 128 : i32
    %dma_wait3A_460 = tpu.memref_slice %arg9[%dma_wait3A_458, %dma_wait3A_459] : memref<32x1024xf32, #tpu.memory_space<vmem>> -> memref<32x128xf32, #tpu.memory_space<vmem>>
    %dma_wait3A_461 = arith.constant 32 : i32
    %dma_wait3A_462 = tpu.memref_slice %arg7[%dma_wait3A_461] : memref<256xi32, #tpu.memory_space<vmem>> -> memref<32xi32, #tpu.memory_space<vmem>>
    %dma_wait3A_463 = arith.constant 0 : i32
    %dma_wait3A_464 = arith.constant 0 : i32
    %dma_wait3A_465 = tpu.memref_slice %arg3[%dma_wait3A_463, %dma_wait3A_464] : memref<8000x128xf32, #tpu.memory_space<hbm>> -> memref<8000x128xf32, #tpu.memory_space<hbm>>
    tpu.wait_indirect_dma semaphore(%arg11 : memref<!tpu.dma_semaphore, #tpu.memory_space<semaphore_mem>>) src(%dma_wait3A_465 : memref<8000x128xf32, #tpu.memory_space<hbm>>) dst(%dma_wait3A_460 : memref<32x128xf32, #tpu.memory_space<vmem>>)
    %dma_wait3A_466 = arith.constant 0 : i32
    %dma_wait3A_467 = arith.constant 256 : i32
    %dma_wait3A_468 = tpu.memref_slice %arg9[%dma_wait3A_466, %dma_wait3A_467] : memref<32x1024xf32, #tpu.memory_space<vmem>> -> memref<32x128xf32, #tpu.memory_space<vmem>>
    %dma_wait3A_469 = arith.constant 64 : i32
    %dma_wait3A_470 = tpu.memref_slice %arg7[%dma_wait3A_469] : memref<256xi32, #tpu.memory_space<vmem>> -> memref<32xi32, #tpu.memory_space<vmem>>
    %dma_wait3A_471 = arith.constant 0 : i32
    %dma_wait3A_472 = arith.constant 0 : i32
    %dma_wait3A_473 = tpu.memref_slice %arg3[%dma_wait3A_471, %dma_wait3A_472] : memref<8000x128xf32, #tpu.memory_space<hbm>> -> memref<8000x128xf32, #tpu.memory_space<hbm>>
    tpu.wait_indirect_dma semaphore(%arg11 : memref<!tpu.dma_semaphore, #tpu.memory_space<semaphore_mem>>) src(%dma_wait3A_473 : memref<8000x128xf32, #tpu.memory_space<hbm>>) dst(%dma_wait3A_468 : memref<32x128xf32, #tpu.memory_space<vmem>>)
    %dma_wait3A_474 = arith.constant 0 : i32
    %dma_wait3A_475 = arith.constant 384 : i32
    %dma_wait3A_476 = tpu.memref_slice %arg9[%dma_wait3A_474, %dma_wait3A_475] : memref<32x1024xf32, #tpu.memory_space<vmem>> -> memref<32x128xf32, #tpu.memory_space<vmem>>
    %dma_wait3A_477 = arith.constant 96 : i32
    %dma_wait3A_478 = tpu.memref_slice %arg7[%dma_wait3A_477] : memref<256xi32, #tpu.memory_space<vmem>> -> memref<32xi32, #tpu.memory_space<vmem>>
    %dma_wait3A_479 = arith.constant 0 : i32
    %dma_wait3A_480 = arith.constant 0 : i32
    %dma_wait3A_481 = tpu.memref_slice %arg3[%dma_wait3A_479, %dma_wait3A_480] : memref<8000x128xf32, #tpu.memory_space<hbm>> -> memref<8000x128xf32, #tpu.memory_space<hbm>>
    tpu.wait_indirect_dma semaphore(%arg11 : memref<!tpu.dma_semaphore, #tpu.memory_space<semaphore_mem>>) src(%dma_wait3A_481 : memref<8000x128xf32, #tpu.memory_space<hbm>>) dst(%dma_wait3A_476 : memref<32x128xf32, #tpu.memory_space<vmem>>)
    %dma_wait3A_482 = arith.constant 0 : i32
    %dma_wait3A_483 = arith.constant 512 : i32
    %dma_wait3A_484 = tpu.memref_slice %arg9[%dma_wait3A_482, %dma_wait3A_483] : memref<32x1024xf32, #tpu.memory_space<vmem>> -> memref<32x128xf32, #tpu.memory_space<vmem>>
    %dma_wait3A_485 = arith.constant 128 : i32
    %dma_wait3A_486 = tpu.memref_slice %arg7[%dma_wait3A_485] : memref<256xi32, #tpu.memory_space<vmem>> -> memref<32xi32, #tpu.memory_space<vmem>>
    %dma_wait3A_487 = arith.constant 0 : i32
    %dma_wait3A_488 = arith.constant 0 : i32
    %dma_wait3A_489 = tpu.memref_slice %arg3[%dma_wait3A_487, %dma_wait3A_488] : memref<8000x128xf32, #tpu.memory_space<hbm>> -> memref<8000x128xf32, #tpu.memory_space<hbm>>
    tpu.wait_indirect_dma semaphore(%arg11 : memref<!tpu.dma_semaphore, #tpu.memory_space<semaphore_mem>>) src(%dma_wait3A_489 : memref<8000x128xf32, #tpu.memory_space<hbm>>) dst(%dma_wait3A_484 : memref<32x128xf32, #tpu.memory_space<vmem>>)
    %dma_wait3A_490 = arith.constant 0 : i32
    %dma_wait3A_491 = arith.constant 640 : i32
    %dma_wait3A_492 = tpu.memref_slice %arg9[%dma_wait3A_490, %dma_wait3A_491] : memref<32x1024xf32, #tpu.memory_space<vmem>> -> memref<32x128xf32, #tpu.memory_space<vmem>>
    %dma_wait3A_493 = arith.constant 160 : i32
    %dma_wait3A_494 = tpu.memref_slice %arg7[%dma_wait3A_493] : memref<256xi32, #tpu.memory_space<vmem>> -> memref<32xi32, #tpu.memory_space<vmem>>
    %dma_wait3A_495 = arith.constant 0 : i32
    %dma_wait3A_496 = arith.constant 0 : i32
    %dma_wait3A_497 = tpu.memref_slice %arg3[%dma_wait3A_495, %dma_wait3A_496] : memref<8000x128xf32, #tpu.memory_space<hbm>> -> memref<8000x128xf32, #tpu.memory_space<hbm>>
    tpu.wait_indirect_dma semaphore(%arg11 : memref<!tpu.dma_semaphore, #tpu.memory_space<semaphore_mem>>) src(%dma_wait3A_497 : memref<8000x128xf32, #tpu.memory_space<hbm>>) dst(%dma_wait3A_492 : memref<32x128xf32, #tpu.memory_space<vmem>>)
    %dma_wait3A_498 = arith.constant 0 : i32
    %dma_wait3A_499 = arith.constant 768 : i32
    %dma_wait3A_500 = tpu.memref_slice %arg9[%dma_wait3A_498, %dma_wait3A_499] : memref<32x1024xf32, #tpu.memory_space<vmem>> -> memref<32x128xf32, #tpu.memory_space<vmem>>
    %dma_wait3A_501 = arith.constant 192 : i32
    %dma_wait3A_502 = tpu.memref_slice %arg7[%dma_wait3A_501] : memref<256xi32, #tpu.memory_space<vmem>> -> memref<32xi32, #tpu.memory_space<vmem>>
    %dma_wait3A_503 = arith.constant 0 : i32
    %dma_wait3A_504 = arith.constant 0 : i32
    %dma_wait3A_505 = tpu.memref_slice %arg3[%dma_wait3A_503, %dma_wait3A_504] : memref<8000x128xf32, #tpu.memory_space<hbm>> -> memref<8000x128xf32, #tpu.memory_space<hbm>>
    tpu.wait_indirect_dma semaphore(%arg11 : memref<!tpu.dma_semaphore, #tpu.memory_space<semaphore_mem>>) src(%dma_wait3A_505 : memref<8000x128xf32, #tpu.memory_space<hbm>>) dst(%dma_wait3A_500 : memref<32x128xf32, #tpu.memory_space<vmem>>)
    %dma_wait3A_506 = arith.constant 0 : i32
    %dma_wait3A_507 = arith.constant 896 : i32
    %dma_wait3A_508 = tpu.memref_slice %arg9[%dma_wait3A_506, %dma_wait3A_507] : memref<32x1024xf32, #tpu.memory_space<vmem>> -> memref<32x128xf32, #tpu.memory_space<vmem>>
    %dma_wait3A_509 = arith.constant 224 : i32
    %dma_wait3A_510 = tpu.memref_slice %arg7[%dma_wait3A_509] : memref<256xi32, #tpu.memory_space<vmem>> -> memref<32xi32, #tpu.memory_space<vmem>>
    %dma_wait3A_511 = arith.constant 0 : i32
    %dma_wait3A_512 = arith.constant 0 : i32
    %dma_wait3A_513 = tpu.memref_slice %arg3[%dma_wait3A_511, %dma_wait3A_512] : memref<8000x128xf32, #tpu.memory_space<hbm>> -> memref<8000x128xf32, #tpu.memory_space<hbm>>
    tpu.wait_indirect_dma semaphore(%arg11 : memref<!tpu.dma_semaphore, #tpu.memory_space<semaphore_mem>>) src(%dma_wait3A_513 : memref<8000x128xf32, #tpu.memory_space<hbm>>) dst(%dma_wait3A_508 : memref<32x128xf32, #tpu.memory_space<vmem>>)
    %add3A_514 = arith.constant 6368 : i32
    %add3A_515 = arith.addi %mul3A_2, %add3A_514 : i32
    %dma_start3A_516 = arith.constant 0 : i32
    %dma_start3A_517 = tpu.memref_slice %arg4[%add3A_515, %dma_start3A_516] : memref<204800x1024xf32, #tpu.memory_space<hbm>> -> memref<32x1024xf32, #tpu.memory_space<hbm>>
    %dma_start3A_518 = arith.constant 0 : i32
    %dma_start3A_519 = tpu.memref_slice %arg4[%add3A_515, %dma_start3A_518] : memref<204800x1024xf32, #tpu.memory_space<hbm>> -> memref<32x1024xf32, #tpu.memory_space<hbm>>
    tpu.enqueue_dma source(%arg9 : memref<32x1024xf32, #tpu.memory_space<vmem>>) target(%dma_start3A_519 : memref<32x1024xf32, #tpu.memory_space<hbm>>) target_semaphore(%arg13 : memref<!tpu.dma_semaphore, #tpu.memory_space<semaphore_mem>>)
    %add3A_520 = arith.constant 6336 : i32
    %add3A_521 = arith.addi %mul3A_2, %add3A_520 : i32
    %dma_wait3A_522 = arith.constant 0 : i32
    %dma_wait3A_523 = tpu.memref_slice %arg4[%add3A_521, %dma_wait3A_522] : memref<204800x1024xf32, #tpu.memory_space<hbm>> -> memref<32x1024xf32, #tpu.memory_space<hbm>>
    %dma_wait3A_524 = arith.constant 0 : i32
    %dma_wait3A_525 = tpu.memref_slice %arg4[%add3A_521, %dma_wait3A_524] : memref<204800x1024xf32, #tpu.memory_space<hbm>> -> memref<32x1024xf32, #tpu.memory_space<hbm>>
    tpu.wait_dma2 semaphore(%arg12 : memref<!tpu.dma_semaphore, #tpu.memory_space<semaphore_mem>>) src(%arg8 : memref<32x1024xf32, #tpu.memory_space<vmem>>) dst(%dma_wait3A_525 : memref<32x1024xf32, #tpu.memory_space<hbm>>)
    %add3A_526 = arith.constant 6368 : i32
    %add3A_527 = arith.addi %mul3A_2, %add3A_526 : i32
    %dma_wait3A_528 = arith.constant 0 : i32
    %dma_wait3A_529 = tpu.memref_slice %arg4[%add3A_527, %dma_wait3A_528] : memref<204800x1024xf32, #tpu.memory_space<hbm>> -> memref<32x1024xf32, #tpu.memory_space<hbm>>
    %dma_wait3A_530 = arith.constant 0 : i32
    %dma_wait3A_531 = tpu.memref_slice %arg4[%add3A_527, %dma_wait3A_530] : memref<204800x1024xf32, #tpu.memory_space<hbm>> -> memref<32x1024xf32, #tpu.memory_space<hbm>>
    tpu.wait_dma2 semaphore(%arg13 : memref<!tpu.dma_semaphore, #tpu.memory_space<semaphore_mem>>) src(%arg9 : memref<32x1024xf32, #tpu.memory_space<vmem>>) dst(%dma_wait3A_531 : memref<32x1024xf32, #tpu.memory_space<hbm>>)
    return
  }
}

</mosaic_0001>

<sc_bundles>
// kernel: kernel.3.cloned.1.call-start
scs
__scs_entry_jumppad:
0x0: {  	(pc) =	sbr.rel $0x88, $3  }
0x1: {  	(tag) =	ssettag $0x0;
	lr =	simm.s32 $0x1  }
0x2: {  	[smem:$0x3F9F] =	sst lr;
	_ =	strace $0xD0000000  }
0x3: {  	_ = 	snop  }
0x4: {  	_ = 	snop  }
0x5: {  	_ = 	snop  }
0x6: {  	_ = 	snop  }
0x7: {  	_ = 	snop  }
__scs_overlays_trampoline_lowered:
0x8: {  	[smem:$0x3FAE] =	sst s0  }
0x9: {  	[smem:$0x3FAF] =	sst s1  }
0xa: {  	[smem:$0x3FB0] =	sst s2  }
0xb: {  	[smem:$0x3FB1] =	sst s3  }
0xc: {  	[smem:$0x3FB2] =	sst s4  }
0xd: {  	[smem:$0x3FB3] =	sst s5  }
0xe: {  	[smem:$0x3FB4] =	sst s6  }
0xf: {  	[smem:$0x3FB5] =	sst s7  }
0x10: {  	[smem:$0x3FB6] =	sst s8  }
0x11: {  	[smem:$0x3FB7] =	sst s9;
	s0 =	simm.s32 @!p0 $0x0  }
0x12: {  	s1 =	sld [smem:$0x3F9D];
	s0 =	simm.s32 @p0 $0x1  }
0x13: {  	[smem:$0x3FB8] =	sst s0;
	s0 =	simm.s32 @!p1 $0x0  }
0x14: {  	s2 =	sld [smem:$0x3F9C];
	s0 =	simm.s32 @p1 $0x1  }
0x15: {  	[smem:$0x3FB9] =	sst s0;
	s0 =	simm.s32 @!p2 $0x0  }
0x16: {  	s3 =	sld [smem:$0x3FDB];
	s0 =	simm.s32 @p2 $0x1  }
0x17: {  	s4 =	simm.s32 $0x1BF5;
	[smem:$0x3FBB] =	sst s0  }
0x18: {  	s0 =	sld [smem:$0x3F9E];
	_ =	swait.ge [sflag:s4], $0x0  }
0x19: {  	s7 =	sld [smem:$0x3F9F]  }
0x1a: {  	s8 =	sadd.s32 $0xFFFFE003, lr  }
0x1b: {  	s9 =	sadd.s32 $0xFFFFFEF7, lr;
	s5 =	simm.s32 $0xFFFFFFFF;
	p2 =	slt.u32 s8, $0xFFFFF086  }
0x1c: {  	p1 =	slt.u32 s9, $0xF7A;
	s5 =	simm.s32 @!p2 $0x0  }
0x1d: {  	s5 =	simm.s32 @p1 $0x1;
	p0 =	seq.s32 s7, s2  }
0x1e: {  	s7 =	smul.u32 @!p0 $0xF7A, s2;
	p2 =	seq.s32 @!p0 s5, $0x0  }
0x1f: {  	s9 =	smul.u32 $0xF7A, s1;
	s8 =	simm.s32 @!p0 $0x1BF5;
	p2 =	por !p2, p0  }
0x20: {  	[sflag:s8] =	ssyncset.s32 @!p0 $0xFFFFF086;
	s6 =	sadd.s32 @!p0 s3, s7;
	s7 =	simm.s32 @!p0 $0x108  }
0x21: {  	s3 =	sadd.s32 s3, s9;
	s6 =	sadd.s32 @!p0 $0x88, s6;
	s7 =	simm.s32 @p2 $0x1082  }
0x22: {  	[simem:s7], [sflag:s8] =	dma.local @!p0 [hbm:s6], $0xF7A  }
0x23: {  	s9 =	sor.u32 $0xD0000000, s2;
	s6 =	simm.s32 $0x108;
	_ =	swait.ge @!p0 [sflag:s8], $0x0  }
0x24: {  	s3 =	sadd.s32 $0x88, s3;
	s6 =	simm.s32 @!p1 $0x1082;
	[sflag:s4] =	ssyncset.s32 $0xFFFFF086  }
0x25: {  	[simem:s6], [sflag:s4] =	dma.local [hbm:s3], $0xF7A  }
0x26: {  	[smem:$0x3F9F] =	sst s1;
	(tag) =	ssettag s2;
	_ =	strace s9  }
0x27: {  	s1 =	sld [smem:$0x3FAF]  }
0x28: {  	s2 =	sld [smem:$0x3FB0]  }
0x29: {  	s4 =	sld [smem:$0x3FB2]  }
0x2a: {  	p0 =	seq.s32 s5, $0x0;
	s5 =	sld [smem:$0x3FB3]  }
0x2b: {  	s6 =	sld [smem:$0x3FB4]  }
0x2c: {  	s7 =	sld [smem:$0x3FB5]  }
0x2d: {  	s3 =	simm.s32 $0x108;
	s8 =	sld [smem:$0x3FB6]  }
0x2e: {  	s3 =	simm.s32 @!p0 $0x1082;
	s9 =	sld [smem:$0x3FB7]  }
0x2f: {  	lr =	sadd.s32 s0, s3;
	s0 =	sld [smem:$0x3FAE]  }
0x30: {  	s3 =	sld [smem:$0x3FB1]  }
0x31: {  	[smem:$0x3FBA] =	sst s10  }
0x32: {  	s10 =	sld [smem:$0x3FB8];
	_ =	sdelay $0x3  }
0x33: {  	p0 =	seq.s32 s10, $0x1;
	s10 =	sld [smem:$0x3FBA];
	_ =	sdelay $0x3  }
0x34: {  	[smem:$0x3FBA] =	sst s10  }
0x35: {  	s10 =	sld [smem:$0x3FB9];
	_ =	sdelay $0x3  }
0x36: {  	p1 =	seq.s32 s10, $0x1;
	s10 =	sld [smem:$0x3FBA];
	_ =	sdelay $0x3  }
0x37: {  	[smem:$0x3FBA] =	sst s10  }
0x38: {  	s10 =	sld [smem:$0x3FBB]  }
0x39: {  	_ = 	snop;
	(pc) =	sbr.ind lr, $3  }
0x3a: {  	_ = 	snop  }
0x3b: {  	_ = 	snop  }
0x3c: {  	p2 =	seq.s32 s10, $0x1;
	s10 =	sld [smem:$0x3FBA]  }
0x3d: {  	_ =	shalt  }
0x3e: {  	_ =	shalt  }
0x3f: {  	_ =	shalt  }
0x40: {  	_ =	shalt  }
0x41: {  	_ =	shalt  }
0x42: {  	_ =	shalt  }
0x43: {  	_ =	shalt  }
0x44: {  	_ =	shalt  }
0x45: {  	_ =	shalt  }
0x46: {  	_ =	shalt  }
0x47: {  	_ =	shalt  }
0x48: {  	_ =	shalt  }
0x49: {  	_ =	shalt  }
0x4a: {  	_ =	shalt  }
0x4b: {  	_ =	shalt  }
0x4c: {  	_ =	shalt  }
0x4d: {  	_ =	shalt  }
0x4e: {  	_ =	shalt  }
0x4f: {  	_ =	shalt  }
0x50: {  	_ =	shalt  }
0x51: {  	_ =	shalt  }
0x52: {  	_ =	shalt  }
0x53: {  	_ =	shalt  }
0x54: {  	_ =	shalt  }
0x55: {  	_ =	shalt  }
0x56: {  	_ =	shalt  }
0x57: {  	_ =	shalt  }
0x58: {  	_ =	shalt  }
0x59: {  	_ =	shalt  }
0x5a: {  	_ =	shalt  }
0x5b: {  	_ =	shalt  }
0x5c: {  	_ =	shalt  }
0x5d: {  	_ =	shalt  }
0x5e: {  	_ =	shalt  }
0x5f: {  	_ =	shalt  }
0x60: {  	_ =	shalt  }
0x61: {  	_ =	shalt  }
0x62: {  	_ =	shalt  }
0x63: {  	_ =	shalt  }
0x64: {  	_ =	shalt  }
0x65: {  	_ =	shalt  }
0x66: {  	_ =	shalt  }
0x67: {  	_ =	shalt  }
0x68: {  	_ =	shalt  }
0x69: {  	_ =	shalt  }
0x6a: {  	_ =	shalt  }
0x6b: {  	_ =	shalt  }
0x6c: {  	_ =	shalt  }
0x6d: {  	_ =	shalt  }
0x6e: {  	_ =	shalt  }
0x6f: {  	_ =	shalt  }
0x70: {  	_ =	shalt  }
0x71: {  	_ =	shalt  }
0x72: {  	_ =	shalt  }
0x73: {  	_ =	shalt  }
0x74: {  	_ =	shalt  }
0x75: {  	_ =	shalt  }
0x76: {  	_ =	shalt  }
0x77: {  	_ =	shalt  }
0x78: {  	_ =	shalt  }
0x79: {  	_ =	shalt  }
0x7a: {  	_ =	shalt  }
0x7b: {  	_ =	shalt  }
0x7c: {  	_ =	shalt  }
0x7d: {  	_ =	shalt  }
0x7e: {  	_ =	shalt  }
0x7f: {  	_ =	shalt  }
0x80: {  	_ =	shalt  }
0x81: {  	_ =	shalt  }
0x82: {  	_ =	shalt  }
0x83: {  	_ =	shalt  }
0x84: {  	_ =	shalt  }
0x85: {  	_ =	shalt  }
0x86: {  	_ =	shalt  }
0x87: {  	_ =	shalt  }
.Lfunc_end0:
.L_simem_size_0:
called_computation.1_lowered:
.L_overlay_start_0:
0x88: {  	s2 =	sld [smem:$0x3FD9]  }
0x89: {  	s3 =	sld [smem:$0x3FFE];
	_ =	sdelay $0x1  }
0x8a: {  	s1 =	srdreg.scid  }
0x8b: {  	s0 =	sand.u32 $0x1, s1  }
0x8c: {  	s17 =	sshll.u32 s0, $0xA;
	s2 =	sadd.s32 s3, s2  }
0x8d: {  	s2 =	sadd.s32 s2, s17  }
0x8e: {  	[smem:$0x3FC6] =	sst s2  }
0x8f: {  	_ = 	snop  }
0x90: {  	s2 =	sld [smem:$0x3FD0];
	(tm) =	ssettm $0x1  }
0x91: {  	s18 =	sld [smem:$0x3FFB];
	_ =	sdelay $0x3  }
0x92: {  	_ =	strace s18  }
0x93: {  	s3 =	sld [smem:$0x3FFC];
	_ =	sdelay $0x3  }
0x94: {  	_ =	strace s3  }
0x95: {  	s3 =	sld [smem:$0x3FFD];
	_ =	sdelay $0x3  }
0x96: {  	_ =	strace s3  }
0x97: {  	_ =	strace $0x8FFFFFFF  }
0x98: {  	s19 =	sld [smem:$0x3FDB];
	_ =	sdelay $0x1  }
0x99: {  	s4 =	simm.s32 $_scs_section_size  }
0x9a: {  	s5 =	simm.s32 $_size__tile_overlayer_lowered;
	s6 =	simm.s32 $_tile_overlayer_lowered  }
0x9b: {  	s22 =	simm.s32 $0x1BFF;
	s21 =	sshll.u32 s6, $0x1;
	s3 =	sadd.s32 s4, s19  }
0x9c: {  	s7 =	simm.s32 $0x0;
	s20 =	sshll.u32 s5, $0x1;
	s5 =	sadd.s32 s21, s3  }
0x9d: {  	[timem:s7], [sflag:s22] =	dma.local [hbm:s5], s20  }
0x9e: {  	_ =	swait.ge [sflag:s22], s20  }
0x9f: {  	s4 =	ssub.s32 $0x0, s20;
	[sflag:s22] =	ssyncset.done $0x0  }
0xa0: {  	[sflag:s22] =	ssyncadd.s32 s4;
	_ =	sdelay $0x1  }
0xa1: {  	s23 =	simm.s32 $0x1B8B  }
0xa2: {  	_ =	swait.ge [sflag:s23], $0x1  }
0xa3: {  	[sflag:s23] =	ssyncset.done $0x0  }
0xa4: {  	s25 =	simm.s32 $0x1B8E;
	s24 =	sld [smem:$0x3FFE];
	[sflag:s23] =	ssyncadd.s32 $0xFFFFFFFF  }
0xa5: {  	s26 =	simm.s32 $execute0_lowered;
	[smem:$0x3FD2] =	sst s25  }
0xa6: {  	s5 =	sshll.u32 s26, $0x1;
	_ =	strace $0x80000046;
	[dreg:$0x1] =	wrdreg $0xFFFFFFFF  }
0xa7: {  	s28 =	simm.s32 $_size_execute0_lowered;
	s3 =	sadd.s32 s3, s5;
	[dreg:$0x0] =	wrdreg $0x0  }
0xa8: {  	s5 =	sshll.u32 s28, $0x1;
	[dreg:$0x2] =	wrdreg s3  }
0xa9: {  	[dreg:$0x3] =	wrdreg s5  }
0xaa: {  	[dreg:$0x4] =	wrdreg $0xC0  }
0xab: {  	_ =	task [dreg:s7], $0x5FFFF  }
0xac: {  	[dreg:$0x1] =	wrdreg $0xFFFFFFFF  }
0xad: {  	[dreg:$0x0] =	wrdreg $0x60  }
0xae: {  	[dreg:$0x2] =	wrdreg s24  }
0xaf: {  	[dreg:$0x3] =	wrdreg s2  }
0xb0: {  	[dreg:$0x4] =	wrdreg $0x9  }
0xb1: {  	_ =	task.clear_ibuf [dreg:s7], $0x5FFFF;
	_ =	strace $0x90000046  }
0xb2: {  	s29 =	simm.s32 $0x9;
	_ =	strace $0x80000048  }
0xb3: {  	_ =	swait.ge [sflag:s29], $0x1  }
0xb4: {  	[sflag:s29] =	ssyncadd.s32 $0xFFFFFFFF  }
0xb5: {  	_ =	strace $0x90000048  }
0xb6: {  	_ =	sfence  }
0xb7: {  	s30 =	sld [smem:$0x0];
	_ =	sdelay $0x2  }
0xb8: {  	s31 =	sshll.u32 s1, $0xD;
	s1 =	sshrl.u32 s1, $0x2  }
0xb9: {  	s3 =	sand.u32 $0x4000, s31;
	s1 =	sadd.s32 s1, s30  }
0xba: {  	s0 =	sor.u32 s3, s0;
	s1 =	sshll.u32 s1, $0x11  }
0xbb: {  	s0 =	sor.u32 s1, s0  }
0xbc: {  	s0 =	sadd.s32 $0x8F2B, s0  }
0xbd: {  	[sflag:s0] =	ssyncadd.remote.s32 $0x1  }
0xbe: {  	_ =	sfence.sel $0xFFFF  }
0xbf: {  	[dreg:$0x0] =	wrdreg $0xFFFFFFFF;
	(pc) =	sbr.abs _section_cstart, $3  }
0xc0: {  	[dreg:$0x1] =	wrdreg $0xFFFFFFFF  }
0xc1: {  	_ =	task.clear_ibuf [dreg:s7], $0x2FFFF;
	_ =	strace $0x9FFFFFFF  }
0xc2: {  	(tm) =	ssettm $0x7FFFFFFF  }
0xc3: {  	_ =	shalt  }
tec
execute0_lowered:
.L_overlay_start_1:
0x0: {  	(tag) =	ssettag $0x1  }
0x1: {  	s0 =	rddreg [dreg:$0x0];
	s1 =	srdreg.scid  }
0x2: {  	s10 =	stileid.u32;
	s2 =	rddreg [dreg:$0x1]  }
0x3: {  	s11 =	simm.s32 $0x1B00;
	s15 =	simm.s32 $0x9B00;
	s30 =	simm.s32 $0xA700  }
0x4: {  	s31 =	simm.s32 $0xC700;
	s12 =	simm.s32 $0x10F00;
	s13 =	simm.s32 $0xB300  }
0x5: {  	s14 =	simm.s32 $0xD300;
	s16 =	simm.s32 $0xF300;
	s17 =	simm.s32 $0x11300  }
0x6: {  	s18 =	simm.s32 $0xB700;
	s28 =	simm.s32 $0xF700;
	s7 =	smul.u32 $0xC80000, s10  }
0x7: {  	s29 =	simm.s32 $0x11700;
	s5 =	sshrl.u32 s10, $0x2;
	s20 =	smul.u32 $0x190000, s10  }
0x8: {  	s1 =	sand.u32 $0x1, s1;
	s3 =	sshll.u32 s10, $0x1;
	s5 =	smul.u32 $0xC800, s5  }
0x9: {  	s10 =	simm.s32 $0xEF00;
	s4 =	sor.u32 s1, s3;
	s9 =	smul.u32 $0x640000, s1  }
0xa: {  	s3 =	simm.s32 $0x0;
	s19 =	ssub.s32 $0x2, s1;
	s1 =	smul.u32 $0xC8000, s1  }
0xb: {  	s6 =	sshll.u32 s4, $0x7;
	[smem:$0x7FF] =	sst s3;
	s4 =	smul.u32 $0x640000, s4  }
0xc: {  	s8 =	sshrl.u32 s19, $0x1;
	s6 =	sand.u32 $0x380, s6;
	_ =	strace $0x80000047  }
0xd: {  	s21 =	sadd.s32 s9, s7;
	s9 =	simm.s32 $0xCB00;
	s7 =	simm.s32 $0xCF00  }
0xe: {  	s5 =	sor.u32 s5, s6;
	s6 =	ssub.s32 s19, s8;
	s4 =	sshrl.u32 s4, $0x3  }
0xf: {  	s8 =	simm.s32 $0xAB00;
	s19 =	simm.s32 $0xD700;
	s5 =	sshrl.u32 s5, $0x3  }
0x10: {  	s26 =	smax.u32 s6, $0x1;
	s6 =	simm.s32 $0xAF00;
	s5 =	sadd.s32 s5, s0  }
0x11: {  	s0 =	sadd.s32 $0x6C00, s0;
	[dreg:$0x8] =	wrdreg s26;
	s5 =	sadd.s32 $0x800, s5  }
0x12: {  	s22 =	sadd.s32 s20, s0;
	s4 =	sadd.s32 s0, s4;
	s20 =	simm.s32 $0x1  }
0x13: {  	[dreg:$0x5] =	wrdreg s5;
	s5 =	sshrl.u32 s21, $0x3;
	s1 =	sadd.s32 s1, s22  }
0x14: {  	s23 =	sadd.s32 $0xC6000, s4;
	s25 =	sadd.s32 $0xC7000, s4;
	s21 =	simm.s32 $0x2  }
0x15: {  	s22 =	simm.s32 $0x3;
	s4 =	simm.s32 $0xEB00;
	[dreg:$0x6] =	wrdreg s23  }
0x16: {  	v2 =	vlaneseq.u32;
	s0 =	sadd.s32 s5, s0;
	s24 =	sadd.s32 $0x1000, s1;
	[dreg:$0x7] =	wrdreg s25  }
0x17: {  	vm0 =	vmmov $0xff;
	v1 =	vshrl.u32 v2, $0x3;
	s23 =	simm.s32 $0x4;
	s1 =	simm.s32 $0xE700;
	[dreg:$0x3] =	wrdreg s0  }
0x18: {  	v0 =	vand.u32 $0x7, v2;
	v2 =	vor.u32 $0x8, v2;
	v1 =	vmul.u32 $0x8, v1;
	s5 =	simm.s32 $0x10B00;
	[dreg:$0x4] =	wrdreg s24;
	s0 =	simm.s32 $0x0  }
.LBB2_1:
0x19: {  	[dreg:$0x9] =	wrdreg s0  }
0x1a: {  	s24 =	rddreg [dreg:$0x5]  }
0x1b: {  	s25 =	simm.s32 $0x80;
	s26 =	simm.s32 $0x400;
	s0 =	simm.s32 $0x5  }
0x1c: {  	[tilespmem:s3], [sflag:$0x5] =	stream.strided.gather [hbm4b:s24+s25], $0x1900, s26, s25, $0x38;
	[tilespmem:$0x11B00] =	vst v63  }
0x1d: {  	_ =	swait.ge [sflag:s0], $0x1900  }
0x1e: {  	[sflag:s0] =	ssyncset.done $0x0  }
0x1f: {  	[sflag:s0] =	ssyncadd.s32 $0xFFFFE700  }
0x20: {  	v3 =	vld [tilespmem:$0x0]  }
0x21: {  	v5 =	vld [tilespmem:$0x10];
	_ =	sdelay $0x3  }
0x22: {  	v3 =	vshll.u32 v3, $0x3  }
0x23: {  	v12 =	vshll.u32 v5, $0x3;
	[tilespmem:$0x1900] =	vst v3  }
0x24: {  	v4 =	vor.u32 $0x1, v3;
	[tilespmem:$0x1910] =	vst v12  }
0x25: {  	v62 =	vor.u32 $0x2, v3;
	[tilespmem:$0x1920] =	vst v4  }
0x26: {  	v63 =	vor.u32 $0x3, v3;
	[tilespmem:$0x1940] =	vst v62  }
0x27: {  	v8 =	vor.u32 $0x4, v3;
	[tilespmem:$0x1960] =	vst v63  }
0x28: {  	v9 =	vor.u32 $0x5, v3;
	[tilespmem:$0x1980] =	vst v8  }
0x29: {  	v10 =	vor.u32 $0x6, v3;
	[tilespmem:$0x19A0] =	vst v9  }
0x2a: {  	v11 =	vor.u32 $0x7, v3;
	[tilespmem:$0x19C0] =	vst v10  }
0x2b: {  	v5 =	vor.u32 $0x1, v12;
	[tilespmem:$0x19E0] =	vst v11  }
0x2c: {  	v13 =	vor.u32 $0x2, v12;
	v6 =	vperm.xlane v3, v0;
	[tilespmem:$0x1930] =	vst v5  }
0x2d: {  	v14 =	vor.u32 $0x3, v12;
	[tilespmem:$0x1950] =	vst v13  }
0x2e: {  	v15 =	vor.u32 $0x4, v12;
	v3 =	vperm.xlane v3, v2;
	[tilespmem:$0x1970] =	vst v14;
	v6 =	vadd.s32 v1, v6  }
0x2f: {  	v16 =	vor.u32 $0x5, v12;
	[tilespmem:$0x1990] =	vst v15  }
0x30: {  	v17 =	vor.u32 $0x6, v12;
	[tilespmem:$0x19B0] =	vst v16;
	v3 =	vadd.s32 v1, v3  }
0x31: {  	[tilespmem:$0x19D0] =	vst v17;
	v4 =	vor.u32 $0x7, v12  }
0x32: {  	[tilespmem:$0x19F0] =	vst v4  }
0x33: {  	[tilespmem:s11], [sflag:$0x1] =	stream.indirect_vreg.gather [hbm4b:s2+s3], $0x80, v6, vm0, $0xb8;
	[tilespmem:$0x11B00] =	vst v63  }
0x34: {  	s24 =	simm.s32 $0x3B00  }
0x35: {  	[tilespmem:s24], [sflag:$0x1] =	stream.indirect_vreg.gather [hbm4b:s2+s3], $0x80, v3, vm0, $0xb8;
	[tilespmem:$0x11B00] =	vst v63  }
0x36: {  	v3 =	vld [tilespmem:$0x1910];
	_ =	sdelay $0x4  }
0x37: {  	v18 =	vperm.xlane v3, v0;
	_ =	sdelay $0x1  }
0x38: {  	v3 =	vperm.xlane v3, v2;
	v4 =	vadd.s32 v1, v18;
	_ =	sdelay $0x1  }
0x39: {  	v3 =	vadd.s32 v1, v3;
	_ =	sdelay $0x1  }
0x3a: {  	s25 =	simm.s32 $0x5B00  }
0x3b: {  	[tilespmem:s25], [sflag:$0x1] =	stream.indirect_vreg.gather [hbm4b:s2+s3], $0x80, v4, vm0, $0xb8;
	[tilespmem:$0x11B00] =	vst v63  }
0x3c: {  	s26 =	simm.s32 $0x7B00  }
0x3d: {  	[tilespmem:s26], [sflag:$0x1] =	stream.indirect_vreg.gather [hbm4b:s2+s3], $0x80, v3, vm0, $0xb8;
	[tilespmem:$0x11B00] =	vst v63  }
0x3e: {  	v3 =	vld [tilespmem:$0x1920];
	_ =	sdelay $0x4  }
0x3f: {  	v19 =	vperm.xlane v3, v0;
	_ =	sdelay $0x1  }
0x40: {  	v3 =	vperm.xlane v3, v2;
	v4 =	vadd.s32 v1, v19;
	_ =	sdelay $0x1  }
0x41: {  	v3 =	vadd.s32 v1, v3;
	_ =	sdelay $0x1  }
0x42: {  	s24 =	simm.s32 $0x1F00  }
0x43: {  	[tilespmem:s24], [sflag:$0x1] =	stream.indirect_vreg.gather [hbm4b:s2+s3], $0x80, v4, vm0, $0xb8;
	[tilespmem:$0x11B00] =	vst v63  }
0x44: {  	s25 =	simm.s32 $0x3F00  }
0x45: {  	[tilespmem:s25], [sflag:$0x1] =	stream.indirect_vreg.gather [hbm4b:s2+s3], $0x80, v3, vm0, $0xb8;
	[tilespmem:$0x11B00] =	vst v63  }
0x46: {  	v3 =	vld [tilespmem:$0x1930];
	_ =	sdelay $0x4  }
0x47: {  	v20 =	vperm.xlane v3, v0;
	_ =	sdelay $0x1  }
0x48: {  	v3 =	vperm.xlane v3, v2;
	v4 =	vadd.s32 v1, v20;
	_ =	sdelay $0x1  }
0x49: {  	v3 =	vadd.s32 v1, v3;
	_ =	sdelay $0x1  }
0x4a: {  	s26 =	simm.s32 $0x5F00  }
0x4b: {  	[tilespmem:s26], [sflag:$0x1] =	stream.indirect_vreg.gather [hbm4b:s2+s3], $0x80, v4, vm0, $0xb8;
	[tilespmem:$0x11B00] =	vst v63  }
0x4c: {  	s24 =	simm.s32 $0x7F00  }
0x4d: {  	[tilespmem:s24], [sflag:$0x1] =	stream.indirect_vreg.gather [hbm4b:s2+s3], $0x80, v3, vm0, $0xb8;
	[tilespmem:$0x11B00] =	vst v63  }
0x4e: {  	v3 =	vld [tilespmem:$0x1940];
	_ =	sdelay $0x4  }
0x4f: {  	v21 =	vperm.xlane v3, v0;
	_ =	sdelay $0x1  }
0x50: {  	v3 =	vperm.xlane v3, v2;
	v4 =	vadd.s32 v1, v21;
	_ =	sdelay $0x1  }
0x51: {  	v3 =	vadd.s32 v1, v3;
	_ =	sdelay $0x1  }
0x52: {  	s25 =	simm.s32 $0x2300  }
0x53: {  	[tilespmem:s25], [sflag:$0x1] =	stream.indirect_vreg.gather [hbm4b:s2+s3], $0x80, v4, vm0, $0xb8;
	[tilespmem:$0x11B00] =	vst v63  }
0x54: {  	s26 =	simm.s32 $0x4300  }
0x55: {  	[tilespmem:s26], [sflag:$0x1] =	stream.indirect_vreg.gather [hbm4b:s2+s3], $0x80, v3, vm0, $0xb8;
	[tilespmem:$0x11B00] =	vst v63  }
0x56: {  	v3 =	vld [tilespmem:$0x1950];
	_ =	sdelay $0x4  }
0x57: {  	v22 =	vperm.xlane v3, v0;
	_ =	sdelay $0x1  }
0x58: {  	v3 =	vperm.xlane v3, v2;
	v4 =	vadd.s32 v1, v22;
	_ =	sdelay $0x1  }
0x59: {  	v3 =	vadd.s32 v1, v3;
	_ =	sdelay $0x1  }
0x5a: {  	s24 =	simm.s32 $0x6300  }
0x5b: {  	[tilespmem:s24], [sflag:$0x1] =	stream.indirect_vreg.gather [hbm4b:s2+s3], $0x80, v4, vm0, $0xb8;
	[tilespmem:$0x11B00] =	vst v63  }
0x5c: {  	s25 =	simm.s32 $0x8300  }
0x5d: {  	[tilespmem:s25], [sflag:$0x1] =	stream.indirect_vreg.gather [hbm4b:s2+s3], $0x80, v3, vm0, $0xb8;
	[tilespmem:$0x11B00] =	vst v63  }
0x5e: {  	v3 =	vld [tilespmem:$0x1960];
	_ =	sdelay $0x4  }
0x5f: {  	v23 =	vperm.xlane v3, v0;
	_ =	sdelay $0x1  }
0x60: {  	v3 =	vperm.xlane v3, v2;
	v4 =	vadd.s32 v1, v23;
	_ =	sdelay $0x1  }
0x61: {  	v3 =	vadd.s32 v1, v3;
	_ =	sdelay $0x1  }
0x62: {  	s26 =	simm.s32 $0x2700  }
0x63: {  	[tilespmem:s26], [sflag:$0x1] =	stream.indirect_vreg.gather [hbm4b:s2+s3], $0x80, v4, vm0, $0xb8;
	[tilespmem:$0x11B00] =	vst v63  }
0x64: {  	s24 =	simm.s32 $0x4700  }
0x65: {  	[tilespmem:s24], [sflag:$0x1] =	stream.indirect_vreg.gather [hbm4b:s2+s3], $0x80, v3, vm0, $0xb8;
	[tilespmem:$0x11B00] =	vst v63  }
0x66: {  	v3 =	vld [tilespmem:$0x1970];
	_ =	sdelay $0x4  }
0x67: {  	v24 =	vperm.xlane v3, v0;
	_ =	sdelay $0x1  }
0x68: {  	v3 =	vperm.xlane v3, v2;
	v4 =	vadd.s32 v1, v24;
	_ =	sdelay $0x1  }
0x69: {  	v3 =	vadd.s32 v1, v3;
	_ =	sdelay $0x1  }
0x6a: {  	s25 =	simm.s32 $0x6700  }
0x6b: {  	[tilespmem:s25], [sflag:$0x1] =	stream.indirect_vreg.gather [hbm4b:s2+s3], $0x80, v4, vm0, $0xb8;
	[tilespmem:$0x11B00] =	vst v63  }
0x6c: {  	s26 =	simm.s32 $0x8700  }
0x6d: {  	[tilespmem:s26], [sflag:$0x1] =	stream.indirect_vreg.gather [hbm4b:s2+s3], $0x80, v3, vm0, $0xb8;
	[tilespmem:$0x11B00] =	vst v63  }
0x6e: {  	v3 =	vld [tilespmem:$0x1980];
	_ =	sdelay $0x4  }
0x6f: {  	v25 =	vperm.xlane v3, v0;
	_ =	sdelay $0x1  }
0x70: {  	v3 =	vperm.xlane v3, v2;
	v4 =	vadd.s32 v1, v25;
	_ =	sdelay $0x1  }
0x71: {  	v3 =	vadd.s32 v1, v3;
	_ =	sdelay $0x1  }
0x72: {  	s24 =	simm.s32 $0x2B00  }
0x73: {  	[tilespmem:s24], [sflag:$0x1] =	stream.indirect_vreg.gather [hbm4b:s2+s3], $0x80, v4, vm0, $0xb8;
	[tilespmem:$0x11B00] =	vst v63  }
0x74: {  	s25 =	simm.s32 $0x4B00  }
0x75: {  	[tilespmem:s25], [sflag:$0x1] =	stream.indirect_vreg.gather [hbm4b:s2+s3], $0x80, v3, vm0, $0xb8;
	[tilespmem:$0x11B00] =	vst v63  }
0x76: {  	v3 =	vld [tilespmem:$0x1990];
	_ =	sdelay $0x4  }
0x77: {  	v26 =	vperm.xlane v3, v0;
	_ =	sdelay $0x1  }
0x78: {  	v3 =	vperm.xlane v3, v2;
	v4 =	vadd.s32 v1, v26;
	_ =	sdelay $0x1  }
0x79: {  	v3 =	vadd.s32 v1, v3;
	_ =	sdelay $0x1  }
0x7a: {  	s26 =	simm.s32 $0x6B00  }
0x7b: {  	[tilespmem:s26], [sflag:$0x1] =	stream.indirect_vreg.gather [hbm4b:s2+s3], $0x80, v4, vm0, $0xb8;
	[tilespmem:$0x11B00] =	vst v63  }
0x7c: {  	s24 =	simm.s32 $0x8B00  }
0x7d: {  	[tilespmem:s24], [sflag:$0x1] =	stream.indirect_vreg.gather [hbm4b:s2+s3], $0x80, v3, vm0, $0xb8;
	[tilespmem:$0x11B00] =	vst v63  }
0x7e: {  	v3 =	vld [tilespmem:$0x19A0];
	_ =	sdelay $0x4  }
0x7f: {  	v27 =	vperm.xlane v3, v0;
	_ =	sdelay $0x1  }
0x80: {  	v3 =	vperm.xlane v3, v2;
	v4 =	vadd.s32 v1, v27;
	_ =	sdelay $0x1  }
0x81: {  	v3 =	vadd.s32 v1, v3;
	_ =	sdelay $0x1  }
0x82: {  	s25 =	simm.s32 $0x2F00  }
0x83: {  	[tilespmem:s25], [sflag:$0x1] =	stream.indirect_vreg.gather [hbm4b:s2+s3], $0x80, v4, vm0, $0xb8;
	[tilespmem:$0x11B00] =	vst v63  }
0x84: {  	s26 =	simm.s32 $0x4F00  }
0x85: {  	[tilespmem:s26], [sflag:$0x1] =	stream.indirect_vreg.gather [hbm4b:s2+s3], $0x80, v3, vm0, $0xb8;
	[tilespmem:$0x11B00] =	vst v63  }
0x86: {  	v3 =	vld [tilespmem:$0x19B0];
	_ =	sdelay $0x4  }
0x87: {  	v28 =	vperm.xlane v3, v0;
	_ =	sdelay $0x1  }
0x88: {  	v3 =	vperm.xlane v3, v2;
	v4 =	vadd.s32 v1, v28;
	_ =	sdelay $0x1  }
0x89: {  	v3 =	vadd.s32 v1, v3;
	_ =	sdelay $0x1  }
0x8a: {  	s24 =	simm.s32 $0x6F00  }
0x8b: {  	[tilespmem:s24], [sflag:$0x1] =	stream.indirect_vreg.gather [hbm4b:s2+s3], $0x80, v4, vm0, $0xb8;
	[tilespmem:$0x11B00] =	vst v63  }
0x8c: {  	s25 =	simm.s32 $0x8F00  }
0x8d: {  	[tilespmem:s25], [sflag:$0x1] =	stream.indirect_vreg.gather [hbm4b:s2+s3], $0x80, v3, vm0, $0xb8;
	[tilespmem:$0x11B00] =	vst v63  }
0x8e: {  	v3 =	vld [tilespmem:$0x19C0];
	_ =	sdelay $0x4  }
0x8f: {  	v29 =	vperm.xlane v3, v0;
	_ =	sdelay $0x1  }
0x90: {  	v3 =	vperm.xlane v3, v2;
	v4 =	vadd.s32 v1, v29;
	_ =	sdelay $0x1  }
0x91: {  	v3 =	vadd.s32 v1, v3;
	_ =	sdelay $0x1  }
0x92: {  	s26 =	simm.s32 $0x3300  }
0x93: {  	[tilespmem:s26], [sflag:$0x1] =	stream.indirect_vreg.gather [hbm4b:s2+s3], $0x80, v4, vm0, $0xb8;
	[tilespmem:$0x11B00] =	vst v63  }
0x94: {  	s24 =	simm.s32 $0x5300  }
0x95: {  	[tilespmem:s24], [sflag:$0x1] =	stream.indirect_vreg.gather [hbm4b:s2+s3], $0x80, v3, vm0, $0xb8;
	[tilespmem:$0x11B00] =	vst v63  }
0x96: {  	v3 =	vld [tilespmem:$0x19D0];
	_ =	sdelay $0x4  }
0x97: {  	v30 =	vperm.xlane v3, v0;
	_ =	sdelay $0x1  }
0x98: {  	v3 =	vperm.xlane v3, v2;
	v4 =	vadd.s32 v1, v30;
	_ =	sdelay $0x1  }
0x99: {  	v3 =	vadd.s32 v1, v3;
	_ =	sdelay $0x1  }
0x9a: {  	s25 =	simm.s32 $0x7300  }
0x9b: {  	[tilespmem:s25], [sflag:$0x1] =	stream.indirect_vreg.gather [hbm4b:s2+s3], $0x80, v4, vm0, $0xb8;
	[tilespmem:$0x11B00] =	vst v63  }
0x9c: {  	s26 =	simm.s32 $0x9300  }
0x9d: {  	[tilespmem:s26], [sflag:$0x1] =	stream.indirect_vreg.gather [hbm4b:s2+s3], $0x80, v3, vm0, $0xb8;
	[tilespmem:$0x11B00] =	vst v63  }
0x9e: {  	v3 =	vld [tilespmem:$0x19E0];
	_ =	sdelay $0x4  }
0x9f: {  	v31 =	vperm.xlane v3, v0;
	_ =	sdelay $0x1  }
0xa0: {  	v3 =	vperm.xlane v3, v2;
	v4 =	vadd.s32 v1, v31;
	_ =	sdelay $0x1  }
0xa1: {  	v3 =	vadd.s32 v1, v3;
	_ =	sdelay $0x1  }
0xa2: {  	s24 =	simm.s32 $0x3700  }
0xa3: {  	[tilespmem:s24], [sflag:$0x1] =	stream.indirect_vreg.gather [hbm4b:s2+s3], $0x80, v4, vm0, $0xb8;
	[tilespmem:$0x11B00] =	vst v63  }
0xa4: {  	s25 =	simm.s32 $0x5700  }
0xa5: {  	[tilespmem:s25], [sflag:$0x1] =	stream.indirect_vreg.gather [hbm4b:s2+s3], $0x80, v3, vm0, $0xb8;
	[tilespmem:$0x11B00] =	vst v63  }
0xa6: {  	v3 =	vld [tilespmem:$0x19F0];
	_ =	sdelay $0x4  }
0xa7: {  	v32 =	vperm.xlane v3, v0;
	_ =	sdelay $0x1  }
0xa8: {  	v3 =	vperm.xlane v3, v2;
	v4 =	vadd.s32 v1, v32;
	_ =	sdelay $0x1  }
0xa9: {  	v3 =	vadd.s32 v1, v3;
	_ =	sdelay $0x1  }
0xaa: {  	s26 =	simm.s32 $0x7700  }
0xab: {  	[tilespmem:s26], [sflag:$0x1] =	stream.indirect_vreg.gather [hbm4b:s2+s3], $0x80, v4, vm0, $0xb8;
	[tilespmem:$0x11B00] =	vst v63  }
0xac: {  	s24 =	simm.s32 $0x9700  }
0xad: {  	[tilespmem:s24], [sflag:$0x1] =	stream.indirect_vreg.gather [hbm4b:s2+s3], $0x80, v3, vm0, $0xb8;
	[tilespmem:$0x11B00] =	vst v63  }
0xae: {  	v3 =	vld [tilespmem:$0x20]  }
0xaf: {  	v35 =	vld [tilespmem:$0x30];
	_ =	sdelay $0x3  }
0xb0: {  	v3 =	vshll.u32 v3, $0x3  }
0xb1: {  	v5 =	vshll.u32 v35, $0x3;
	[tilespmem:$0x1A00] =	vst v3  }
0xb2: {  	v33 =	vor.u32 $0x1, v3;
	[tilespmem:$0x1A10] =	vst v5  }
0xb3: {  	v34 =	vor.u32 $0x2, v3;
	[tilespmem:$0x1A20] =	vst v33  }
0xb4: {  	v36 =	vor.u32 $0x3, v3;
	[tilespmem:$0x1A40] =	vst v34  }
0xb5: {  	v37 =	vor.u32 $0x4, v3;
	[tilespmem:$0x1A60] =	vst v36  }
0xb6: {  	v38 =	vor.u32 $0x5, v3;
	[tilespmem:$0x1A80] =	vst v37  }
0xb7: {  	v39 =	vor.u32 $0x6, v3;
	[tilespmem:$0x1AA0] =	vst v38  }
0xb8: {  	v40 =	vor.u32 $0x7, v3;
	[tilespmem:$0x1AC0] =	vst v39  }
0xb9: {  	v41 =	vor.u32 $0x1, v5;
	[tilespmem:$0x1AE0] =	vst v40  }
0xba: {  	v42 =	vor.u32 $0x2, v5;
	v44 =	vperm.xlane v3, v0;
	[tilespmem:$0x1A30] =	vst v41  }
0xbb: {  	v43 =	vor.u32 $0x3, v5;
	[tilespmem:$0x1A50] =	vst v42  }
0xbc: {  	v45 =	vor.u32 $0x4, v5;
	v3 =	vperm.xlane v3, v2;
	[tilespmem:$0x1A70] =	vst v43;
	v6 =	vadd.s32 v1, v44  }
0xbd: {  	v46 =	vor.u32 $0x5, v5;
	[tilespmem:$0x1A90] =	vst v45  }
0xbe: {  	v47 =	vor.u32 $0x6, v5;
	[tilespmem:$0x1AB0] =	vst v46;
	v3 =	vadd.s32 v1, v3  }
0xbf: {  	v48 =	vor.u32 $0x7, v5;
	[tilespmem:$0x1AD0] =	vst v47  }
0xc0: {  	[tilespmem:$0x1AF0] =	vst v48  }
0xc1: {  	[tilespmem:s15], [sflag:$0x2] =	stream.indirect_vreg.gather [hbm4b:s2+s3], $0x80, v6, vm0, $0xb8;
	[tilespmem:$0x11B00] =	vst v63  }
0xc2: {  	s25 =	simm.s32 $0xBB00  }
0xc3: {  	[tilespmem:s25], [sflag:$0x2] =	stream.indirect_vreg.gather [hbm4b:s2+s3], $0x80, v3, vm0, $0xb8;
	[tilespmem:$0x11B00] =	vst v63  }
0xc4: {  	v3 =	vld [tilespmem:$0x1A10];
	_ =	sdelay $0x4  }
0xc5: {  	v49 =	vperm.xlane v3, v0;
	_ =	sdelay $0x1  }
0xc6: {  	v3 =	vperm.xlane v3, v2;
	v4 =	vadd.s32 v1, v49;
	_ =	sdelay $0x1  }
0xc7: {  	v3 =	vadd.s32 v1, v3;
	_ =	sdelay $0x1  }
0xc8: {  	s26 =	simm.s32 $0xDB00  }
0xc9: {  	[tilespmem:s26], [sflag:$0x2] =	stream.indirect_vreg.gather [hbm4b:s2+s3], $0x80, v4, vm0, $0xb8;
	[tilespmem:$0x11B00] =	vst v63  }
0xca: {  	s24 =	simm.s32 $0xFB00  }
0xcb: {  	[tilespmem:s24], [sflag:$0x2] =	stream.indirect_vreg.gather [hbm4b:s2+s3], $0x80, v3, vm0, $0xb8;
	[tilespmem:$0x11B00] =	vst v63  }
0xcc: {  	v3 =	vld [tilespmem:$0x1A20];
	_ =	sdelay $0x4  }
0xcd: {  	v50 =	vperm.xlane v3, v0;
	_ =	sdelay $0x1  }
0xce: {  	v3 =	vperm.xlane v3, v2;
	v4 =	vadd.s32 v1, v50;
	_ =	sdelay $0x1  }
0xcf: {  	v3 =	vadd.s32 v1, v3;
	_ =	sdelay $0x1  }
0xd0: {  	s25 =	simm.s32 $0x9F00  }
0xd1: {  	[tilespmem:s25], [sflag:$0x2] =	stream.indirect_vreg.gather [hbm4b:s2+s3], $0x80, v4, vm0, $0xb8;
	[tilespmem:$0x11B00] =	vst v63  }
0xd2: {  	s26 =	simm.s32 $0xBF00  }
0xd3: {  	[tilespmem:s26], [sflag:$0x2] =	stream.indirect_vreg.gather [hbm4b:s2+s3], $0x80, v3, vm0, $0xb8;
	[tilespmem:$0x11B00] =	vst v63  }
0xd4: {  	v3 =	vld [tilespmem:$0x1A30];
	_ =	sdelay $0x4  }
0xd5: {  	v51 =	vperm.xlane v3, v0;
	_ =	sdelay $0x1  }
0xd6: {  	v3 =	vperm.xlane v3, v2;
	v4 =	vadd.s32 v1, v51;
	_ =	sdelay $0x1  }
0xd7: {  	v3 =	vadd.s32 v1, v3;
	_ =	sdelay $0x1  }
0xd8: {  	s24 =	simm.s32 $0xDF00  }
0xd9: {  	[tilespmem:s24], [sflag:$0x2] =	stream.indirect_vreg.gather [hbm4b:s2+s3], $0x80, v4, vm0, $0xb8;
	[tilespmem:$0x11B00] =	vst v63  }
0xda: {  	s25 =	simm.s32 $0xFF00  }
0xdb: {  	[tilespmem:s25], [sflag:$0x2] =	stream.indirect_vreg.gather [hbm4b:s2+s3], $0x80, v3, vm0, $0xb8;
	[tilespmem:$0x11B00] =	vst v63  }
0xdc: {  	v3 =	vld [tilespmem:$0x1A40];
	_ =	sdelay $0x4  }
0xdd: {  	v52 =	vperm.xlane v3, v0;
	_ =	sdelay $0x1  }
0xde: {  	v3 =	vperm.xlane v3, v2;
	v4 =	vadd.s32 v1, v52;
	_ =	sdelay $0x1  }
0xdf: {  	v3 =	vadd.s32 v1, v3;
	_ =	sdelay $0x1  }
0xe0: {  	s26 =	simm.s32 $0xA300  }
0xe1: {  	[tilespmem:s26], [sflag:$0x2] =	stream.indirect_vreg.gather [hbm4b:s2+s3], $0x80, v4, vm0, $0xb8;
	[tilespmem:$0x11B00] =	vst v63  }
0xe2: {  	s24 =	simm.s32 $0xC300  }
0xe3: {  	[tilespmem:s24], [sflag:$0x2] =	stream.indirect_vreg.gather [hbm4b:s2+s3], $0x80, v3, vm0, $0xb8;
	[tilespmem:$0x11B00] =	vst v63  }
0xe4: {  	v3 =	vld [tilespmem:$0x1A50];
	_ =	sdelay $0x4  }
0xe5: {  	v53 =	vperm.xlane v3, v0;
	_ =	sdelay $0x1  }
0xe6: {  	v3 =	vperm.xlane v3, v2;
	v4 =	vadd.s32 v1, v53;
	_ =	sdelay $0x1  }
0xe7: {  	v3 =	vadd.s32 v1, v3;
	_ =	sdelay $0x1  }
0xe8: {  	s25 =	simm.s32 $0xE300  }
0xe9: {  	[tilespmem:s25], [sflag:$0x2] =	stream.indirect_vreg.gather [hbm4b:s2+s3], $0x80, v4, vm0, $0xb8;
	[tilespmem:$0x11B00] =	vst v63  }
0xea: {  	s26 =	simm.s32 $0x10300  }
0xeb: {  	[tilespmem:s26], [sflag:$0x2] =	stream.indirect_vreg.gather [hbm4b:s2+s3], $0x80, v3, vm0, $0xb8;
	[tilespmem:$0x11B00] =	vst v63  }
0xec: {  	v3 =	vld [tilespmem:$0x1A60];
	_ =	sdelay $0x4  }
0xed: {  	v54 =	vperm.xlane v3, v0;
	_ =	sdelay $0x1  }
0xee: {  	v3 =	vperm.xlane v3, v2;
	v4 =	vadd.s32 v1, v54;
	_ =	sdelay $0x1  }
0xef: {  	v3 =	vadd.s32 v1, v3;
	_ =	sdelay $0x2  }
0xf0: {  	[tilespmem:s30], [sflag:$0x2] =	stream.indirect_vreg.gather [hbm4b:s2+s3], $0x80, v4, vm0, $0xb8;
	[tilespmem:$0x11B00] =	vst v63  }
0xf1: {  	_ = 	snop  }
0xf2: {  	[tilespmem:s31], [sflag:$0x2] =	stream.indirect_vreg.gather [hbm4b:s2+s3], $0x80, v3, vm0, $0xb8;
	[tilespmem:$0x11B00] =	vst v63  }
0xf3: {  	v3 =	vld [tilespmem:$0x1A70];
	_ =	sdelay $0x4  }
0xf4: {  	v55 =	vperm.xlane v3, v0;
	_ =	sdelay $0x1  }
0xf5: {  	v3 =	vperm.xlane v3, v2;
	v4 =	vadd.s32 v1, v55;
	_ =	sdelay $0x1  }
0xf6: {  	v3 =	vadd.s32 v1, v3;
	_ =	sdelay $0x2  }
0xf7: {  	[tilespmem:s1], [sflag:$0x2] =	stream.indirect_vreg.gather [hbm4b:s2+s3], $0x80, v4, vm0, $0xb8;
	[tilespmem:$0x11B00] =	vst v63  }
0xf8: {  	s0 =	simm.s32 $0x10700  }
0xf9: {  	[tilespmem:s0], [sflag:$0x2] =	stream.indirect_vreg.gather [hbm4b:s2+s3], $0x80, v3, vm0, $0xb8;
	[tilespmem:$0x11B00] =	vst v63  }
0xfa: {  	v3 =	vld [tilespmem:$0x1A80];
	_ =	sdelay $0x4  }
0xfb: {  	v56 =	vperm.xlane v3, v0;
	_ =	sdelay $0x1  }
0xfc: {  	v3 =	vperm.xlane v3, v2;
	v4 =	vadd.s32 v1, v56;
	_ =	sdelay $0x1  }
0xfd: {  	v3 =	vadd.s32 v1, v3;
	_ =	sdelay $0x2  }
0xfe: {  	[tilespmem:s8], [sflag:$0x2] =	stream.indirect_vreg.gather [hbm4b:s2+s3], $0x80, v4, vm0, $0xb8;
	[tilespmem:$0x11B00] =	vst v63  }
0xff: {  	_ = 	snop  }
0x100: {  	[tilespmem:s9], [sflag:$0x2] =	stream.indirect_vreg.gather [hbm4b:s2+s3], $0x80, v3, vm0, $0xb8;
	[tilespmem:$0x11B00] =	vst v63  }
0x101: {  	v3 =	vld [tilespmem:$0x1A90];
	_ =	sdelay $0x4  }
0x102: {  	v57 =	vperm.xlane v3, v0;
	_ =	sdelay $0x1  }
0x103: {  	v3 =	vperm.xlane v3, v2;
	v4 =	vadd.s32 v1, v57;
	_ =	sdelay $0x1  }
0x104: {  	v3 =	vadd.s32 v1, v3;
	_ =	sdelay $0x2  }
0x105: {  	[tilespmem:s4], [sflag:$0x2] =	stream.indirect_vreg.gather [hbm4b:s2+s3], $0x80, v4, vm0, $0xb8;
	[tilespmem:$0x11B00] =	vst v63  }
0x106: {  	_ = 	snop  }
0x107: {  	[tilespmem:s5], [sflag:$0x2] =	stream.indirect_vreg.gather [hbm4b:s2+s3], $0x80, v3, vm0, $0xb8;
	[tilespmem:$0x11B00] =	vst v63  }
0x108: {  	v3 =	vld [tilespmem:$0x1AA0];
	_ =	sdelay $0x4  }
0x109: {  	v58 =	vperm.xlane v3, v0;
	_ =	sdelay $0x1  }
0x10a: {  	v3 =	vperm.xlane v3, v2;
	v4 =	vadd.s32 v1, v58;
	_ =	sdelay $0x1  }
0x10b: {  	v3 =	vadd.s32 v1, v3;
	_ =	sdelay $0x2  }
0x10c: {  	[tilespmem:s6], [sflag:$0x2] =	stream.indirect_vreg.gather [hbm4b:s2+s3], $0x80, v4, vm0, $0xb8;
	[tilespmem:$0x11B00] =	vst v63  }
0x10d: {  	_ = 	snop  }
0x10e: {  	[tilespmem:s7], [sflag:$0x2] =	stream.indirect_vreg.gather [hbm4b:s2+s3], $0x80, v3, vm0, $0xb8;
	[tilespmem:$0x11B00] =	vst v63  }
0x10f: {  	v3 =	vld [tilespmem:$0x1AB0];
	_ =	sdelay $0x4  }
0x110: {  	v59 =	vperm.xlane v3, v0;
	_ =	sdelay $0x1  }
0x111: {  	v3 =	vperm.xlane v3, v2;
	v4 =	vadd.s32 v1, v59;
	_ =	sdelay $0x1  }
0x112: {  	v3 =	vadd.s32 v1, v3;
	_ =	sdelay $0x2  }
0x113: {  	[tilespmem:s10], [sflag:$0x2] =	stream.indirect_vreg.gather [hbm4b:s2+s3], $0x80, v4, vm0, $0xb8;
	[tilespmem:$0x11B00] =	vst v63  }
0x114: {  	_ = 	snop  }
0x115: {  	[tilespmem:s12], [sflag:$0x2] =	stream.indirect_vreg.gather [hbm4b:s2+s3], $0x80, v3, vm0, $0xb8;
	[tilespmem:$0x11B00] =	vst v63  }
0x116: {  	v3 =	vld [tilespmem:$0x1AC0];
	_ =	sdelay $0x4  }
0x117: {  	v60 =	vperm.xlane v3, v0;
	_ =	sdelay $0x1  }
0x118: {  	v3 =	vperm.xlane v3, v2;
	v4 =	vadd.s32 v1, v60;
	_ =	sdelay $0x1  }
0x119: {  	v3 =	vadd.s32 v1, v3;
	_ =	sdelay $0x2  }
0x11a: {  	[tilespmem:s13], [sflag:$0x2] =	stream.indirect_vreg.gather [hbm4b:s2+s3], $0x80, v4, vm0, $0xb8;
	[tilespmem:$0x11B00] =	vst v63  }
0x11b: {  	_ = 	snop  }
0x11c: {  	[tilespmem:s14], [sflag:$0x2] =	stream.indirect_vreg.gather [hbm4b:s2+s3], $0x80, v3, vm0, $0xb8;
	[tilespmem:$0x11B00] =	vst v63  }
0x11d: {  	v3 =	vld [tilespmem:$0x1AD0];
	_ =	sdelay $0x4  }
0x11e: {  	v61 =	vperm.xlane v3, v0;
	_ =	sdelay $0x1  }
0x11f: {  	v3 =	vperm.xlane v3, v2;
	v4 =	vadd.s32 v1, v61;
	_ =	sdelay $0x1  }
0x120: {  	v3 =	vadd.s32 v1, v3;
	_ =	sdelay $0x2  }
0x121: {  	[tilespmem:s16], [sflag:$0x2] =	stream.indirect_vreg.gather [hbm4b:s2+s3], $0x80, v4, vm0, $0xb8;
	[tilespmem:$0x11B00] =	vst v63  }
0x122: {  	_ = 	snop  }
0x123: {  	[tilespmem:s17], [sflag:$0x2] =	stream.indirect_vreg.gather [hbm4b:s2+s3], $0x80, v3, vm0, $0xb8;
	[tilespmem:$0x11B00] =	vst v63  }
0x124: {  	v3 =	vld [tilespmem:$0x1AE0];
	_ =	sdelay $0x4  }
0x125: {  	v62 =	vperm.xlane v3, v0;
	_ =	sdelay $0x1  }
0x126: {  	v3 =	vperm.xlane v3, v2;
	v4 =	vadd.s32 v1, v62;
	_ =	sdelay $0x1  }
0x127: {  	v3 =	vadd.s32 v1, v3;
	_ =	sdelay $0x2  }
0x128: {  	[tilespmem:s18], [sflag:$0x2] =	stream.indirect_vreg.gather [hbm4b:s2+s3], $0x80, v4, vm0, $0xb8;
	[tilespmem:$0x11B00] =	vst v63  }
0x129: {  	_ = 	snop  }
0x12a: {  	[tilespmem:s19], [sflag:$0x2] =	stream.indirect_vreg.gather [hbm4b:s2+s3], $0x80, v3, vm0, $0xb8;
	[tilespmem:$0x11B00] =	vst v63  }
0x12b: {  	v3 =	vld [tilespmem:$0x1AF0];
	_ =	sdelay $0x4  }
0x12c: {  	v63 =	vperm.xlane v3, v0;
	_ =	sdelay $0x1  }
0x12d: {  	v3 =	vperm.xlane v3, v2;
	v4 =	vadd.s32 v1, v63;
	_ =	sdelay $0x1  }
0x12e: {  	v3 =	vadd.s32 v1, v3;
	_ =	sdelay $0x2  }
0x12f: {  	[tilespmem:s28], [sflag:$0x2] =	stream.indirect_vreg.gather [hbm4b:s2+s3], $0x80, v4, vm0, $0xb8;
	[tilespmem:$0x11B00] =	vst v63  }
0x130: {  	s24 =	simm.s32 $0x70;
	s25 =	simm.s32 $0x0  }
0x131: {  	[tilespmem:s29], [sflag:$0x2] =	stream.indirect_vreg.gather [hbm4b:s2+s3], $0x80, v3, vm0, $0xb8;
	[tilespmem:$0x11B00] =	vst v63  }
.LBB2_2:
0x132: {  	_ =	swait.ge [sflag:s20], $0x1000  }
0x133: {  	[sflag:s20] =	ssyncset.done $0x0  }
0x134: {  	[sflag:s20] =	ssyncadd.s32 $0xFFFFF000  }
0x135: {  	_ =	swait.ge [sflag:s20], $0x1000  }
0x136: {  	[sflag:s20] =	ssyncset.done $0x0  }
0x137: {  	[sflag:s20] =	ssyncadd.s32 $0xFFFFF000  }
0x138: {  	_ =	swait.ge [sflag:s20], $0x1000  }
0x139: {  	[sflag:s20] =	ssyncset.done $0x0  }
0x13a: {  	[sflag:s20] =	ssyncadd.s32 $0xFFFFF000  }
0x13b: {  	_ =	swait.ge [sflag:s20], $0x1000  }
0x13c: {  	[sflag:s20] =	ssyncset.done $0x0  }
0x13d: {  	[sflag:s20] =	ssyncadd.s32 $0xFFFFF000  }
0x13e: {  	_ =	swait.ge [sflag:s20], $0x1000  }
0x13f: {  	[sflag:s20] =	ssyncset.done $0x0  }
0x140: {  	[sflag:s20] =	ssyncadd.s32 $0xFFFFF000  }
0x141: {  	_ =	swait.ge [sflag:s20], $0x1000  }
0x142: {  	[sflag:s20] =	ssyncset.done $0x0  }
0x143: {  	[sflag:s20] =	ssyncadd.s32 $0xFFFFF000  }
0x144: {  	_ =	swait.ge [sflag:s20], $0x1000  }
0x145: {  	[sflag:s20] =	ssyncset.done $0x0  }
0x146: {  	[sflag:s20] =	ssyncadd.s32 $0xFFFFF000  }
0x147: {  	_ =	swait.ge [sflag:s20], $0x1000  }
0x148: {  	s26 =	rddreg [dreg:$0x3];
	[sflag:s20] =	ssyncset.done $0x0  }
0x149: {  	[sflag:s20] =	ssyncadd.s32 $0xFFFFF000;
	s26 =	sadd.s32 s25, s26  }
0x14a: {  	[hbm4b:s26+s3] =	stream.linear.scatter [tilespmem:s11], [sflag:$0x3], $0x8000, $0x38;
	[tilespmem:$0x11B00] =	vst v63  }
0x14b: {  	_ =	swait.ge [sflag:s21], $0x1000  }
0x14c: {  	[sflag:s21] =	ssyncset.done $0x0  }
0x14d: {  	[sflag:s21] =	ssyncadd.s32 $0xFFFFF000  }
0x14e: {  	_ =	swait.ge [sflag:s21], $0x1000  }
0x14f: {  	[sflag:s21] =	ssyncset.done $0x0  }
0x150: {  	[sflag:s21] =	ssyncadd.s32 $0xFFFFF000  }
0x151: {  	_ =	swait.ge [sflag:s21], $0x1000  }
0x152: {  	[sflag:s21] =	ssyncset.done $0x0  }
0x153: {  	[sflag:s21] =	ssyncadd.s32 $0xFFFFF000  }
0x154: {  	_ =	swait.ge [sflag:s21], $0x1000  }
0x155: {  	[sflag:s21] =	ssyncset.done $0x0  }
0x156: {  	[sflag:s21] =	ssyncadd.s32 $0xFFFFF000  }
0x157: {  	_ =	swait.ge [sflag:s21], $0x1000  }
0x158: {  	[sflag:s21] =	ssyncset.done $0x0  }
0x159: {  	[sflag:s21] =	ssyncadd.s32 $0xFFFFF000  }
0x15a: {  	_ =	swait.ge [sflag:s21], $0x1000  }
0x15b: {  	[sflag:s21] =	ssyncset.done $0x0  }
0x15c: {  	[sflag:s21] =	ssyncadd.s32 $0xFFFFF000  }
0x15d: {  	_ =	swait.ge [sflag:s21], $0x1000  }
0x15e: {  	[sflag:s21] =	ssyncset.done $0x0  }
0x15f: {  	[sflag:s21] =	ssyncadd.s32 $0xFFFFF000  }
0x160: {  	_ =	swait.ge [sflag:s21], $0x1000  }
0x161: {  	s26 =	rddreg [dreg:$0x4];
	[sflag:s21] =	ssyncset.done $0x0  }
0x162: {  	[sflag:s21] =	ssyncadd.s32 $0xFFFFF000;
	s26 =	sadd.s32 s25, s26  }
0x163: {  	[hbm4b:s26+s3] =	stream.linear.scatter [tilespmem:s15], [sflag:$0x4], $0x8000, $0x38;
	[tilespmem:$0x11B00] =	vst v63  }
0x164: {  	_ =	swait.ge [sflag:s22], $0x8000  }
0x165: {  	[sflag:s22] =	ssyncset.done $0x0  }
0x166: {  	[sflag:s22] =	ssyncadd.s32 $0xFFFF8000  }
0x167: {  	v3 =	vld [tilespmem:s24+$0xFFFFFFD0];
	_ =	sdelay $0x4  }
0x168: {  	v3 =	vshll.u32 v3, $0x3  }
0x169: {  	[tilespmem:$0x1900] =	vst v3;
	v4 =	vor.u32 $0x1, v3  }
0x16a: {  	v9 =	vor.u32 $0x2, v3;
	[tilespmem:$0x1920] =	vst v4  }
0x16b: {  	v10 =	vor.u32 $0x3, v3;
	[tilespmem:$0x1940] =	vst v9  }
0x16c: {  	v11 =	vor.u32 $0x4, v3;
	[tilespmem:$0x1960] =	vst v10  }
0x16d: {  	v12 =	vor.u32 $0x5, v3;
	[tilespmem:$0x1980] =	vst v11  }
0x16e: {  	v13 =	vor.u32 $0x6, v3;
	[tilespmem:$0x19A0] =	vst v12  }
0x16f: {  	v14 =	vor.u32 $0x7, v3;
	[tilespmem:$0x19C0] =	vst v13  }
0x170: {  	[tilespmem:$0x19E0] =	vst v14  }
0x171: {  	v4 =	vld [tilespmem:s24+$0xFFFFFFE0];
	_ =	sdelay $0x4  }
0x172: {  	v4 =	vshll.u32 v4, $0x3  }
0x173: {  	[tilespmem:$0x1910] =	vst v4;
	v5 =	vor.u32 $0x1, v4  }
0x174: {  	v6 =	vperm.xlane v3, v0;
	v15 =	vor.u32 $0x2, v4;
	[tilespmem:$0x1930] =	vst v5  }
0x175: {  	v16 =	vor.u32 $0x3, v4;
	[tilespmem:$0x1950] =	vst v15  }
0x176: {  	v3 =	vperm.xlane v3, v2;
	v6 =	vadd.s32 v1, v6;
	v17 =	vor.u32 $0x4, v4;
	[tilespmem:$0x1970] =	vst v16  }
0x177: {  	v18 =	vor.u32 $0x5, v4;
	[tilespmem:$0x1990] =	vst v17  }
0x178: {  	v3 =	vadd.s32 v1, v3;
	v19 =	vor.u32 $0x6, v4;
	[tilespmem:$0x19B0] =	vst v18  }
0x179: {  	v4 =	vor.u32 $0x7, v4;
	[tilespmem:$0x19D0] =	vst v19  }
0x17a: {  	[tilespmem:$0x19F0] =	vst v4  }
0x17b: {  	[tilespmem:s11], [sflag:$0x1] =	stream.indirect_vreg.gather [hbm4b:s2+s3], $0x80, v6, vm0, $0xb8;
	[tilespmem:$0x11B00] =	vst v63  }
0x17c: {  	s26 =	simm.s32 $0x3B00  }
0x17d: {  	[tilespmem:s26], [sflag:$0x1] =	stream.indirect_vreg.gather [hbm4b:s2+s3], $0x80, v3, vm0, $0xb8;
	[tilespmem:$0x11B00] =	vst v63  }
0x17e: {  	v3 =	vld [tilespmem:$0x1910];
	_ =	sdelay $0x4  }
0x17f: {  	v20 =	vperm.xlane v3, v0;
	_ =	sdelay $0x1  }
0x180: {  	v3 =	vperm.xlane v3, v2;
	v4 =	vadd.s32 v1, v20;
	_ =	sdelay $0x1  }
0x181: {  	v3 =	vadd.s32 v1, v3;
	_ =	sdelay $0x1  }
0x182: {  	s26 =	simm.s32 $0x5B00  }
0x183: {  	[tilespmem:s26], [sflag:$0x1] =	stream.indirect_vreg.gather [hbm4b:s2+s3], $0x80, v4, vm0, $0xb8;
	[tilespmem:$0x11B00] =	vst v63  }
0x184: {  	s26 =	simm.s32 $0x7B00  }
0x185: {  	[tilespmem:s26], [sflag:$0x1] =	stream.indirect_vreg.gather [hbm4b:s2+s3], $0x80, v3, vm0, $0xb8;
	[tilespmem:$0x11B00] =	vst v63  }
0x186: {  	v3 =	vld [tilespmem:$0x1920];
	_ =	sdelay $0x4  }
0x187: {  	v21 =	vperm.xlane v3, v0;
	_ =	sdelay $0x1  }
0x188: {  	v3 =	vperm.xlane v3, v2;
	v4 =	vadd.s32 v1, v21;
	_ =	sdelay $0x1  }
0x189: {  	v3 =	vadd.s32 v1, v3;
	_ =	sdelay $0x1  }
0x18a: {  	s26 =	simm.s32 $0x1F00  }
0x18b: {  	[tilespmem:s26], [sflag:$0x1] =	stream.indirect_vreg.gather [hbm4b:s2+s3], $0x80, v4, vm0, $0xb8;
	[tilespmem:$0x11B00] =	vst v63  }
0x18c: {  	s26 =	simm.s32 $0x3F00  }
0x18d: {  	[tilespmem:s26], [sflag:$0x1] =	stream.indirect_vreg.gather [hbm4b:s2+s3], $0x80, v3, vm0, $0xb8;
	[tilespmem:$0x11B00] =	vst v63  }
0x18e: {  	v3 =	vld [tilespmem:$0x1930];
	_ =	sdelay $0x4  }
0x18f: {  	v22 =	vperm.xlane v3, v0;
	_ =	sdelay $0x1  }
0x190: {  	v3 =	vperm.xlane v3, v2;
	v4 =	vadd.s32 v1, v22;
	_ =	sdelay $0x1  }
0x191: {  	v3 =	vadd.s32 v1, v3;
	_ =	sdelay $0x1  }
0x192: {  	s26 =	simm.s32 $0x5F00  }
0x193: {  	[tilespmem:s26], [sflag:$0x1] =	stream.indirect_vreg.gather [hbm4b:s2+s3], $0x80, v4, vm0, $0xb8;
	[tilespmem:$0x11B00] =	vst v63  }
0x194: {  	s26 =	simm.s32 $0x7F00  }
0x195: {  	[tilespmem:s26], [sflag:$0x1] =	stream.indirect_vreg.gather [hbm4b:s2+s3], $0x80, v3, vm0, $0xb8;
	[tilespmem:$0x11B00] =	vst v63  }
0x196: {  	v3 =	vld [tilespmem:$0x1940];
	_ =	sdelay $0x4  }
0x197: {  	v23 =	vperm.xlane v3, v0;
	_ =	sdelay $0x1  }
0x198: {  	v3 =	vperm.xlane v3, v2;
	v4 =	vadd.s32 v1, v23;
	_ =	sdelay $0x1  }
0x199: {  	v3 =	vadd.s32 v1, v3;
	_ =	sdelay $0x1  }
0x19a: {  	s26 =	simm.s32 $0x2300  }
0x19b: {  	[tilespmem:s26], [sflag:$0x1] =	stream.indirect_vreg.gather [hbm4b:s2+s3], $0x80, v4, vm0, $0xb8;
	[tilespmem:$0x11B00] =	vst v63  }
0x19c: {  	s26 =	simm.s32 $0x4300  }
0x19d: {  	[tilespmem:s26], [sflag:$0x1] =	stream.indirect_vreg.gather [hbm4b:s2+s3], $0x80, v3, vm0, $0xb8;
	[tilespmem:$0x11B00] =	vst v63  }
0x19e: {  	v3 =	vld [tilespmem:$0x1950];
	_ =	sdelay $0x4  }
0x19f: {  	v24 =	vperm.xlane v3, v0;
	_ =	sdelay $0x1  }
0x1a0: {  	v3 =	vperm.xlane v3, v2;
	v4 =	vadd.s32 v1, v24;
	_ =	sdelay $0x1  }
0x1a1: {  	v3 =	vadd.s32 v1, v3;
	_ =	sdelay $0x1  }
0x1a2: {  	s26 =	simm.s32 $0x6300  }
0x1a3: {  	[tilespmem:s26], [sflag:$0x1] =	stream.indirect_vreg.gather [hbm4b:s2+s3], $0x80, v4, vm0, $0xb8;
	[tilespmem:$0x11B00] =	vst v63  }
0x1a4: {  	s26 =	simm.s32 $0x8300  }
0x1a5: {  	[tilespmem:s26], [sflag:$0x1] =	stream.indirect_vreg.gather [hbm4b:s2+s3], $0x80, v3, vm0, $0xb8;
	[tilespmem:$0x11B00] =	vst v63  }
0x1a6: {  	v3 =	vld [tilespmem:$0x1960];
	_ =	sdelay $0x4  }
0x1a7: {  	v25 =	vperm.xlane v3, v0;
	_ =	sdelay $0x1  }
0x1a8: {  	v3 =	vperm.xlane v3, v2;
	v4 =	vadd.s32 v1, v25;
	_ =	sdelay $0x1  }
0x1a9: {  	v3 =	vadd.s32 v1, v3;
	_ =	sdelay $0x1  }
0x1aa: {  	s26 =	simm.s32 $0x2700  }
0x1ab: {  	[tilespmem:s26], [sflag:$0x1] =	stream.indirect_vreg.gather [hbm4b:s2+s3], $0x80, v4, vm0, $0xb8;
	[tilespmem:$0x11B00] =	vst v63  }
0x1ac: {  	s26 =	simm.s32 $0x4700  }
0x1ad: {  	[tilespmem:s26], [sflag:$0x1] =	stream.indirect_vreg.gather [hbm4b:s2+s3], $0x80, v3, vm0, $0xb8;
	[tilespmem:$0x11B00] =	vst v63  }
0x1ae: {  	v3 =	vld [tilespmem:$0x1970];
	_ =	sdelay $0x4  }
0x1af: {  	v26 =	vperm.xlane v3, v0;
	_ =	sdelay $0x1  }
0x1b0: {  	v3 =	vperm.xlane v3, v2;
	v4 =	vadd.s32 v1, v26;
	_ =	sdelay $0x1  }
0x1b1: {  	v3 =	vadd.s32 v1, v3;
	_ =	sdelay $0x1  }
0x1b2: {  	s26 =	simm.s32 $0x6700  }
0x1b3: {  	[tilespmem:s26], [sflag:$0x1] =	stream.indirect_vreg.gather [hbm4b:s2+s3], $0x80, v4, vm0, $0xb8;
	[tilespmem:$0x11B00] =	vst v63  }
0x1b4: {  	s26 =	simm.s32 $0x8700  }
0x1b5: {  	[tilespmem:s26], [sflag:$0x1] =	stream.indirect_vreg.gather [hbm4b:s2+s3], $0x80, v3, vm0, $0xb8;
	[tilespmem:$0x11B00] =	vst v63  }
0x1b6: {  	v3 =	vld [tilespmem:$0x1980];
	_ =	sdelay $0x4  }
0x1b7: {  	v27 =	vperm.xlane v3, v0;
	_ =	sdelay $0x1  }
0x1b8: {  	v3 =	vperm.xlane v3, v2;
	v4 =	vadd.s32 v1, v27;
	_ =	sdelay $0x1  }
0x1b9: {  	v3 =	vadd.s32 v1, v3;
	_ =	sdelay $0x1  }
0x1ba: {  	s26 =	simm.s32 $0x2B00  }
0x1bb: {  	[tilespmem:s26], [sflag:$0x1] =	stream.indirect_vreg.gather [hbm4b:s2+s3], $0x80, v4, vm0, $0xb8;
	[tilespmem:$0x11B00] =	vst v63  }
0x1bc: {  	s26 =	simm.s32 $0x4B00  }
0x1bd: {  	[tilespmem:s26], [sflag:$0x1] =	stream.indirect_vreg.gather [hbm4b:s2+s3], $0x80, v3, vm0, $0xb8;
	[tilespmem:$0x11B00] =	vst v63  }
0x1be: {  	v3 =	vld [tilespmem:$0x1990];
	_ =	sdelay $0x4  }
0x1bf: {  	v28 =	vperm.xlane v3, v0;
	_ =	sdelay $0x1  }
0x1c0: {  	v3 =	vperm.xlane v3, v2;
	v4 =	vadd.s32 v1, v28;
	_ =	sdelay $0x1  }
0x1c1: {  	v3 =	vadd.s32 v1, v3;
	_ =	sdelay $0x1  }
0x1c2: {  	s26 =	simm.s32 $0x6B00  }
0x1c3: {  	[tilespmem:s26], [sflag:$0x1] =	stream.indirect_vreg.gather [hbm4b:s2+s3], $0x80, v4, vm0, $0xb8;
	[tilespmem:$0x11B00] =	vst v63  }
0x1c4: {  	s26 =	simm.s32 $0x8B00  }
0x1c5: {  	[tilespmem:s26], [sflag:$0x1] =	stream.indirect_vreg.gather [hbm4b:s2+s3], $0x80, v3, vm0, $0xb8;
	[tilespmem:$0x11B00] =	vst v63  }
0x1c6: {  	v3 =	vld [tilespmem:$0x19A0];
	_ =	sdelay $0x4  }
0x1c7: {  	v29 =	vperm.xlane v3, v0;
	_ =	sdelay $0x1  }
0x1c8: {  	v3 =	vperm.xlane v3, v2;
	v4 =	vadd.s32 v1, v29;
	_ =	sdelay $0x1  }
0x1c9: {  	v3 =	vadd.s32 v1, v3;
	_ =	sdelay $0x1  }
0x1ca: {  	s26 =	simm.s32 $0x2F00  }
0x1cb: {  	[tilespmem:s26], [sflag:$0x1] =	stream.indirect_vreg.gather [hbm4b:s2+s3], $0x80, v4, vm0, $0xb8;
	[tilespmem:$0x11B00] =	vst v63  }
0x1cc: {  	s26 =	simm.s32 $0x4F00  }
0x1cd: {  	[tilespmem:s26], [sflag:$0x1] =	stream.indirect_vreg.gather [hbm4b:s2+s3], $0x80, v3, vm0, $0xb8;
	[tilespmem:$0x11B00] =	vst v63  }
0x1ce: {  	v3 =	vld [tilespmem:$0x19B0];
	_ =	sdelay $0x4  }
0x1cf: {  	v30 =	vperm.xlane v3, v0;
	_ =	sdelay $0x1  }
0x1d0: {  	v3 =	vperm.xlane v3, v2;
	v4 =	vadd.s32 v1, v30;
	_ =	sdelay $0x1  }
0x1d1: {  	v3 =	vadd.s32 v1, v3;
	_ =	sdelay $0x1  }
0x1d2: {  	s26 =	simm.s32 $0x6F00  }
0x1d3: {  	[tilespmem:s26], [sflag:$0x1] =	stream.indirect_vreg.gather [hbm4b:s2+s3], $0x80, v4, vm0, $0xb8;
	[tilespmem:$0x11B00] =	vst v63  }
0x1d4: {  	s26 =	simm.s32 $0x8F00  }
0x1d5: {  	[tilespmem:s26], [sflag:$0x1] =	stream.indirect_vreg.gather [hbm4b:s2+s3], $0x80, v3, vm0, $0xb8;
	[tilespmem:$0x11B00] =	vst v63  }
0x1d6: {  	v3 =	vld [tilespmem:$0x19C0];
	_ =	sdelay $0x4  }
0x1d7: {  	v31 =	vperm.xlane v3, v0;
	_ =	sdelay $0x1  }
0x1d8: {  	v3 =	vperm.xlane v3, v2;
	v4 =	vadd.s32 v1, v31;
	_ =	sdelay $0x1  }
0x1d9: {  	v3 =	vadd.s32 v1, v3;
	_ =	sdelay $0x1  }
0x1da: {  	s26 =	simm.s32 $0x3300  }
0x1db: {  	[tilespmem:s26], [sflag:$0x1] =	stream.indirect_vreg.gather [hbm4b:s2+s3], $0x80, v4, vm0, $0xb8;
	[tilespmem:$0x11B00] =	vst v63  }
0x1dc: {  	s26 =	simm.s32 $0x5300  }
0x1dd: {  	[tilespmem:s26], [sflag:$0x1] =	stream.indirect_vreg.gather [hbm4b:s2+s3], $0x80, v3, vm0, $0xb8;
	[tilespmem:$0x11B00] =	vst v63  }
0x1de: {  	v3 =	vld [tilespmem:$0x19D0];
	_ =	sdelay $0x4  }
0x1df: {  	v32 =	vperm.xlane v3, v0;
	_ =	sdelay $0x1  }
0x1e0: {  	v3 =	vperm.xlane v3, v2;
	v4 =	vadd.s32 v1, v32;
	_ =	sdelay $0x1  }
0x1e1: {  	v3 =	vadd.s32 v1, v3;
	_ =	sdelay $0x1  }
0x1e2: {  	s26 =	simm.s32 $0x7300  }
0x1e3: {  	[tilespmem:s26], [sflag:$0x1] =	stream.indirect_vreg.gather [hbm4b:s2+s3], $0x80, v4, vm0, $0xb8;
	[tilespmem:$0x11B00] =	vst v63  }
0x1e4: {  	s26 =	simm.s32 $0x9300  }
0x1e5: {  	[tilespmem:s26], [sflag:$0x1] =	stream.indirect_vreg.gather [hbm4b:s2+s3], $0x80, v3, vm0, $0xb8;
	[tilespmem:$0x11B00] =	vst v63  }
0x1e6: {  	v3 =	vld [tilespmem:$0x19E0];
	_ =	sdelay $0x4  }
0x1e7: {  	v33 =	vperm.xlane v3, v0;
	_ =	sdelay $0x1  }
0x1e8: {  	v3 =	vperm.xlane v3, v2;
	v4 =	vadd.s32 v1, v33;
	_ =	sdelay $0x1  }
0x1e9: {  	v3 =	vadd.s32 v1, v3;
	_ =	sdelay $0x1  }
0x1ea: {  	s26 =	simm.s32 $0x3700  }
0x1eb: {  	[tilespmem:s26], [sflag:$0x1] =	stream.indirect_vreg.gather [hbm4b:s2+s3], $0x80, v4, vm0, $0xb8;
	[tilespmem:$0x11B00] =	vst v63  }
0x1ec: {  	s26 =	simm.s32 $0x5700  }
0x1ed: {  	[tilespmem:s26], [sflag:$0x1] =	stream.indirect_vreg.gather [hbm4b:s2+s3], $0x80, v3, vm0, $0xb8;
	[tilespmem:$0x11B00] =	vst v63  }
0x1ee: {  	v3 =	vld [tilespmem:$0x19F0];
	_ =	sdelay $0x4  }
0x1ef: {  	v34 =	vperm.xlane v3, v0;
	_ =	sdelay $0x1  }
0x1f0: {  	v3 =	vperm.xlane v3, v2;
	v4 =	vadd.s32 v1, v34;
	_ =	sdelay $0x1  }
0x1f1: {  	v3 =	vadd.s32 v1, v3;
	_ =	sdelay $0x1  }
0x1f2: {  	s26 =	simm.s32 $0x7700  }
0x1f3: {  	[tilespmem:s26], [sflag:$0x1] =	stream.indirect_vreg.gather [hbm4b:s2+s3], $0x80, v4, vm0, $0xb8;
	[tilespmem:$0x11B00] =	vst v63  }
0x1f4: {  	s26 =	simm.s32 $0x9700  }
0x1f5: {  	[tilespmem:s26], [sflag:$0x1] =	stream.indirect_vreg.gather [hbm4b:s2+s3], $0x80, v3, vm0, $0xb8;
	[tilespmem:$0x11B00] =	vst v63  }
0x1f6: {  	_ =	swait.ge [sflag:s23], $0x8000  }
0x1f7: {  	[sflag:s23] =	ssyncset.done $0x0  }
0x1f8: {  	[sflag:s23] =	ssyncadd.s32 $0xFFFF8000  }
0x1f9: {  	v3 =	vld [tilespmem:s24+$0xFFFFFFF0];
	_ =	sdelay $0x4  }
0x1fa: {  	v3 =	vshll.u32 v3, $0x3  }
0x1fb: {  	[tilespmem:$0x1A00] =	vst v3;
	v35 =	vor.u32 $0x1, v3  }
0x1fc: {  	v36 =	vor.u32 $0x2, v3;
	[tilespmem:$0x1A20] =	vst v35  }
0x1fd: {  	v37 =	vor.u32 $0x3, v3;
	[tilespmem:$0x1A40] =	vst v36  }
0x1fe: {  	v38 =	vor.u32 $0x4, v3;
	[tilespmem:$0x1A60] =	vst v37  }
0x1ff: {  	v39 =	vor.u32 $0x5, v3;
	[tilespmem:$0x1A80] =	vst v38  }
0x200: {  	v40 =	vor.u32 $0x6, v3;
	[tilespmem:$0x1AA0] =	vst v39  }
0x201: {  	v41 =	vor.u32 $0x7, v3;
	[tilespmem:$0x1AC0] =	vst v40  }
0x202: {  	[tilespmem:$0x1AE0] =	vst v41  }
0x203: {  	v4 =	vld [tilespmem:s24+$0x0];
	_ =	sdelay $0x4  }
0x204: {  	v4 =	vshll.u32 v4, $0x3  }
0x205: {  	v42 =	vor.u32 $0x1, v4;
	[tilespmem:$0x1A10] =	vst v4  }
0x206: {  	v45 =	vperm.xlane v3, v0;
	v43 =	vor.u32 $0x2, v4;
	[tilespmem:$0x1A30] =	vst v42  }
0x207: {  	v44 =	vor.u32 $0x3, v4;
	[tilespmem:$0x1A50] =	vst v43  }
0x208: {  	v3 =	vperm.xlane v3, v2;
	v6 =	vadd.s32 v1, v45;
	v46 =	vor.u32 $0x4, v4;
	[tilespmem:$0x1A70] =	vst v44  }
0x209: {  	v47 =	vor.u32 $0x5, v4;
	[tilespmem:$0x1A90] =	vst v46  }
0x20a: {  	v3 =	vadd.s32 v1, v3;
	v48 =	vor.u32 $0x6, v4;
	[tilespmem:$0x1AB0] =	vst v47  }
0x20b: {  	v4 =	vor.u32 $0x7, v4;
	[tilespmem:$0x1AD0] =	vst v48  }
0x20c: {  	[tilespmem:$0x1AF0] =	vst v4  }
0x20d: {  	[tilespmem:s15], [sflag:$0x2] =	stream.indirect_vreg.gather [hbm4b:s2+s3], $0x80, v6, vm0, $0xb8;
	[tilespmem:$0x11B00] =	vst v63  }
0x20e: {  	s26 =	simm.s32 $0xBB00  }
0x20f: {  	[tilespmem:s26], [sflag:$0x2] =	stream.indirect_vreg.gather [hbm4b:s2+s3], $0x80, v3, vm0, $0xb8;
	[tilespmem:$0x11B00] =	vst v63  }
0x210: {  	v3 =	vld [tilespmem:$0x1A10];
	_ =	sdelay $0x4  }
0x211: {  	v49 =	vperm.xlane v3, v0;
	_ =	sdelay $0x1  }
0x212: {  	v3 =	vperm.xlane v3, v2;
	v4 =	vadd.s32 v1, v49;
	_ =	sdelay $0x1  }
0x213: {  	v3 =	vadd.s32 v1, v3;
	_ =	sdelay $0x1  }
0x214: {  	s26 =	simm.s32 $0xDB00  }
0x215: {  	[tilespmem:s26], [sflag:$0x2] =	stream.indirect_vreg.gather [hbm4b:s2+s3], $0x80, v4, vm0, $0xb8;
	[tilespmem:$0x11B00] =	vst v63  }
0x216: {  	s26 =	simm.s32 $0xFB00  }
0x217: {  	[tilespmem:s26], [sflag:$0x2] =	stream.indirect_vreg.gather [hbm4b:s2+s3], $0x80, v3, vm0, $0xb8;
	[tilespmem:$0x11B00] =	vst v63  }
0x218: {  	v3 =	vld [tilespmem:$0x1A20];
	_ =	sdelay $0x4  }
0x219: {  	v50 =	vperm.xlane v3, v0;
	_ =	sdelay $0x1  }
0x21a: {  	v3 =	vperm.xlane v3, v2;
	v4 =	vadd.s32 v1, v50;
	_ =	sdelay $0x1  }
0x21b: {  	v3 =	vadd.s32 v1, v3;
	_ =	sdelay $0x1  }
0x21c: {  	s26 =	simm.s32 $0x9F00  }
0x21d: {  	[tilespmem:s26], [sflag:$0x2] =	stream.indirect_vreg.gather [hbm4b:s2+s3], $0x80, v4, vm0, $0xb8;
	[tilespmem:$0x11B00] =	vst v63  }
0x21e: {  	s26 =	simm.s32 $0xBF00  }
0x21f: {  	[tilespmem:s26], [sflag:$0x2] =	stream.indirect_vreg.gather [hbm4b:s2+s3], $0x80, v3, vm0, $0xb8;
	[tilespmem:$0x11B00] =	vst v63  }
0x220: {  	v3 =	vld [tilespmem:$0x1A30];
	_ =	sdelay $0x4  }
0x221: {  	v51 =	vperm.xlane v3, v0;
	_ =	sdelay $0x1  }
0x222: {  	v3 =	vperm.xlane v3, v2;
	v4 =	vadd.s32 v1, v51;
	_ =	sdelay $0x1  }
0x223: {  	v3 =	vadd.s32 v1, v3;
	_ =	sdelay $0x1  }
0x224: {  	s26 =	simm.s32 $0xDF00  }
0x225: {  	[tilespmem:s26], [sflag:$0x2] =	stream.indirect_vreg.gather [hbm4b:s2+s3], $0x80, v4, vm0, $0xb8;
	[tilespmem:$0x11B00] =	vst v63  }
0x226: {  	s26 =	simm.s32 $0xFF00  }
0x227: {  	[tilespmem:s26], [sflag:$0x2] =	stream.indirect_vreg.gather [hbm4b:s2+s3], $0x80, v3, vm0, $0xb8;
	[tilespmem:$0x11B00] =	vst v63  }
0x228: {  	v3 =	vld [tilespmem:$0x1A40];
	_ =	sdelay $0x4  }
0x229: {  	v52 =	vperm.xlane v3, v0;
	_ =	sdelay $0x1  }
0x22a: {  	v3 =	vperm.xlane v3, v2;
	v4 =	vadd.s32 v1, v52;
	_ =	sdelay $0x1  }
0x22b: {  	v3 =	vadd.s32 v1, v3;
	_ =	sdelay $0x1  }
0x22c: {  	s26 =	simm.s32 $0xA300  }
0x22d: {  	[tilespmem:s26], [sflag:$0x2] =	stream.indirect_vreg.gather [hbm4b:s2+s3], $0x80, v4, vm0, $0xb8;
	[tilespmem:$0x11B00] =	vst v63  }
0x22e: {  	s26 =	simm.s32 $0xC300  }
0x22f: {  	[tilespmem:s26], [sflag:$0x2] =	stream.indirect_vreg.gather [hbm4b:s2+s3], $0x80, v3, vm0, $0xb8;
	[tilespmem:$0x11B00] =	vst v63  }
0x230: {  	v3 =	vld [tilespmem:$0x1A50];
	_ =	sdelay $0x4  }
0x231: {  	v53 =	vperm.xlane v3, v0;
	_ =	sdelay $0x1  }
0x232: {  	v3 =	vperm.xlane v3, v2;
	v4 =	vadd.s32 v1, v53;
	_ =	sdelay $0x1  }
0x233: {  	v3 =	vadd.s32 v1, v3;
	_ =	sdelay $0x1  }
0x234: {  	s26 =	simm.s32 $0xE300  }
0x235: {  	[tilespmem:s26], [sflag:$0x2] =	stream.indirect_vreg.gather [hbm4b:s2+s3], $0x80, v4, vm0, $0xb8;
	[tilespmem:$0x11B00] =	vst v63  }
0x236: {  	s26 =	simm.s32 $0x10300  }
0x237: {  	[tilespmem:s26], [sflag:$0x2] =	stream.indirect_vreg.gather [hbm4b:s2+s3], $0x80, v3, vm0, $0xb8;
	[tilespmem:$0x11B00] =	vst v63  }
0x238: {  	v3 =	vld [tilespmem:$0x1A60];
	_ =	sdelay $0x4  }
0x239: {  	v54 =	vperm.xlane v3, v0;
	_ =	sdelay $0x1  }
0x23a: {  	v3 =	vperm.xlane v3, v2;
	v4 =	vadd.s32 v1, v54;
	_ =	sdelay $0x1  }
0x23b: {  	v3 =	vadd.s32 v1, v3;
	_ =	sdelay $0x2  }
0x23c: {  	[tilespmem:s30], [sflag:$0x2] =	stream.indirect_vreg.gather [hbm4b:s2+s3], $0x80, v4, vm0, $0xb8;
	[tilespmem:$0x11B00] =	vst v63  }
0x23d: {  	_ = 	snop  }
0x23e: {  	[tilespmem:s31], [sflag:$0x2] =	stream.indirect_vreg.gather [hbm4b:s2+s3], $0x80, v3, vm0, $0xb8;
	[tilespmem:$0x11B00] =	vst v63  }
0x23f: {  	v3 =	vld [tilespmem:$0x1A70];
	_ =	sdelay $0x4  }
0x240: {  	v55 =	vperm.xlane v3, v0;
	_ =	sdelay $0x1  }
0x241: {  	v3 =	vperm.xlane v3, v2;
	v4 =	vadd.s32 v1, v55;
	_ =	sdelay $0x1  }
0x242: {  	v3 =	vadd.s32 v1, v3;
	_ =	sdelay $0x2  }
0x243: {  	[tilespmem:s1], [sflag:$0x2] =	stream.indirect_vreg.gather [hbm4b:s2+s3], $0x80, v4, vm0, $0xb8;
	[tilespmem:$0x11B00] =	vst v63  }
0x244: {  	_ = 	snop  }
0x245: {  	[tilespmem:s0], [sflag:$0x2] =	stream.indirect_vreg.gather [hbm4b:s2+s3], $0x80, v3, vm0, $0xb8;
	[tilespmem:$0x11B00] =	vst v63  }
0x246: {  	v3 =	vld [tilespmem:$0x1A80];
	_ =	sdelay $0x4  }
0x247: {  	v56 =	vperm.xlane v3, v0;
	_ =	sdelay $0x1  }
0x248: {  	v3 =	vperm.xlane v3, v2;
	v4 =	vadd.s32 v1, v56;
	_ =	sdelay $0x1  }
0x249: {  	v3 =	vadd.s32 v1, v3;
	_ =	sdelay $0x2  }
0x24a: {  	[tilespmem:s8], [sflag:$0x2] =	stream.indirect_vreg.gather [hbm4b:s2+s3], $0x80, v4, vm0, $0xb8;
	[tilespmem:$0x11B00] =	vst v63  }
0x24b: {  	_ = 	snop  }
0x24c: {  	[tilespmem:s9], [sflag:$0x2] =	stream.indirect_vreg.gather [hbm4b:s2+s3], $0x80, v3, vm0, $0xb8;
	[tilespmem:$0x11B00] =	vst v63  }
0x24d: {  	v3 =	vld [tilespmem:$0x1A90];
	_ =	sdelay $0x4  }
0x24e: {  	v57 =	vperm.xlane v3, v0;
	_ =	sdelay $0x1  }
0x24f: {  	v3 =	vperm.xlane v3, v2;
	v4 =	vadd.s32 v1, v57;
	_ =	sdelay $0x1  }
0x250: {  	v3 =	vadd.s32 v1, v3;
	_ =	sdelay $0x2  }
0x251: {  	[tilespmem:s4], [sflag:$0x2] =	stream.indirect_vreg.gather [hbm4b:s2+s3], $0x80, v4, vm0, $0xb8;
	[tilespmem:$0x11B00] =	vst v63  }
0x252: {  	_ = 	snop  }
0x253: {  	[tilespmem:s5], [sflag:$0x2] =	stream.indirect_vreg.gather [hbm4b:s2+s3], $0x80, v3, vm0, $0xb8;
	[tilespmem:$0x11B00] =	vst v63  }
0x254: {  	v3 =	vld [tilespmem:$0x1AA0];
	_ =	sdelay $0x4  }
0x255: {  	v58 =	vperm.xlane v3, v0;
	_ =	sdelay $0x1  }
0x256: {  	v3 =	vperm.xlane v3, v2;
	v4 =	vadd.s32 v1, v58;
	_ =	sdelay $0x1  }
0x257: {  	v3 =	vadd.s32 v1, v3;
	_ =	sdelay $0x2  }
0x258: {  	[tilespmem:s6], [sflag:$0x2] =	stream.indirect_vreg.gather [hbm4b:s2+s3], $0x80, v4, vm0, $0xb8;
	[tilespmem:$0x11B00] =	vst v63  }
0x259: {  	_ = 	snop  }
0x25a: {  	[tilespmem:s7], [sflag:$0x2] =	stream.indirect_vreg.gather [hbm4b:s2+s3], $0x80, v3, vm0, $0xb8;
	[tilespmem:$0x11B00] =	vst v63  }
0x25b: {  	v3 =	vld [tilespmem:$0x1AB0];
	_ =	sdelay $0x4  }
0x25c: {  	v59 =	vperm.xlane v3, v0;
	_ =	sdelay $0x1  }
0x25d: {  	v3 =	vperm.xlane v3, v2;
	v4 =	vadd.s32 v1, v59;
	_ =	sdelay $0x1  }
0x25e: {  	v3 =	vadd.s32 v1, v3;
	_ =	sdelay $0x2  }
0x25f: {  	[tilespmem:s10], [sflag:$0x2] =	stream.indirect_vreg.gather [hbm4b:s2+s3], $0x80, v4, vm0, $0xb8;
	[tilespmem:$0x11B00] =	vst v63  }
0x260: {  	_ = 	snop  }
0x261: {  	[tilespmem:s12], [sflag:$0x2] =	stream.indirect_vreg.gather [hbm4b:s2+s3], $0x80, v3, vm0, $0xb8;
	[tilespmem:$0x11B00] =	vst v63  }
0x262: {  	v3 =	vld [tilespmem:$0x1AC0];
	_ =	sdelay $0x4  }
0x263: {  	v60 =	vperm.xlane v3, v0;
	_ =	sdelay $0x1  }
0x264: {  	v3 =	vperm.xlane v3, v2;
	v4 =	vadd.s32 v1, v60;
	_ =	sdelay $0x1  }
0x265: {  	v3 =	vadd.s32 v1, v3;
	_ =	sdelay $0x2  }
0x266: {  	[tilespmem:s13], [sflag:$0x2] =	stream.indirect_vreg.gather [hbm4b:s2+s3], $0x80, v4, vm0, $0xb8;
	[tilespmem:$0x11B00] =	vst v63  }
0x267: {  	_ = 	snop  }
0x268: {  	[tilespmem:s14], [sflag:$0x2] =	stream.indirect_vreg.gather [hbm4b:s2+s3], $0x80, v3, vm0, $0xb8;
	[tilespmem:$0x11B00] =	vst v63  }
0x269: {  	v3 =	vld [tilespmem:$0x1AD0];
	_ =	sdelay $0x4  }
0x26a: {  	v61 =	vperm.xlane v3, v0;
	_ =	sdelay $0x1  }
0x26b: {  	v3 =	vperm.xlane v3, v2;
	v4 =	vadd.s32 v1, v61;
	_ =	sdelay $0x1  }
0x26c: {  	v3 =	vadd.s32 v1, v3;
	_ =	sdelay $0x2  }
0x26d: {  	[tilespmem:s16], [sflag:$0x2] =	stream.indirect_vreg.gather [hbm4b:s2+s3], $0x80, v4, vm0, $0xb8;
	[tilespmem:$0x11B00] =	vst v63  }
0x26e: {  	_ = 	snop  }
0x26f: {  	[tilespmem:s17], [sflag:$0x2] =	stream.indirect_vreg.gather [hbm4b:s2+s3], $0x80, v3, vm0, $0xb8;
	[tilespmem:$0x11B00] =	vst v63  }
0x270: {  	v3 =	vld [tilespmem:$0x1AE0];
	_ =	sdelay $0x4  }
0x271: {  	v62 =	vperm.xlane v3, v0;
	_ =	sdelay $0x1  }
0x272: {  	v3 =	vperm.xlane v3, v2;
	v4 =	vadd.s32 v1, v62;
	_ =	sdelay $0x1  }
0x273: {  	v3 =	vadd.s32 v1, v3;
	_ =	sdelay $0x2  }
0x274: {  	[tilespmem:s18], [sflag:$0x2] =	stream.indirect_vreg.gather [hbm4b:s2+s3], $0x80, v4, vm0, $0xb8;
	[tilespmem:$0x11B00] =	vst v63  }
0x275: {  	_ = 	snop  }
0x276: {  	[tilespmem:s19], [sflag:$0x2] =	stream.indirect_vreg.gather [hbm4b:s2+s3], $0x80, v3, vm0, $0xb8;
	[tilespmem:$0x11B00] =	vst v63  }
0x277: {  	v3 =	vld [tilespmem:$0x1AF0];
	_ =	sdelay $0x4  }
0x278: {  	v63 =	vperm.xlane v3, v0;
	_ =	sdelay $0x1  }
0x279: {  	v3 =	vperm.xlane v3, v2;
	v4 =	vadd.s32 v1, v63;
	_ =	sdelay $0x1  }
0x27a: {  	p0 =	sne.s32 s25, $0xC4000;
	v3 =	vadd.s32 v1, v3  }
.Ltmp0:
0x27b: {  	_ = 	snop;
	(pc) =	sbr.rel @p0 .LBB2_2-.Ltmp0, $4  }
0x27c: {  	_ = 	snop  }
0x27d: {  	[tilespmem:s28], [sflag:$0x2] =	stream.indirect_vreg.gather [hbm4b:s2+s3], $0x80, v4, vm0, $0xb8;
	[tilespmem:$0x11B00] =	vst v63  }
0x27e: {  	s25 =	sadd.s32 $0x2000, s25;
	s24 =	sadd.s32 $0x40, s24  }
0x27f: {  	[tilespmem:s29], [sflag:$0x2] =	stream.indirect_vreg.gather [hbm4b:s2+s3], $0x80, v3, vm0, $0xb8;
	[tilespmem:$0x11B00] =	vst v63  }
0x280: {  	_ =	swait.ge [sflag:s20], $0x1000  }
0x281: {  	[sflag:s20] =	ssyncset.done $0x0  }
0x282: {  	[sflag:s20] =	ssyncadd.s32 $0xFFFFF000  }
0x283: {  	_ =	swait.ge [sflag:s20], $0x1000  }
0x284: {  	[sflag:s20] =	ssyncset.done $0x0  }
0x285: {  	[sflag:s20] =	ssyncadd.s32 $0xFFFFF000  }
0x286: {  	_ =	swait.ge [sflag:s20], $0x1000  }
0x287: {  	[sflag:s20] =	ssyncset.done $0x0  }
0x288: {  	[sflag:s20] =	ssyncadd.s32 $0xFFFFF000  }
0x289: {  	_ =	swait.ge [sflag:s20], $0x1000  }
0x28a: {  	[sflag:s20] =	ssyncset.done $0x0  }
0x28b: {  	[sflag:s20] =	ssyncadd.s32 $0xFFFFF000  }
0x28c: {  	_ =	swait.ge [sflag:s20], $0x1000  }
0x28d: {  	[sflag:s20] =	ssyncset.done $0x0  }
0x28e: {  	[sflag:s20] =	ssyncadd.s32 $0xFFFFF000  }
0x28f: {  	_ =	swait.ge [sflag:s20], $0x1000  }
0x290: {  	[sflag:s20] =	ssyncset.done $0x0  }
0x291: {  	[sflag:s20] =	ssyncadd.s32 $0xFFFFF000  }
0x292: {  	_ =	swait.ge [sflag:s20], $0x1000  }
0x293: {  	[sflag:s20] =	ssyncset.done $0x0  }
0x294: {  	[sflag:s20] =	ssyncadd.s32 $0xFFFFF000  }
0x295: {  	_ =	swait.ge [sflag:s20], $0x1000  }
0x296: {  	[sflag:s20] =	ssyncset.done $0x0  }
0x297: {  	s24 =	rddreg [dreg:$0x6];
	[sflag:s20] =	ssyncadd.s32 $0xFFFFF000  }
0x298: {  	[hbm4b:s24+s3] =	stream.linear.scatter [tilespmem:s11], [sflag:$0x3], $0x8000, $0x38;
	[tilespmem:$0x11B00] =	vst v63  }
0x299: {  	_ =	swait.ge [sflag:s21], $0x1000  }
0x29a: {  	[sflag:s21] =	ssyncset.done $0x0  }
0x29b: {  	[sflag:s21] =	ssyncadd.s32 $0xFFFFF000  }
0x29c: {  	_ =	swait.ge [sflag:s21], $0x1000  }
0x29d: {  	[sflag:s21] =	ssyncset.done $0x0  }
0x29e: {  	[sflag:s21] =	ssyncadd.s32 $0xFFFFF000  }
0x29f: {  	_ =	swait.ge [sflag:s21], $0x1000  }
0x2a0: {  	[sflag:s21] =	ssyncset.done $0x0  }
0x2a1: {  	[sflag:s21] =	ssyncadd.s32 $0xFFFFF000  }
0x2a2: {  	_ =	swait.ge [sflag:s21], $0x1000  }
0x2a3: {  	[sflag:s21] =	ssyncset.done $0x0  }
0x2a4: {  	[sflag:s21] =	ssyncadd.s32 $0xFFFFF000  }
0x2a5: {  	_ =	swait.ge [sflag:s21], $0x1000  }
0x2a6: {  	[sflag:s21] =	ssyncset.done $0x0  }
0x2a7: {  	[sflag:s21] =	ssyncadd.s32 $0xFFFFF000  }
0x2a8: {  	_ =	swait.ge [sflag:s21], $0x1000  }
0x2a9: {  	[sflag:s21] =	ssyncset.done $0x0  }
0x2aa: {  	[sflag:s21] =	ssyncadd.s32 $0xFFFFF000  }
0x2ab: {  	_ =	swait.ge [sflag:s21], $0x1000  }
0x2ac: {  	[sflag:s21] =	ssyncset.done $0x0  }
0x2ad: {  	[sflag:s21] =	ssyncadd.s32 $0xFFFFF000  }
0x2ae: {  	_ =	swait.ge [sflag:s21], $0x1000  }
0x2af: {  	[sflag:s21] =	ssyncset.done $0x0  }
0x2b0: {  	s25 =	rddreg [dreg:$0x7];
	[sflag:s21] =	ssyncadd.s32 $0xFFFFF000  }
0x2b1: {  	[hbm4b:s25+s3] =	stream.linear.scatter [tilespmem:s15], [sflag:$0x4], $0x8000, $0x38;
	[tilespmem:$0x11B00] =	vst v63  }
0x2b2: {  	_ =	swait.ge [sflag:s22], $0x8000  }
0x2b3: {  	[sflag:s22] =	ssyncset.done $0x0  }
0x2b4: {  	[sflag:s22] =	ssyncadd.s32 $0xFFFF8000  }
0x2b5: {  	_ =	swait.ge [sflag:s23], $0x8000  }
0x2b6: {  	s0 =	rddreg [dreg:$0x9]  }
0x2b7: {  	s26 =	rddreg [dreg:$0x8];
	s0 =	sadd.s32 $0x1, s0  }
0x2b8: {  	p0 =	sne.s32 s0, s26  }
.Ltmp1:
0x2b9: {  	_ = 	snop;
	(pc) =	sbr.rel @p0 .LBB2_1-.Ltmp1, $3  }
0x2ba: {  	_ =	sdelay $0x1  }
0x2bb: {  	[sflag:s23] =	ssyncset.done $0x0  }
0x2bc: {  	[sflag:s23] =	ssyncadd.s32 $0xFFFF8000  }
0x2bd: {  	_ =	sfence.sel $0x180000  }
0x2be: {  	[bflag:$0x0] =	sbarrier.arrive $0xFFFF  }
0x2bf: {  	_ =	strace $0x90000047  }
0x2c0: {  	s0 =	stileid.u32;
	[bflag:$0x2] =	sbarrier.arrive $0xFFFF  }
0x2c1: {  	p0 =	sne.s32 s0, $0x0;
	s0 =	rddreg [dreg:$0x2]  }
0x2c2: {  	s0 =	sadd.s32 @!p0 $0x100000, s0  }
0x2c3: {  	[sflag:s0] =	ssyncadd.tile.s32 @!p0 $0x1;
	_ =	shalt  }
.Lfunc_end2:
_tile_overlayer_lowered:
.L_overlay_start_2:
0x2c4: {  	(tag) =	ssettag $0x2  }
0x2c5: {  	s0 =	rddreg [dreg:$0x0];
	s2 =	stileid.u32  }
0x2c6: {  	s1 =	rddreg [dreg:$0x1];
	p0 =	sne.s32 s2, $0x0  }
0x2c7: {  	s3 =	rddreg [dreg:$0x2];
	[bflag:$0x3] =	sbarrier.arrive $0xFFFF;
	s2 =	simm.s32 @!p0 $0x1C05  }
0x2c8: {  	[timem:s3], [sflag:s2] =	dma.local @!p0 [hbm:s0], s1  }
0x2c9: {  	s0 =	simm.s32 @!p0 $0x5  }
0x2ca: {  	_ =	swait.ge @!p0 [sflag:s0], s1  }
0x2cb: {  	s1 =	ssub.s32 @!p0 $0x0, s1;
	[sflag:s0] =	ssyncset.done @!p0 $0x0  }
0x2cc: {  	[sflag:s0] =	ssyncadd.s32 @!p0 s1  }
0x2cd: {  	[bflag:$0x3] =	sbarrier.arrive $0xFFFF  }
0x2ce: {  	_ =	shalt  }

// kernel: sparse-core-data-format-call.cloned.1.call-start
scs
called_computation_lowered:
.L_overlay_start_0:
0x0: {  	s2 =	sld [smem:$0x3FD9]  }
0x1: {  	s3 =	sld [smem:$0x3FFE];
	_ =	sdelay $0x1  }
0x2: {  	s1 =	srdreg.scid  }
0x3: {  	s0 =	sand.u32 $0x1, s1  }
0x4: {  	s18 =	sshll.u32 s0, $0xA;
	s2 =	sadd.s32 s3, s2  }
0x5: {  	s2 =	sadd.s32 s2, s18  }
0x6: {  	[smem:$0x3FC6] =	sst s2  }
0x7: {  	_ = 	snop  }
0x8: {  	s2 =	sld [smem:$0x3FD0];
	(tm) =	ssettm $0x1  }
0x9: {  	s19 =	sld [smem:$0x3FFB];
	_ =	sdelay $0x3  }
0xa: {  	_ =	strace s19  }
0xb: {  	s3 =	sld [smem:$0x3FFC];
	_ =	sdelay $0x3  }
0xc: {  	_ =	strace s3  }
0xd: {  	s3 =	sld [smem:$0x3FFD];
	_ =	sdelay $0x3  }
0xe: {  	_ =	strace s3  }
0xf: {  	_ =	strace $0x8FFFFFFF  }
0x10: {  	s20 =	sld [smem:$0x3FDB];
	_ =	sdelay $0x1  }
0x11: {  	s4 =	simm.s32 $_scs_section_size  }
0x12: {  	s5 =	simm.s32 $_size__tile_overlayer_lowered;
	s6 =	simm.s32 $_tile_overlayer_lowered  }
0x13: {  	s23 =	simm.s32 $0x1BFF;
	s22 =	sshll.u32 s6, $0x1;
	s3 =	sadd.s32 s4, s20  }
0x14: {  	s7 =	simm.s32 $0x0;
	s21 =	sshll.u32 s5, $0x1;
	s5 =	sadd.s32 s22, s3  }
0x15: {  	[timem:s7], [sflag:s23] =	dma.local [hbm:s5], s21  }
0x16: {  	_ =	swait.ge [sflag:s23], s21  }
0x17: {  	s4 =	ssub.s32 $0x0, s21;
	[sflag:s23] =	ssyncset.done $0x0  }
0x18: {  	[sflag:s23] =	ssyncadd.s32 s4;
	_ =	sdelay $0x1  }
0x19: {  	s24 =	simm.s32 $0x1B8B  }
0x1a: {  	_ =	swait.ge [sflag:s24], $0x1  }
0x1b: {  	[sflag:s24] =	ssyncset.done $0x0  }
0x1c: {  	s26 =	simm.s32 $0x1B8E;
	s25 =	sld [smem:$0x3FFE];
	[sflag:s24] =	ssyncadd.s32 $0xFFFFFFFF  }
0x1d: {  	s27 =	simm.s32 $execute0_lowered;
	[smem:$0x3FD2] =	sst s26  }
0x1e: {  	s5 =	sshll.u32 s27, $0x1;
	_ =	strace $0x80000049;
	[dreg:$0x1] =	wrdreg $0xFFFFFFFF  }
0x1f: {  	s28 =	simm.s32 $_size_execute0_lowered;
	s3 =	sadd.s32 s3, s5;
	[dreg:$0x0] =	wrdreg $0x0  }
0x20: {  	s5 =	sshll.u32 s28, $0x1;
	[dreg:$0x2] =	wrdreg s3  }
0x21: {  	[dreg:$0x3] =	wrdreg s5  }
0x22: {  	[dreg:$0x4] =	wrdreg $0xC0  }
0x23: {  	_ =	task [dreg:s7], $0x5FFFF  }
0x24: {  	[dreg:$0x1] =	wrdreg $0xFFFFFFFF  }
0x25: {  	[dreg:$0x0] =	wrdreg $0x60  }
0x26: {  	[dreg:$0x2] =	wrdreg s25  }
0x27: {  	[dreg:$0x3] =	wrdreg s2  }
0x28: {  	[dreg:$0x4] =	wrdreg $0x9  }
0x29: {  	_ =	task.clear_ibuf [dreg:s7], $0x5FFFF;
	_ =	strace $0x90000049  }
0x2a: {  	s29 =	simm.s32 $0x9;
	_ =	strace $0x8000004B  }
0x2b: {  	_ =	swait.ge [sflag:s29], $0x1  }
0x2c: {  	[sflag:s29] =	ssyncadd.s32 $0xFFFFFFFF  }
0x2d: {  	_ =	strace $0x9000004B  }
0x2e: {  	_ =	sfence  }
0x2f: {  	s30 =	sld [smem:$0x0];
	_ =	sdelay $0x2  }
0x30: {  	s31 =	sshll.u32 s1, $0xD;
	s1 =	sshrl.u32 s1, $0x2  }
0x31: {  	s3 =	sand.u32 $0x4000, s31;
	s1 =	sadd.s32 s1, s30  }
0x32: {  	s0 =	sor.u32 s3, s0;
	s1 =	sshll.u32 s1, $0x11  }
0x33: {  	s0 =	sor.u32 s1, s0  }
0x34: {  	s0 =	sadd.s32 $0x8F2B, s0  }
0x35: {  	[sflag:s0] =	ssyncadd.remote.s32 $0x1  }
0x36: {  	_ =	sfence.sel $0xFFFF  }
0x37: {  	[dreg:$0x0] =	wrdreg $0xFFFFFFFF;
	(pc) =	sbr.abs _section_cstart, $3  }
0x38: {  	[dreg:$0x1] =	wrdreg $0xFFFFFFFF  }
0x39: {  	_ =	task.clear_ibuf [dreg:s7], $0x2FFFF;
	_ =	strace $0x9FFFFFFF  }
0x3a: {  	(tm) =	ssettm $0x7FFFFFFF  }
0x3b: {  	_ =	shalt  }
tec
execute0_lowered:
.L_overlay_start_1:
0x0: {  	(tag) =	ssettag $0x1  }
0x1: {  	s4 =	rddreg [dreg:$0x0]  }
0x2: {  	s0 =	stileid.u32;
	s2 =	rddreg [dreg:$0x1]  }
0x3: {  	s7 =	srdreg.scid;
	s31 =	simm.s32 $0x2;
	s17 =	simm.s32 $0x0  }
0x4: {  	s9 =	simm.s32 $0x2000;
	s19 =	simm.s32 $0x0;
	s18 =	simm.s32 $0x0  }
0x5: {  	s10 =	simm.s32 $0x0;
	s11 =	simm.s32 $0x0;
	s1 =	sshll.u32 s0, $0x7  }
0x6: {  	s12 =	simm.s32 $0x0;
	s14 =	simm.s32 $0x0;
	s3 =	sand.u32 $0x380, s1  }
0x7: {  	s16 =	simm.s32 $0x0;
	s4 =	sadd.s32 $0x6C00, s4;
	s5 =	ssub.s32 $0x400, s3  }
0x8: {  	s8 =	sshll.u32 s0, $0x4;
	s7 =	sshll.u32 s7, $0x8;
	s6 =	sand.u32 $0x380, s5  }
0x9: {  	s1 =	rddreg [dreg:$0x2];
	p0 =	sne.s32 s6, $0x0;
	s6 =	simm.s32 $0x1  }
.Ltmp0:
0xa: {  	s5 =	sshrl.u32 s5, $0xA;
	s6 =	simm.s32 @!p0 $0x0;
	(pc) =	sbr.rel .LBB1_1-.Ltmp0, $4  }
0xb: {  	_ =	strace $0x8000004A;
	s7 =	sor.u32 s8, s7;
	s6 =	sadd.s32 s6, s5  }
0xc: {  	s7 =	sand.u32 $0x180, s7;
	s5 =	simm.s32 $0x1;
	s6 =	smul.u32 $0x190, s6  }
0xd: {  	s15 =	smov.u32 s3;
	s13 =	smov.u32 s7;
	[sflag:s5] =	ssyncpa.u1 $0x0  }
0xe: {  	p0 =	por $0x0, $0x0;
	[sflag:s31] =	ssyncpa.u1 $0x0;
	s8 =	sor.u32 $0x1, s6  }
.LBB1_4:
0xf: {  	s25 =	sshll.u32 s10, $0xA;
	s24 =	sshra.s32 s24, $0x2;
	s26 =	sshll.u32 s12, $0x3  }
0x10: {  	p1 =	sgt.s32 s11, $0xC7;
	s27 =	smov.u32 s11;
	s28 =	sshra.s32 s11, $0x1F  }
0x11: {  	p2 =	sgt.s32 s12, $0x380;
	s31 =	sshra.s32 s12, $0x1F;
	s25 =	sand.u32 $0xFFFFE000, s25  }
0x12: {  	s26 =	sand.u32 $0xFFFFFC00, s26;
	s27 =	simm.s32 @!p1 $0xC7;
	s28 =	sand.u32 s28, s11  }
0x13: {  	[tilespmem:s22+$0x2040 ss:$0x81] =	vst.msk $0xffff, v4;
	s23 =	sadd.s32 s24, s23;
	s29 =	sadd.s32 s26, s25;
	s25 =	ssub.s32 s27, s28  }
0x14: {  	[tilespmem:s22+$0x2850 ss:$0x81] =	vst.msk $0xffff, v3;
	s27 =	smov.u32 s12;
	s28 =	smov.u32 s10;
	s26 =	sand.u32 s31, s12  }
0x15: {  	[tilespmem:s22+$0x3060 ss:$0x81] =	vst.msk $0xffff, v2;
	s24 =	sshrl.u32 s29, $0xA;
	s30 =	sadd.s32 $0xFFFFFF39, s25;
	s27 =	simm.s32 @!p2 $0x380  }
0x16: {  	v5 =	vld [tilespmem:s21+$0xFFFFFFD0];
	[tilespmem:s22+$0x0 ss:$0x81] =	vst.msk $0xffff, v1;
	p2 =	sgt.s32 s10, $0x368;
	s29 =	sshra.s32 s10, $0x1F;
	s22 =	ssub.s32 $0xC8, s25  }
0x17: {  	v58 =	vld [tilespmem:s21+$0xFFFFFFE0];
	p1 =	sgt.s32 s30, $0x0;
	s28 =	simm.s32 @!p2 $0x368;
	s29 =	sand.u32 s29, s10  }
0x18: {  	v59 =	vld [tilespmem:s21+$0xFFFFFFF0];
	s26 =	ssub.s32 s27, s26;
	s27 =	smulhi.u32 $0x418938, s24;
	s28 =	ssub.s32 s28, s29  }
0x19: {  	v60 =	vld [tilespmem:s21+$0x0];
	s30 =	sadd.s32 $0xFFFFFC80, s26;
	s25 =	ssub.s32 $0x400, s26;
	s22 =	simm.s32 @p1 $0x0  }
0x1a: {  	v61 =	vld [tilespmem:s21+$0x10];
	[tilespmem:s23+$0x3870 ss:$0x81] =	vst.msk $0xffff, v0;
	s29 =	sand.u32 $0x78, s12;
	p2 =	sgt.s32 s30, $0x7F;
	s31 =	sadd.s32 $0xFFFFFC98, s28  }
0x1b: {  	v62 =	vld [tilespmem:s21+$0x20];
	[tilespmem:s23+$0x810 ss:$0x81] =	vst.msk $0xffff, v5;
	s27 =	smul.u32 $0x3E8, s27;
	s30 =	sshll.u32 s10, $0x7;
	s28 =	ssub.s32 $0x3E8, s28  }
0x1c: {  	v63 =	vld [tilespmem:s21+$0xFFFFFFC0];
	[tilespmem:s23+$0x1020 ss:$0x81] =	vst.msk $0xffff, v58;
	s25 =	simm.s32 @p2 $0x0;
	p1 =	sgt.s32 s31, $0x7F;
	s31 =	smul.u32 $0x1F400, s11  }
0x1d: {  	[tilespmem:s23+$0x1830 ss:$0x81] =	vst.msk $0xffff, v59;
	s21 =	sand.u32 $0x380, s30;
	s22 =	smul.u32 s25, s22;
	s28 =	simm.s32 @p1 $0x0  }
0x1e: {  	[tilespmem:s23+$0x2040 ss:$0x81] =	vst.msk $0xffff, v60;
	s21 =	sor.u32 s29, s21;
	s24 =	ssub.s32 s24, s27;
	s29 =	sand.u32 $0x7, s12  }
0x1f: {  	[tilespmem:s23+$0x2850 ss:$0x81] =	vst.msk $0xffff, v61;
	s21 =	sshrl.u32 s21, $0x3;
	s25 =	sadd.s32 s2, s31;
	s22 =	smul.u32 s28, s22  }
0x20: {  	[tilespmem:s23+$0x3060 ss:$0x81] =	vst.msk $0xffff, v62;
	s24 =	sshll.u32 s24, $0x7;
	s30 =	sshll.u32 s29, $0x12;
	s21 =	sadd.s32 s21, s25  }
0x21: {  	[tilespmem:s23+$0x0 ss:$0x81] =	vst.msk $0xffff, v63;
	s31 =	sor.u32 $0x400, s30;
	s21 =	sadd.s32 s24, s21;
	s22 =	sand.u32 $0x3FFFFFFF, s22  }
0x22: {  	[hbm4b:s21+s31] =	stream.strided.scatter [tilespmem:s20], [sflag:$0x2], s22, s9, s31, $0x20;
	[tilespmem:$0x10100] =	vst v63  }
.LBB1_5:
0x23: {  	p1 =	slt.u32 s16, $0x2  }
0x24: {  	p2 =	sgt.s32 @!p1 s19, $0xC7  }
0x25: {  	s20 =	smov.u32 s19;
	s21 =	sshra.s32 @!p1 s19, $0x1F;
	p2 =	por !p2, p1  }
0x26: {  	s19 =	sand.u32 @!p1 s21, s19;
	s20 =	simm.s32 @p2 $0xC7  }
0x27: {  	p3 =	sgt.s32 @!p1 s17, $0x368;
	s19 =	ssub.s32 @!p1 s20, s19  }
0x28: {  	p4 =	sgt.s32 @!p1 s18, $0x380;
	s22 =	sshra.s32 @!p1 s18, $0x1F;
	s20 =	sadd.s32 @!p1 $0xFFFFFF39, s19  }
0x29: {  	s21 =	smov.u32 s17;
	p2 =	sgt.s32 @!p1 s20, $0x0;
	s20 =	sshra.s32 @!p1 s17, $0x1F  }
0x2a: {  	p4 =	por !p4, p1;
	s17 =	sand.u32 @!p1 s20, s17;
	s20 =	smov.u32 s18  }
0x2b: {  	p3 =	por !p3, p1;
	s18 =	sand.u32 @!p1 s22, s18;
	s20 =	simm.s32 @p4 $0x380  }
0x2c: {  	s21 =	simm.s32 @p3 $0x368;
	s19 =	ssub.s32 @!p1 $0xC8, s19;
	s18 =	ssub.s32 @!p1 s20, s18  }
0x2d: {  	p2 =	por !p2, p1;
	s17 =	ssub.s32 @!p1 s21, s17;
	s21 =	sadd.s32 @!p1 $0xFFFFFC80, s18  }
0x2e: {  	s19 =	simm.s32 @!p2 $0x0;
	p3 =	sgt.s32 @!p1 s21, $0x7F  }
0x2f: {  	s20 =	sadd.s32 @!p1 $0xFFFFFC98, s17;
	s18 =	ssub.s32 @!p1 $0x400, s18;
	p3 =	por !p3, p1  }
0x30: {  	p2 =	sgt.s32 @!p1 s20, $0x7F;
	s20 =	sadd.s32 $0x200, s13;
	s18 =	simm.s32 @!p3 $0x0  }
0x31: {  	p3 =	sgt.s32 s20, $0x3E7;
	s18 =	smul.u32 @!p1 s18, s19;
	s19 =	simm.s32 $0x1  }
0x32: {  	s17 =	ssub.s32 @!p1 $0x3E8, s17;
	p2 =	por !p2, p1;
	s19 =	simm.s32 @!p3 $0x0  }
0x33: {  	s22 =	smov.u32 s15;
	s17 =	simm.s32 @!p2 $0x0;
	s21 =	sadd.s32 s19, s14  }
0x34: {  	s17 =	smul.u32 @!p1 s17, s18;
	s18 =	sadd.s32 $0x400, s15;
	p2 =	sgt.s32 s21, $0xC7  }
0x35: {  	p0 =	por !p0, !p0;
	s23 =	simm.s32 @!p1 $0x2;
	s22 =	smov.u32 @p2 s18  }
0x36: {  	s20 =	smov.u32 @p3 s7;
	s21 =	simm.s32 @p2 $0x0;
	p2 =	sgt.s32 s22, $0x3FF  }
0x37: {  	s19 =	smov.u32 s11;
	s22 =	smov.u32 @p2 s3;
	p2 =	sne.s32 s16, s8  }
.Ltmp1:
0x38: {  	s11 =	smov.u32 s14;
	s17 =	sand.u32 @!p1 $0x3FFFFFFF, s17;
	(pc) =	sbr.rel @!p2 .LBB1_6-.Ltmp1, $4  }
0x39: {  	s18 =	smov.u32 s12;
	s12 =	smov.u32 s15;
	_ =	swait.ge @!p1 [sflag:s23], s17  }
0x3a: {  	s24 =	ssub.s32 @!p1 $0x0, s17;
	s17 =	smov.u32 s10;
	s10 =	smov.u32 s13  }
0x3b: {  	s13 =	smov.u32 s20;
	s14 =	smov.u32 s21;
	[sflag:s23] =	ssyncset.done @!p1 $0x0  }
0x3c: {  	s16 =	sadd.s32 $0x1, s16;
	[sflag:s23] =	ssyncadd.s32 @!p1 s24;
	s15 =	smov.u32 s22  }
.LBB1_1:
0x3d: {  	p1 =	sge.u32 s16, s6  }
0x3e: {  	s20 =	sshll.u32 @!p1 s14, $0xA  }
0x3f: {  	s21 =	sshll.u32 @!p1 s13, $0x3;
	s20 =	sand.u32 @!p1 $0xFFFFE000, s20  }
0x40: {  	s20 =	sadd.s32 @!p1 s20, s21  }
0x41: {  	s20 =	sshrl.u32 @!p1 s20, $0xA  }
0x42: {  	s21 =	smulhi.u32 @!p1 $0x147AE15, s20  }
0x43: {  	s22 =	sshll.u32 @!p1 s14, $0x7;
	s24 =	smul.u32 @!p1 $0x6400, s15  }
0x44: {  	s23 =	sand.u32 @!p1 $0x78, s13;
	s22 =	sand.u32 @!p1 $0x380, s22;
	s21 =	smul.u32 @!p1 $0xC8, s21  }
0x45: {  	s31 =	sadd.s32 $0xFFFFFFFF, s16;
	s22 =	sor.u32 @!p1 s23, s22;
	s23 =	sadd.s32 @!p1 s4, s24  }
0x46: {  	s22 =	sshrl.u32 @!p1 s22, $0x3;
	s20 =	ssub.s32 @!p1 s20, s21;
	s21 =	sxor.u32 @!p1 $0xFFFFFFFF, s16  }
0x47: {  	s22 =	sadd.s32 @!p1 s22, s23;
	s23 =	sand.u32 @!p1 $0x7, s13;
	s21 =	sshll.u32 @!p1 s21, $0xE  }
0x48: {  	s23 =	sshll.u32 @!p1 s23, $0x12;
	s20 =	sshll.u32 @!p1 s20, $0x7;
	s21 =	sand.u32 @!p1 $0x4000, s21  }
0x49: {  	s20 =	sadd.s32 @!p1 s20, s22;
	s22 =	sor.u32 @!p1 $0x80, s23;
	s23 =	simm.s32 @!p1 $0x32000  }
0x4a: {  	[tilespmem:s21], [sflag:$0x1] =	stream.strided.gather @!p1 [hbm4b:s20+s22], $0x4000, s23, s22, $0x38;
	[tilespmem:$0x10100] =	vst v63  }
0x4b: {  	p1 =	sge.u32 s31, s6  }
.Ltmp2:
0x4c: {  	_ = 	snop;
	(pc) =	sbr.rel @p1 .LBB1_5-.Ltmp2, $1  }
0x4d: {  	_ =	sdelay $0x3  }
0x4e: {  	s20 =	simm.s32 $0x1  }
0x4f: {  	_ =	swait.ge [sflag:s5], $0x4000;
	s20 =	simm.s32 @!p0 $0x0  }
0x50: {  	[sflag:s5] =	ssyncset.done $0x0;
	s21 =	sshll.u32 s20, $0xE  }
0x51: {  	[sflag:s5] =	ssyncadd.s32 $0xFFFFC000;
	s21 =	sor.u32 $0x40, s21  }
0x52: {  	s20 =	smul.u32 $0x10200, s20;
	v0 =	vld [tilespmem:s21+$0x30]  }
0x53: {  	v1 =	vld [tilespmem:s21+$0xFFFFFFD0]  }
0x54: {  	s20 =	sshrl.u32 s20, $0x2;
	v5 =	vld [tilespmem:s21+$0xFFFFFFE0]  }
0x55: {  	v6 =	vld [tilespmem:s21+$0xFFFFFFF0];
	s23 =	sor.u32 $0x8000, s20  }
0x56: {  	s31 =	sand.u32 $0x1, s16;
	v4 =	vld [tilespmem:s21+$0x0];
	s22 =	sadd.s32 $0x0, s23  }
0x57: {  	v3 =	vld [tilespmem:s21+$0x10];
	s20 =	smul.u32 $0x10200, s31;
	[tilespmem:s22+$0x3870 ss:$0x81] =	vst.msk $0xffff, v0  }
0x58: {  	v2 =	vld [tilespmem:s21+$0x20];
	[tilespmem:s22+$0x810 ss:$0x81] =	vst.msk $0xffff, v1  }
0x59: {  	s20 =	sshrl.u32 s20, $0x2;
	v1 =	vld [tilespmem:s21+$0xFFFFFFC0];
	[tilespmem:s22+$0x1020 ss:$0x81] =	vst.msk $0xffff, v5;
	s21 =	sadd.s32 $0x80, s21  }
0x5a: {  	s24 =	simm.s32 $0x4;
	s25 =	simm.s32 $0x8;
	s20 =	sor.u32 $0x8000, s20;
	[tilespmem:s22+$0x1830 ss:$0x81] =	vst.msk $0xffff, v6;
	v0 =	vld [tilespmem:s21+$0x30]  }
.LBB1_3:
0x5b: {  	p1 =	sne.s32 s25, $0x1FC;
	v5 =	vld [tilespmem:s21+$0xFFFFFFD0];
	[tilespmem:s22+$0x2040 ss:$0x81] =	vst.msk $0xffff, v4  }
0x5c: {  	v6 =	vld [tilespmem:s21+$0xFFFFFFE0];
	[tilespmem:s22+$0x2850 ss:$0x81] =	vst.msk $0xffff, v3  }
0x5d: {  	s26 =	sshra.s32 s24, $0x2;
	s24 =	smov.u32 s25;
	v7 =	vld [tilespmem:s21+$0xFFFFFFF0];
	[tilespmem:s22+$0x3060 ss:$0x81] =	vst.msk $0xffff, v2  }
.Ltmp3:
0x5e: {  	v4 =	vld [tilespmem:s21+$0x0];
	[tilespmem:s22+$0x0 ss:$0x81] =	vst.msk $0xffff, v1;
	s22 =	sadd.s32 s26, s23;
	(pc) =	sbr.rel @p1 .LBB1_3-.Ltmp3, $4  }
0x5f: {  	v3 =	vld [tilespmem:s21+$0x10];
	[tilespmem:s22+$0x3870 ss:$0x81] =	vst.msk $0xffff, v0  }
0x60: {  	[tilespmem:s22+$0x810 ss:$0x81] =	vst.msk $0xffff, v5;
	v2 =	vld [tilespmem:s21+$0x20]  }
0x61: {  	v1 =	vld [tilespmem:s21+$0xFFFFFFC0];
	[tilespmem:s22+$0x1020 ss:$0x81] =	vst.msk $0xffff, v6;
	s21 =	sadd.s32 $0x80, s21  }
0x62: {  	s25 =	sadd.s32 $0x4, s25;
	v0 =	vld [tilespmem:s21+$0x30];
	[tilespmem:s22+$0x1830 ss:$0x81] =	vst.msk $0xffff, v7  }
.Ltmp4:
0x63: {  	_ = 	snop;
	(pc) =	sbr.rel .LBB1_4-.Ltmp4, $1  }
0x64: {  	_ =	sdelay $0x3  }
.LBB1_6:
0x65: {  	_ =	sfence.sel $0x180000  }
0x66: {  	s2 =	simm.s32 $0x1;
	[bflag:$0x0] =	sbarrier.arrive $0xFFFF  }
0x67: {  	s31 =	simm.s32 $0x2;
	[sflag:s2] =	ssyncpa.u1 $0x1  }
0x68: {  	[sflag:s31] =	ssyncpa.u1 $0x1  }
0x69: {  	p0 =	sne.s32 s0, $0x0;
	_ =	strace $0x9000004A  }
0x6a: {  	s0 =	sadd.s32 @!p0 $0x100000, s1;
	[bflag:$0x2] =	sbarrier.arrive $0xFFFF  }
0x6b: {  	[sflag:s0] =	ssyncadd.tile.s32 @!p0 $0x1;
	_ =	shalt  }
.Lfunc_end1:
_tile_overlayer_lowered:
.L_overlay_start_2:
0x6c: {  	(tag) =	ssettag $0x2  }
0x6d: {  	s0 =	rddreg [dreg:$0x0];
	s2 =	stileid.u32  }
0x6e: {  	s1 =	rddreg [dreg:$0x1];
	p0 =	sne.s32 s2, $0x0  }
0x6f: {  	s3 =	rddreg [dreg:$0x2];
	[bflag:$0x3] =	sbarrier.arrive $0xFFFF;
	s2 =	simm.s32 @!p0 $0x1C01  }
0x70: {  	[timem:s3], [sflag:s2] =	dma.local @!p0 [hbm:s0], s1  }
0x71: {  	s0 =	simm.s32 @!p0 $0x1  }
0x72: {  	_ =	swait.ge @!p0 [sflag:s0], s1  }
0x73: {  	s1 =	ssub.s32 @!p0 $0x0, s1;
	[sflag:s0] =	ssyncset.done @!p0 $0x0  }
0x74: {  	[sflag:s0] =	ssyncadd.s32 @!p0 s1  }
0x75: {  	[bflag:$0x3] =	sbarrier.arrive $0xFFFF  }
0x76: {  	_ =	shalt  }

</sc_bundles>
